<compile_context>
chip_gen: v7x
topology: tpu7x:2x2x1
jax: 0.10.2.dev20260603
libtpu: 0.0.44.dev20260713+nightly
codegen_flags: <defaults>
</compile_context>

<pallas_src>
import functools

import jax
import jax.numpy as jnp
from jax import lax
from jax.experimental import pallas as pl
from jax.experimental.pallas import tpu as pltpu
from jax.experimental.pallas import tpu_sc as plsc

_NUM_USERS = 100000
_NUM_ROWS = 1100000
_LATENT_DIM = 64
_BATCH = 16384
_ITEM_IDX_OFFSET = _NUM_USERS

_NC = 2
_NS = 16
_NW = _NC * _NS
_NT = 2 * _BATCH
_TPW = _NT // _NW
_NG = _TPW // 16
_CW = 768
_TAIL_START = (_NUM_ROWS // 128) * 128
_TAIL_ROWS = _NUM_ROWS - _TAIL_START
_BIG = 2**31 - 1

_mesh = plsc.VectorSubcoreMesh(core_axis_name="c", subcore_axis_name="s")


@functools.partial(
    pl.kernel,
    mesh=_mesh,
    out_type=jax.ShapeDtypeStruct((_NT, 128), jnp.float32),
    scratch_types=[
        pltpu.VMEM((_TPW,), jnp.int32),
        pltpu.VMEM((_TPW,), jnp.int32),
        pltpu.VMEM((2, _LATENT_DIM, _CW), jnp.float32),
        pltpu.VMEM((4, 16, 128), jnp.float32),
        pltpu.VMEM((_TAIL_ROWS // 2, 128), jnp.float32),
        pltpu.SemaphoreType.DMA,
        pltpu.SemaphoreType.DMA,
    ],
    compiler_params=pltpu.CompilerParams(
        use_tc_tiling_on_sc=True, needs_layout_passes=False),
)
def _gather_sorted(sidx_hbm, ord_hbm, tblt_hbm, tail_hbm, g_out,
                   sidx_v, ord_v, chunk, srcbuf, tail_v, sem_ld, sem_sc):
    wid = lax.axis_index("s") * _NC + lax.axis_index("c")
    t0 = wid * _TPW

    pltpu.sync_copy(sidx_hbm.at[pl.ds(t0, _TPW)], sidx_v)
    pltpu.sync_copy(ord_hbm.at[pl.ds(t0, _TPW)], ord_v)
    pltpu.sync_copy(tail_hbm, tail_v)

    lanes = lax.iota(jnp.int32, 16)
    zeros16 = jnp.zeros((16,), jnp.int32)

    def fire_loads(p, base):
        b = pl.multiple_of(base, 128)
        pltpu.async_copy(
            tblt_hbm.at[:, pl.ds(b, _CW)], chunk.at[p], sem_ld)

    def wait_loads():
        pltpu.make_async_copy(
            tblt_hbm.at[:, pl.ds(0, _CW)], chunk.at[0], sem_ld).wait()

    def ring_fire(g, jv):
        @pl.when(g >= 3)
        def _():
            pltpu.make_async_copy(
                g_out.at[pl.ds(0, 16), :], srcbuf.at[0], sem_sc).wait()
        pltpu.async_copy(srcbuf.at[g & 3], g_out.at[jv], sem_sc)

    def group_vecs(g):
        gi = jnp.minimum(g, _NG - 1)
        iv = sidx_v[pl.ds(gi * 16, 16)]
        jv = ord_v[pl.ds(gi * 16, 16)]
        return gi, iv, jv

    def main_phase(carry0):
        def outer_cond(c):
            gcur, umin, _, _ = c
            return (gcur < _NG) & (umin < _TAIL_START)

        def outer_body(c):
            gcur, umin, base, r = c
            p = r & 1
            wait_loads()
            chunk_p = chunk.at[p]

            def inner_cond(c2):
                _, cmin = c2
                return cmin < base + _CW

            def inner_body(c2):
                g, _ = c2
                gi, iv, jv = group_vecs(g)
                inm = (iv >= base) & (iv < base + _CW)
                colc = jnp.clip(iv - base, 0, _CW - 1)
                slab = srcbuf.at[gi & 3]
                for cc in range(_LATENT_DIM):
                    val = plsc.load_gather(
                        chunk_p, [cc + zeros16, colc], mask=inm)
                    plsc.store_scatter(
                        slab, [lanes, cc + zeros16], val, mask=inm)
                maxiv = jnp.sum(jnp.where(lanes == 15, iv, 0))
                complete = maxiv < base + _CW

                @pl.when(complete)
                def _():
                    ring_fire(gi, jv)

                ng = g + complete.astype(jnp.int32)
                _, nvec, _ = group_vecs(ng)
                thresh = jnp.where(complete, -_BIG, base + _CW)
                cmin = jnp.min(jnp.where(nvec >= thresh, nvec, _BIG))
                cmin = jnp.where(ng >= _NG, _BIG, cmin)
                return ng, cmin

            gend, uend = lax.while_loop(
                inner_cond, inner_body, (gcur, umin))

            nactual = jnp.minimum((uend >> 7) << 7, _TAIL_START - _CW)

            @pl.when(nactual != jnp.minimum(base + _CW, _TAIL_START - _CW))
            def _():
                wait_loads()
                fire_loads((r + 1) & 1, nactual)

            fire_loads(p, jnp.minimum(nactual + _CW, _TAIL_START - _CW))
            return gend, uend, nactual, r + 1

        return lax.while_loop(outer_cond, outer_body, carry0)

    def tail_phase(carry0):
        def cond(g):
            return g < _NG

        def body(g):
            gi, iv, jv = group_vecs(g)
            inm = iv >= _TAIL_START
            rr = jnp.clip(iv - _TAIL_START, 0, _TAIL_ROWS - 1)
            prow = rr >> 1
            cbase = (rr & 1) << 6
            slab = srcbuf.at[gi & 3]
            for cc in range(_LATENT_DIM):
                val = plsc.load_gather(
                    tail_v, [prow, cbase + cc], mask=inm)
                plsc.store_scatter(
                    slab, [lanes, cc + zeros16], val, mask=inm)
            ring_fire(gi, jv)
            return g + 1

        return lax.while_loop(cond, body, carry0)

    umin0 = jnp.min(sidx_v[pl.ds(0, 16)])
    b0 = jnp.minimum((umin0 >> 7) << 7, _TAIL_START - _CW)
    fire_loads(0, b0)
    fire_loads(1, jnp.minimum(b0 + _CW, _TAIL_START - _CW))

    gcur, _, _, _ = main_phase((jnp.int32(0), umin0, b0, jnp.int32(0)))
    tail_phase(gcur)

    for _ in range(2):
        wait_loads()
    for _ in range(3):
        pltpu.make_async_copy(
            g_out.at[pl.ds(0, 16), :], srcbuf.at[0], sem_sc).wait()


def kernel(uids, iids, embedding):
    ui = uids.astype(jnp.int32)
    ii = iids.astype(jnp.int32) + _ITEM_IDX_OFFSET
    allidx = jnp.concatenate([ui, ii])
    sidx, order = lax.sort_key_val(
        allidx, jnp.arange(_NT, dtype=jnp.int32))
    tail2 = embedding[_TAIL_START:, :].reshape(_TAIL_ROWS // 2, 128)
    g = _gather_sorted(sidx, order, embedding.T, tail2)
    return (g[:_BATCH, :_LATENT_DIM], g[_BATCH:, :_LATENT_DIM])

# --- scband reference (transcript-rebuilt; emitter-appended) ---
"""Pipeline reference for scband-basic-rec-sys-59605556133947 (READ-ONLY COPY).

The authoritative reference and input builder live on the scoring server;
editing this copy changes nothing except your own understanding.
"""

import jax, jax.numpy as jnp
import numpy as np

NUM_USERS = 100000
NUM_ITEMS = 1000000
FEATURE_NUM = NUM_USERS + NUM_ITEMS
LATENT_DIM = 64
BATCH = 16384
ITEM_IDX_OFFSET = NUM_USERS  # field_dims[0]


def setup_inputs(seed: int = 0) -> dict:
    key = jax.random.key(seed)
    k1, k2, k3 = jax.random.split(key, 3)
    uids = jax.random.randint(k1, (BATCH,), 0, NUM_USERS, dtype=jnp.int64 if jax.config.read('jax_enable_x64') else jnp.int32)
    iids = jax.random.randint(k2, (BATCH,), 0, NUM_ITEMS, dtype=jnp.int64 if jax.config.read('jax_enable_x64') else jnp.int32)
    embedding = jax.random.normal(k3, (FEATURE_NUM, LATENT_DIM), dtype=jnp.float32) * 0.01
    return {"uids": uids, "iids": iids, "embedding": embedding}


def reference(uids, iids, embedding):
    # user_embs = self.embedding(uids)
    user_embs = jnp.take(embedding, uids, axis=0)
    # item_embs = self.embedding(iids + self.item_idx_offset)
    item_embs = jnp.take(embedding, iids + ITEM_IDX_OFFSET, axis=0)
    return (user_embs, item_embs)

if __name__ == "__main__":
    import jax
    _d = setup_inputs()
    print(jax.jit(kernel)(*tuple(_d.values())))

</pallas_src>

<mosaic_0001>
#map = affine_map<(d0, d1) -> (0)>
#map1 = affine_map<(d0, d1) -> (0, 0)>
module attributes {stable_mosaic.version = 14 : i64} {
  func.func @_gather_sorted(%arg0: i32, %arg1: i32, %arg2: memref<32768xi32, #tpu.memory_space<hbm>>, %arg3: memref<32768xi32, #tpu.memory_space<hbm>>, %arg4: memref<64x1100000xf32, #tpu.memory_space<hbm>>, %arg5: memref<48x128xf32, #tpu.memory_space<hbm>>, %arg6: memref<32768x128xf32, #tpu.memory_space<hbm>>, %arg7: memref<1024xi32, #tpu.memory_space<vmem>>, %arg8: memref<1024xi32, #tpu.memory_space<vmem>>, %arg9: memref<2x64x768xf32, #tpu.memory_space<vmem>>, %arg10: memref<4x16x128xf32, #tpu.memory_space<vmem>>, %arg11: memref<48x128xf32, #tpu.memory_space<vmem>>, %arg12: memref<!tpu.dma_semaphore, #tpu.memory_space<semaphore_mem>>, %arg13: memref<!tpu.dma_semaphore, #tpu.memory_space<semaphore_mem>>) attributes {dimension_semantics = [#tpu.dimension_semantics<core_parallel>, #tpu.dimension_semantics<subcore_parallel>], iteration_bounds = array<i64: 2, 16>, scalar_prefetch = 0 : i64, scratch_operands = 7 : i64, tpu.core_type = #tpu.core_type<sc_vector_subcore>, window_params = [{transform_indices = #map}, {transform_indices = #map}, {transform_indices = #map1}, {transform_indices = #map1}, {transform_indices = #map1}]} {
    %mul3A = arith.constant 2 : i32
    %mul3A_0 = arith.muli %arg1, %mul3A : i32
    %add3A = arith.addi %mul3A_0, %arg0 : i32
    %mul3A_1 = arith.constant 1024 : i32
    %mul3A_2 = arith.muli %add3A, %mul3A_1 : i32
    "tpu.region"() ({
      %run_scoped3A = tpu.sem_alloc : memref<!tpu.dma_semaphore, #tpu.memory_space<semaphore_mem>>
      %dma_start3A_122 = tpu.memref_slice %arg2[%mul3A_2] : memref<32768xi32, #tpu.memory_space<hbm>> -> memref<1024xi32, #tpu.memory_space<hbm>>
      %dma_start3A_123 = tpu.memref_slice %arg2[%mul3A_2] : memref<32768xi32, #tpu.memory_space<hbm>> -> memref<1024xi32, #tpu.memory_space<hbm>>
      tpu.enqueue_dma source(%dma_start3A_123 : memref<1024xi32, #tpu.memory_space<hbm>>) target(%arg7 : memref<1024xi32, #tpu.memory_space<vmem>>) target_semaphore(%run_scoped3A : memref<!tpu.dma_semaphore, #tpu.memory_space<semaphore_mem>>)
      %dma_wait3A_124 = tpu.memref_slice %arg2[%mul3A_2] : memref<32768xi32, #tpu.memory_space<hbm>> -> memref<1024xi32, #tpu.memory_space<hbm>>
      %dma_wait3A_125 = tpu.memref_slice %arg2[%mul3A_2] : memref<32768xi32, #tpu.memory_space<hbm>> -> memref<1024xi32, #tpu.memory_space<hbm>>
      tpu.wait_dma2 semaphore(%run_scoped3A : memref<!tpu.dma_semaphore, #tpu.memory_space<semaphore_mem>>) src(%dma_wait3A_125 : memref<1024xi32, #tpu.memory_space<hbm>>) dst(%arg7 : memref<1024xi32, #tpu.memory_space<vmem>>)
      tpu.yield
    }) : () -> ()
    "tpu.region"() ({
      %run_scoped3A = tpu.sem_alloc : memref<!tpu.dma_semaphore, #tpu.memory_space<semaphore_mem>>
      %dma_start3A_122 = tpu.memref_slice %arg3[%mul3A_2] : memref<32768xi32, #tpu.memory_space<hbm>> -> memref<1024xi32, #tpu.memory_space<hbm>>
      %dma_start3A_123 = tpu.memref_slice %arg3[%mul3A_2] : memref<32768xi32, #tpu.memory_space<hbm>> -> memref<1024xi32, #tpu.memory_space<hbm>>
      tpu.enqueue_dma source(%dma_start3A_123 : memref<1024xi32, #tpu.memory_space<hbm>>) target(%arg8 : memref<1024xi32, #tpu.memory_space<vmem>>) target_semaphore(%run_scoped3A : memref<!tpu.dma_semaphore, #tpu.memory_space<semaphore_mem>>)
      %dma_wait3A_124 = tpu.memref_slice %arg3[%mul3A_2] : memref<32768xi32, #tpu.memory_space<hbm>> -> memref<1024xi32, #tpu.memory_space<hbm>>
      %dma_wait3A_125 = tpu.memref_slice %arg3[%mul3A_2] : memref<32768xi32, #tpu.memory_space<hbm>> -> memref<1024xi32, #tpu.memory_space<hbm>>
      tpu.wait_dma2 semaphore(%run_scoped3A : memref<!tpu.dma_semaphore, #tpu.memory_space<semaphore_mem>>) src(%dma_wait3A_125 : memref<1024xi32, #tpu.memory_space<hbm>>) dst(%arg8 : memref<1024xi32, #tpu.memory_space<vmem>>)
      tpu.yield
    }) : () -> ()
    "tpu.region"() ({
      %run_scoped3A = tpu.sem_alloc : memref<!tpu.dma_semaphore, #tpu.memory_space<semaphore_mem>>
      tpu.enqueue_dma source(%arg5 : memref<48x128xf32, #tpu.memory_space<hbm>>) target(%arg11 : memref<48x128xf32, #tpu.memory_space<vmem>>) target_semaphore(%run_scoped3A : memref<!tpu.dma_semaphore, #tpu.memory_space<semaphore_mem>>)
      tpu.wait_dma2 semaphore(%run_scoped3A : memref<!tpu.dma_semaphore, #tpu.memory_space<semaphore_mem>>) src(%arg5 : memref<48x128xf32, #tpu.memory_space<hbm>>) dst(%arg11 : memref<48x128xf32, #tpu.memory_space<vmem>>)
      tpu.yield
    }) : () -> ()
    %iota3A = tpu.iota {dimensions = array<i32: 0>} : vector<16xi32>
    %broadcast_in_dim3A = arith.constant 0 : i32
    %broadcast_in_dim3A_3 = vector.broadcast %broadcast_in_dim3A : i32 to vector<16xi32>
    %get3A = arith.constant 0 : index
    %get3A_4 = tpu.vector_load %arg7[%get3A] {strides = array<i32>} : memref<1024xi32, #tpu.memory_space<vmem>>, vector<16xi32>,
    %reduce_min3A = arith.constant true
    %reduce_min3A_5 = vector.broadcast %reduce_min3A : i1 to vector<16xi1>
    %reduce_min3A_6 = arith.constant -2147483648 : i32
    %reduce_min3A_7 = vector.broadcast %reduce_min3A_6 : i32 to vector<16xi32>
    %reduce_min3A_8 = arith.xori %get3A_4, %reduce_min3A_7 : vector<16xi32>
    %reduce_min3A_9 = tpu.scan <min>, %reduce_min3A_8 masked %reduce_min3A_5 : vector<16xi32>, vector<16xi1> -> vector<16xi32>
    %reduce_min3A_10 = arith.xori %reduce_min3A_9, %reduce_min3A_7 : vector<16xi32>
    %reduce_min3A_11 = vector.extract %reduce_min3A_10[15] : i32 from vector<16xi32>
    %shift_right_arithmetic3A = arith.constant 7 : i32
    %shift_right_arithmetic3A_12 = arith.shrsi %reduce_min3A_11, %shift_right_arithmetic3A : i32
    %shift_left3A = arith.constant 7 : i32
    %shift_left3A_13 = arith.shli %shift_right_arithmetic3A_12, %shift_left3A : i32
    %min3A = arith.constant 1099136 : i32
    %min3A_14 = arith.minsi %shift_left3A_13, %min3A : i32
    %multiple_of3A = tpu.assume_multiple %min3A_14, 128 : i32
    %dma_start3A = arith.constant 0 : i32
    %dma_start3A_15 = arith.constant 0 : i32
    %dma_start3A_16 = arith.constant 0 : i32
    %dma_start3A_17 = tpu.memref_slice %arg9[%dma_start3A, %dma_start3A_15, %dma_start3A_16] : memref<2x64x768xf32, #tpu.memory_space<vmem>> -> memref<1x64x768xf32, #tpu.memory_space<vmem>>
    %dma_start3A_18 = tpu.memref_squeeze %dma_start3A_17 : memref<1x64x768xf32, #tpu.memory_space<vmem>> -> memref<64x768xf32, #tpu.memory_space<vmem>>
    %dma_start3A_19 = arith.constant 0 : i32
    %dma_start3A_20 = tpu.memref_slice %arg4[%dma_start3A_19, %multiple_of3A] : memref<64x1100000xf32, #tpu.memory_space<hbm>> -> memref<64x768xf32, #tpu.memory_space<hbm>>
    %dma_start3A_21 = arith.constant 0 : i32
    %dma_start3A_22 = arith.constant 0 : i32
    %dma_start3A_23 = tpu.memref_slice %arg9[%dma_start3A, %dma_start3A_21, %dma_start3A_22] : memref<2x64x768xf32, #tpu.memory_space<vmem>> -> memref<1x64x768xf32, #tpu.memory_space<vmem>>
    %dma_start3A_24 = tpu.memref_squeeze %dma_start3A_23 : memref<1x64x768xf32, #tpu.memory_space<vmem>> -> memref<64x768xf32, #tpu.memory_space<vmem>>
    %dma_start3A_25 = arith.constant 0 : i32
    %dma_start3A_26 = tpu.memref_slice %arg4[%dma_start3A_25, %multiple_of3A] : memref<64x1100000xf32, #tpu.memory_space<hbm>> -> memref<64x768xf32, #tpu.memory_space<hbm>>
    tpu.enqueue_dma source(%dma_start3A_26 : memref<64x768xf32, #tpu.memory_space<hbm>>) target(%dma_start3A_24 : memref<64x768xf32, #tpu.memory_space<vmem>>) target_semaphore(%arg12 : memref<!tpu.dma_semaphore, #tpu.memory_space<semaphore_mem>>)
    %add3A_27 = arith.constant 768 : i32
    %add3A_28 = arith.addi %min3A_14, %add3A_27 : i32
    %min3A_29 = arith.constant 1099136 : i32
    %min3A_30 = arith.minsi %add3A_28, %min3A_29 : i32
    %multiple_of3A_31 = tpu.assume_multiple %min3A_30, 128 : i32
    %dma_start3A_32 = arith.constant 1 : i32
    %dma_start3A_33 = arith.constant 0 : i32
    %dma_start3A_34 = arith.constant 0 : i32
    %dma_start3A_35 = tpu.memref_slice %arg9[%dma_start3A_32, %dma_start3A_33, %dma_start3A_34] : memref<2x64x768xf32, #tpu.memory_space<vmem>> -> memref<1x64x768xf32, #tpu.memory_space<vmem>>
    %dma_start3A_36 = tpu.memref_squeeze %dma_start3A_35 : memref<1x64x768xf32, #tpu.memory_space<vmem>> -> memref<64x768xf32, #tpu.memory_space<vmem>>
    %dma_start3A_37 = arith.constant 0 : i32
    %dma_start3A_38 = tpu.memref_slice %arg4[%dma_start3A_37, %multiple_of3A_31] : memref<64x1100000xf32, #tpu.memory_space<hbm>> -> memref<64x768xf32, #tpu.memory_space<hbm>>
    %dma_start3A_39 = arith.constant 0 : i32
    %dma_start3A_40 = arith.constant 0 : i32
    %dma_start3A_41 = tpu.memref_slice %arg9[%dma_start3A_32, %dma_start3A_39, %dma_start3A_40] : memref<2x64x768xf32, #tpu.memory_space<vmem>> -> memref<1x64x768xf32, #tpu.memory_space<vmem>>
    %dma_start3A_42 = tpu.memref_squeeze %dma_start3A_41 : memref<1x64x768xf32, #tpu.memory_space<vmem>> -> memref<64x768xf32, #tpu.memory_space<vmem>>
    %dma_start3A_43 = arith.constant 0 : i32
    %dma_start3A_44 = tpu.memref_slice %arg4[%dma_start3A_43, %multiple_of3A_31] : memref<64x1100000xf32, #tpu.memory_space<hbm>> -> memref<64x768xf32, #tpu.memory_space<hbm>>
    tpu.enqueue_dma source(%dma_start3A_44 : memref<64x768xf32, #tpu.memory_space<hbm>>) target(%dma_start3A_42 : memref<64x768xf32, #tpu.memory_space<vmem>>) target_semaphore(%arg12 : memref<!tpu.dma_semaphore, #tpu.memory_space<semaphore_mem>>)
    %while3A = arith.constant 0 : i32
    %while3A_45 = arith.constant 0 : i32
    %while3A_46:4 = scf.while (%while3A_122 = %while3A, %while3A_123 = %reduce_min3A_11, %while3A_124 = %min3A_14, %while3A_125 = %while3A_45) : (i32, i32, i32, i32) -> (i32, i32, i32, i32) {
      %lt3A = arith.constant 64 : i32
      %lt3A_126 = arith.cmpi slt, %while3A_122, %lt3A : i32
      %lt3A_127 = arith.constant 1099904 : i32
      %lt3A_128 = arith.cmpi slt, %while3A_123, %lt3A_127 : i32
      %and3A = arith.andi %lt3A_126, %lt3A_128 : i1
      scf.condition(%and3A) %while3A_122, %while3A_123, %while3A_124, %while3A_125 : i32, i32, i32, i32
    } do {
    ^bb0(%while3A_122: i32, %while3A_123: i32, %while3A_124: i32, %while3A_125: i32):
      %and3A = arith.constant 1 : i32
      %and3A_126 = arith.andi %while3A_125, %and3A : i32
      %dma_wait3A_127 = arith.constant 0 : i32
      %dma_wait3A_128 = arith.constant 0 : i32
      %dma_wait3A_129 = arith.constant 0 : i32
      %dma_wait3A_130 = tpu.memref_slice %arg9[%dma_wait3A_127, %dma_wait3A_128, %dma_wait3A_129] : memref<2x64x768xf32, #tpu.memory_space<vmem>> -> memref<1x64x768xf32, #tpu.memory_space<vmem>>
      %dma_wait3A_131 = tpu.memref_squeeze %dma_wait3A_130 : memref<1x64x768xf32, #tpu.memory_space<vmem>> -> memref<64x768xf32, #tpu.memory_space<vmem>>
      %dma_wait3A_132 = arith.constant 0 : i32
      %dma_wait3A_133 = arith.constant 0 : i32
      %dma_wait3A_134 = tpu.memref_slice %arg4[%dma_wait3A_132, %dma_wait3A_133] : memref<64x1100000xf32, #tpu.memory_space<hbm>> -> memref<64x768xf32, #tpu.memory_space<hbm>>
      %dma_wait3A_135 = arith.constant 0 : i32
      %dma_wait3A_136 = arith.constant 0 : i32
      %dma_wait3A_137 = tpu.memref_slice %arg9[%dma_wait3A_127, %dma_wait3A_135, %dma_wait3A_136] : memref<2x64x768xf32, #tpu.memory_space<vmem>> -> memref<1x64x768xf32, #tpu.memory_space<vmem>>
      %dma_wait3A_138 = tpu.memref_squeeze %dma_wait3A_137 : memref<1x64x768xf32, #tpu.memory_space<vmem>> -> memref<64x768xf32, #tpu.memory_space<vmem>>
      %dma_wait3A_139 = arith.constant 0 : i32
      %dma_wait3A_140 = arith.constant 0 : i32
      %dma_wait3A_141 = tpu.memref_slice %arg4[%dma_wait3A_139, %dma_wait3A_140] : memref<64x1100000xf32, #tpu.memory_space<hbm>> -> memref<64x768xf32, #tpu.memory_space<hbm>>
      tpu.wait_dma2 semaphore(%arg12 : memref<!tpu.dma_semaphore, #tpu.memory_space<semaphore_mem>>) src(%dma_wait3A_141 : memref<64x768xf32, #tpu.memory_space<hbm>>) dst(%dma_wait3A_138 : memref<64x768xf32, #tpu.memory_space<vmem>>)
      %while3A_142:2 = scf.while (%while3A_173 = %while3A_122, %while3A_174 = %while3A_123) : (i32, i32) -> (i32, i32) {
        %add3A_175 = arith.constant 768 : i32
        %add3A_176 = arith.addi %while3A_124, %add3A_175 : i32
        %lt3A = arith.cmpi slt, %while3A_174, %add3A_176 : i32
        scf.condition(%lt3A) %while3A_173, %while3A_174 : i32, i32
      } do {
      ^bb0(%while3A_173: i32, %while3A_174: i32):
        %min3A_175 = arith.constant 63 : i32
        %min3A_176 = arith.minsi %while3A_173, %min3A_175 : i32
        %mul3A_177 = arith.constant 16 : i32
        %mul3A_178 = arith.muli %min3A_176, %mul3A_177 : i32
        %get3A_179 = arith.index_cast %mul3A_178 : i32 to index
        %get3A_180 = tpu.vector_load %arg7[%get3A_179] {strides = array<i32>} : memref<1024xi32, #tpu.memory_space<vmem>>, vector<16xi32>,
        %mul3A_181 = arith.constant 16 : i32
        %mul3A_182 = arith.muli %min3A_176, %mul3A_181 : i32
        %get3A_183 = arith.index_cast %mul3A_182 : i32 to index
        %get3A_184 = tpu.vector_load %arg8[%get3A_183] {strides = array<i32>} : memref<1024xi32, #tpu.memory_space<vmem>>, vector<16xi32>,
        %ge3A = vector.broadcast %while3A_124 : i32 to vector<16xi32>
        %ge3A_185 = arith.cmpi sge, %get3A_180, %ge3A : vector<16xi32>
        %add3A_186 = arith.constant 768 : i32
        %add3A_187 = arith.addi %while3A_124, %add3A_186 : i32
        %lt3A = vector.broadcast %add3A_187 : i32 to vector<16xi32>
        %lt3A_188 = arith.cmpi slt, %get3A_180, %lt3A : vector<16xi32>
        %and3A_189 = arith.andi %ge3A_185, %lt3A_188 : vector<16xi1>
        %sub3A = vector.broadcast %while3A_124 : i32 to vector<16xi32>
        %sub3A_190 = arith.subi %get3A_180, %sub3A : vector<16xi32>
        %jit3A = arith.constant 0 : i32
        %jit3A_191 = arith.constant 767 : i32
        %max3A = vector.broadcast %jit3A : i32 to vector<16xi32>
        %max3A_192 = arith.maxsi %max3A, %sub3A_190 : vector<16xi32>
        %min3A_193 = vector.broadcast %jit3A_191 : i32 to vector<16xi32>
        %min3A_194 = arith.minsi %min3A_193, %max3A_192 : vector<16xi32>
        %and3A_195 = arith.constant 3 : i32
        %and3A_196 = arith.andi %min3A_176, %and3A_195 : i32
        %add3A_197 = arith.constant 0 : i32
        %add3A_198 = vector.broadcast %add3A_197 : i32 to vector<16xi32>
        %add3A_199 = arith.addi %add3A_198, %broadcast_in_dim3A_3 : vector<16xi32>
        %gather3A = arith.constant 0 : i32
        %gather3A_200 = arith.constant 0 : i32
        %gather3A_201 = tpu.memref_slice %arg9[%and3A_126, %gather3A, %gather3A_200] : memref<2x64x768xf32, #tpu.memory_space<vmem>> -> memref<1x64x768xf32, #tpu.memory_space<vmem>>
        %gather3A_202 = tpu.memref_squeeze %gather3A_201 : memref<1x64x768xf32, #tpu.memory_space<vmem>> -> memref<64x768xf32, #tpu.memory_space<vmem>>
        %gather3A_203 = tpu.vector_load_idx %gather3A_202[%add3A_199, %min3A_194] masked %and3A_189 : memref<64x768xf32, #tpu.memory_space<vmem>>[vector<16xi32>, vector<16xi32>], vector<16xf32>, vector<16xi1>
        %add3A_204 = arith.constant 0 : i32
        %add3A_205 = vector.broadcast %add3A_204 : i32 to vector<16xi32>
        %add3A_206 = arith.addi %add3A_205, %broadcast_in_dim3A_3 : vector<16xi32>
        %scatter3A = arith.constant 0 : i32
        %scatter3A_207 = arith.constant 0 : i32
        %scatter3A_208 = tpu.memref_slice %arg10[%and3A_196, %scatter3A, %scatter3A_207] : memref<4x16x128xf32, #tpu.memory_space<vmem>> -> memref<1x16x128xf32, #tpu.memory_space<vmem>>
        %scatter3A_209 = tpu.memref_squeeze %scatter3A_208 : memref<1x16x128xf32, #tpu.memory_space<vmem>> -> memref<16x128xf32, #tpu.memory_space<vmem>>
        tpu.vector_store_idx %scatter3A_209[%iota3A, %add3A_206], %gather3A_203 masked %and3A_189 : memref<16x128xf32, #tpu.memory_space<vmem>>[vector<16xi32>, vector<16xi32>], vector<16xf32>, vector<16xi1>
        %add3A_210 = arith.constant 1 : i32
        %add3A_211 = vector.broadcast %add3A_210 : i32 to vector<16xi32>
        %add3A_212 = arith.addi %add3A_211, %broadcast_in_dim3A_3 : vector<16xi32>
        %gather3A_213 = arith.constant 0 : i32
        %gather3A_214 = arith.constant 0 : i32
        %gather3A_215 = tpu.memref_slice %arg9[%and3A_126, %gather3A_213, %gather3A_214] : memref<2x64x768xf32, #tpu.memory_space<vmem>> -> memref<1x64x768xf32, #tpu.memory_space<vmem>>
        %gather3A_216 = tpu.memref_squeeze %gather3A_215 : memref<1x64x768xf32, #tpu.memory_space<vmem>> -> memref<64x768xf32, #tpu.memory_space<vmem>>
        %gather3A_217 = tpu.vector_load_idx %gather3A_216[%add3A_212, %min3A_194] masked %and3A_189 : memref<64x768xf32, #tpu.memory_space<vmem>>[vector<16xi32>, vector<16xi32>], vector<16xf32>, vector<16xi1>
        %add3A_218 = arith.constant 1 : i32
        %add3A_219 = vector.broadcast %add3A_218 : i32 to vector<16xi32>
        %add3A_220 = arith.addi %add3A_219, %broadcast_in_dim3A_3 : vector<16xi32>
        %scatter3A_221 = arith.constant 0 : i32
        %scatter3A_222 = arith.constant 0 : i32
        %scatter3A_223 = tpu.memref_slice %arg10[%and3A_196, %scatter3A_221, %scatter3A_222] : memref<4x16x128xf32, #tpu.memory_space<vmem>> -> memref<1x16x128xf32, #tpu.memory_space<vmem>>
        %scatter3A_224 = tpu.memref_squeeze %scatter3A_223 : memref<1x16x128xf32, #tpu.memory_space<vmem>> -> memref<16x128xf32, #tpu.memory_space<vmem>>
        tpu.vector_store_idx %scatter3A_224[%iota3A, %add3A_220], %gather3A_217 masked %and3A_189 : memref<16x128xf32, #tpu.memory_space<vmem>>[vector<16xi32>, vector<16xi32>], vector<16xf32>, vector<16xi1>
        %add3A_225 = arith.constant 2 : i32
        %add3A_226 = vector.broadcast %add3A_225 : i32 to vector<16xi32>
        %add3A_227 = arith.addi %add3A_226, %broadcast_in_dim3A_3 : vector<16xi32>
        %gather3A_228 = arith.constant 0 : i32
        %gather3A_229 = arith.constant 0 : i32
        %gather3A_230 = tpu.memref_slice %arg9[%and3A_126, %gather3A_228, %gather3A_229] : memref<2x64x768xf32, #tpu.memory_space<vmem>> -> memref<1x64x768xf32, #tpu.memory_space<vmem>>
        %gather3A_231 = tpu.memref_squeeze %gather3A_230 : memref<1x64x768xf32, #tpu.memory_space<vmem>> -> memref<64x768xf32, #tpu.memory_space<vmem>>
        %gather3A_232 = tpu.vector_load_idx %gather3A_231[%add3A_227, %min3A_194] masked %and3A_189 : memref<64x768xf32, #tpu.memory_space<vmem>>[vector<16xi32>, vector<16xi32>], vector<16xf32>, vector<16xi1>
        %add3A_233 = arith.constant 2 : i32
        %add3A_234 = vector.broadcast %add3A_233 : i32 to vector<16xi32>
        %add3A_235 = arith.addi %add3A_234, %broadcast_in_dim3A_3 : vector<16xi32>
        %scatter3A_236 = arith.constant 0 : i32
        %scatter3A_237 = arith.constant 0 : i32
        %scatter3A_238 = tpu.memref_slice %arg10[%and3A_196, %scatter3A_236, %scatter3A_237] : memref<4x16x128xf32, #tpu.memory_space<vmem>> -> memref<1x16x128xf32, #tpu.memory_space<vmem>>
        %scatter3A_239 = tpu.memref_squeeze %scatter3A_238 : memref<1x16x128xf32, #tpu.memory_space<vmem>> -> memref<16x128xf32, #tpu.memory_space<vmem>>
        tpu.vector_store_idx %scatter3A_239[%iota3A, %add3A_235], %gather3A_232 masked %and3A_189 : memref<16x128xf32, #tpu.memory_space<vmem>>[vector<16xi32>, vector<16xi32>], vector<16xf32>, vector<16xi1>
        %add3A_240 = arith.constant 3 : i32
        %add3A_241 = vector.broadcast %add3A_240 : i32 to vector<16xi32>
        %add3A_242 = arith.addi %add3A_241, %broadcast_in_dim3A_3 : vector<16xi32>
        %gather3A_243 = arith.constant 0 : i32
        %gather3A_244 = arith.constant 0 : i32
        %gather3A_245 = tpu.memref_slice %arg9[%and3A_126, %gather3A_243, %gather3A_244] : memref<2x64x768xf32, #tpu.memory_space<vmem>> -> memref<1x64x768xf32, #tpu.memory_space<vmem>>
        %gather3A_246 = tpu.memref_squeeze %gather3A_245 : memref<1x64x768xf32, #tpu.memory_space<vmem>> -> memref<64x768xf32, #tpu.memory_space<vmem>>
        %gather3A_247 = tpu.vector_load_idx %gather3A_246[%add3A_242, %min3A_194] masked %and3A_189 : memref<64x768xf32, #tpu.memory_space<vmem>>[vector<16xi32>, vector<16xi32>], vector<16xf32>, vector<16xi1>
        %add3A_248 = arith.constant 3 : i32
        %add3A_249 = vector.broadcast %add3A_248 : i32 to vector<16xi32>
        %add3A_250 = arith.addi %add3A_249, %broadcast_in_dim3A_3 : vector<16xi32>
        %scatter3A_251 = arith.constant 0 : i32
        %scatter3A_252 = arith.constant 0 : i32
        %scatter3A_253 = tpu.memref_slice %arg10[%and3A_196, %scatter3A_251, %scatter3A_252] : memref<4x16x128xf32, #tpu.memory_space<vmem>> -> memref<1x16x128xf32, #tpu.memory_space<vmem>>
        %scatter3A_254 = tpu.memref_squeeze %scatter3A_253 : memref<1x16x128xf32, #tpu.memory_space<vmem>> -> memref<16x128xf32, #tpu.memory_space<vmem>>
        tpu.vector_store_idx %scatter3A_254[%iota3A, %add3A_250], %gather3A_247 masked %and3A_189 : memref<16x128xf32, #tpu.memory_space<vmem>>[vector<16xi32>, vector<16xi32>], vector<16xf32>, vector<16xi1>
        %add3A_255 = arith.constant 4 : i32
        %add3A_256 = vector.broadcast %add3A_255 : i32 to vector<16xi32>
        %add3A_257 = arith.addi %add3A_256, %broadcast_in_dim3A_3 : vector<16xi32>
        %gather3A_258 = arith.constant 0 : i32
        %gather3A_259 = arith.constant 0 : i32
        %gather3A_260 = tpu.memref_slice %arg9[%and3A_126, %gather3A_258, %gather3A_259] : memref<2x64x768xf32, #tpu.memory_space<vmem>> -> memref<1x64x768xf32, #tpu.memory_space<vmem>>
        %gather3A_261 = tpu.memref_squeeze %gather3A_260 : memref<1x64x768xf32, #tpu.memory_space<vmem>> -> memref<64x768xf32, #tpu.memory_space<vmem>>
        %gather3A_262 = tpu.vector_load_idx %gather3A_261[%add3A_257, %min3A_194] masked %and3A_189 : memref<64x768xf32, #tpu.memory_space<vmem>>[vector<16xi32>, vector<16xi32>], vector<16xf32>, vector<16xi1>
        %add3A_263 = arith.constant 4 : i32
        %add3A_264 = vector.broadcast %add3A_263 : i32 to vector<16xi32>
        %add3A_265 = arith.addi %add3A_264, %broadcast_in_dim3A_3 : vector<16xi32>
        %scatter3A_266 = arith.constant 0 : i32
        %scatter3A_267 = arith.constant 0 : i32
        %scatter3A_268 = tpu.memref_slice %arg10[%and3A_196, %scatter3A_266, %scatter3A_267] : memref<4x16x128xf32, #tpu.memory_space<vmem>> -> memref<1x16x128xf32, #tpu.memory_space<vmem>>
        %scatter3A_269 = tpu.memref_squeeze %scatter3A_268 : memref<1x16x128xf32, #tpu.memory_space<vmem>> -> memref<16x128xf32, #tpu.memory_space<vmem>>
        tpu.vector_store_idx %scatter3A_269[%iota3A, %add3A_265], %gather3A_262 masked %and3A_189 : memref<16x128xf32, #tpu.memory_space<vmem>>[vector<16xi32>, vector<16xi32>], vector<16xf32>, vector<16xi1>
        %add3A_270 = arith.constant 5 : i32
        %add3A_271 = vector.broadcast %add3A_270 : i32 to vector<16xi32>
        %add3A_272 = arith.addi %add3A_271, %broadcast_in_dim3A_3 : vector<16xi32>
        %gather3A_273 = arith.constant 0 : i32
        %gather3A_274 = arith.constant 0 : i32
        %gather3A_275 = tpu.memref_slice %arg9[%and3A_126, %gather3A_273, %gather3A_274] : memref<2x64x768xf32, #tpu.memory_space<vmem>> -> memref<1x64x768xf32, #tpu.memory_space<vmem>>
        %gather3A_276 = tpu.memref_squeeze %gather3A_275 : memref<1x64x768xf32, #tpu.memory_space<vmem>> -> memref<64x768xf32, #tpu.memory_space<vmem>>
        %gather3A_277 = tpu.vector_load_idx %gather3A_276[%add3A_272, %min3A_194] masked %and3A_189 : memref<64x768xf32, #tpu.memory_space<vmem>>[vector<16xi32>, vector<16xi32>], vector<16xf32>, vector<16xi1>
        %add3A_278 = arith.constant 5 : i32
        %add3A_279 = vector.broadcast %add3A_278 : i32 to vector<16xi32>
        %add3A_280 = arith.addi %add3A_279, %broadcast_in_dim3A_3 : vector<16xi32>
        %scatter3A_281 = arith.constant 0 : i32
        %scatter3A_282 = arith.constant 0 : i32
        %scatter3A_283 = tpu.memref_slice %arg10[%and3A_196, %scatter3A_281, %scatter3A_282] : memref<4x16x128xf32, #tpu.memory_space<vmem>> -> memref<1x16x128xf32, #tpu.memory_space<vmem>>
        %scatter3A_284 = tpu.memref_squeeze %scatter3A_283 : memref<1x16x128xf32, #tpu.memory_space<vmem>> -> memref<16x128xf32, #tpu.memory_space<vmem>>
        tpu.vector_store_idx %scatter3A_284[%iota3A, %add3A_280], %gather3A_277 masked %and3A_189 : memref<16x128xf32, #tpu.memory_space<vmem>>[vector<16xi32>, vector<16xi32>], vector<16xf32>, vector<16xi1>
        %add3A_285 = arith.constant 6 : i32
        %add3A_286 = vector.broadcast %add3A_285 : i32 to vector<16xi32>
        %add3A_287 = arith.addi %add3A_286, %broadcast_in_dim3A_3 : vector<16xi32>
        %gather3A_288 = arith.constant 0 : i32
        %gather3A_289 = arith.constant 0 : i32
        %gather3A_290 = tpu.memref_slice %arg9[%and3A_126, %gather3A_288, %gather3A_289] : memref<2x64x768xf32, #tpu.memory_space<vmem>> -> memref<1x64x768xf32, #tpu.memory_space<vmem>>
        %gather3A_291 = tpu.memref_squeeze %gather3A_290 : memref<1x64x768xf32, #tpu.memory_space<vmem>> -> memref<64x768xf32, #tpu.memory_space<vmem>>
        %gather3A_292 = tpu.vector_load_idx %gather3A_291[%add3A_287, %min3A_194] masked %and3A_189 : memref<64x768xf32, #tpu.memory_space<vmem>>[vector<16xi32>, vector<16xi32>], vector<16xf32>, vector<16xi1>
        %add3A_293 = arith.constant 6 : i32
        %add3A_294 = vector.broadcast %add3A_293 : i32 to vector<16xi32>
        %add3A_295 = arith.addi %add3A_294, %broadcast_in_dim3A_3 : vector<16xi32>
        %scatter3A_296 = arith.constant 0 : i32
        %scatter3A_297 = arith.constant 0 : i32
        %scatter3A_298 = tpu.memref_slice %arg10[%and3A_196, %scatter3A_296, %scatter3A_297] : memref<4x16x128xf32, #tpu.memory_space<vmem>> -> memref<1x16x128xf32, #tpu.memory_space<vmem>>
        %scatter3A_299 = tpu.memref_squeeze %scatter3A_298 : memref<1x16x128xf32, #tpu.memory_space<vmem>> -> memref<16x128xf32, #tpu.memory_space<vmem>>
        tpu.vector_store_idx %scatter3A_299[%iota3A, %add3A_295], %gather3A_292 masked %and3A_189 : memref<16x128xf32, #tpu.memory_space<vmem>>[vector<16xi32>, vector<16xi32>], vector<16xf32>, vector<16xi1>
        %add3A_300 = arith.constant 7 : i32
        %add3A_301 = vector.broadcast %add3A_300 : i32 to vector<16xi32>
        %add3A_302 = arith.addi %add3A_301, %broadcast_in_dim3A_3 : vector<16xi32>
        %gather3A_303 = arith.constant 0 : i32
        %gather3A_304 = arith.constant 0 : i32
        %gather3A_305 = tpu.memref_slice %arg9[%and3A_126, %gather3A_303, %gather3A_304] : memref<2x64x768xf32, #tpu.memory_space<vmem>> -> memref<1x64x768xf32, #tpu.memory_space<vmem>>
        %gather3A_306 = tpu.memref_squeeze %gather3A_305 : memref<1x64x768xf32, #tpu.memory_space<vmem>> -> memref<64x768xf32, #tpu.memory_space<vmem>>
        %gather3A_307 = tpu.vector_load_idx %gather3A_306[%add3A_302, %min3A_194] masked %and3A_189 : memref<64x768xf32, #tpu.memory_space<vmem>>[vector<16xi32>, vector<16xi32>], vector<16xf32>, vector<16xi1>
        %add3A_308 = arith.constant 7 : i32
        %add3A_309 = vector.broadcast %add3A_308 : i32 to vector<16xi32>
        %add3A_310 = arith.addi %add3A_309, %broadcast_in_dim3A_3 : vector<16xi32>
        %scatter3A_311 = arith.constant 0 : i32
        %scatter3A_312 = arith.constant 0 : i32
        %scatter3A_313 = tpu.memref_slice %arg10[%and3A_196, %scatter3A_311, %scatter3A_312] : memref<4x16x128xf32, #tpu.memory_space<vmem>> -> memref<1x16x128xf32, #tpu.memory_space<vmem>>
        %scatter3A_314 = tpu.memref_squeeze %scatter3A_313 : memref<1x16x128xf32, #tpu.memory_space<vmem>> -> memref<16x128xf32, #tpu.memory_space<vmem>>
        tpu.vector_store_idx %scatter3A_314[%iota3A, %add3A_310], %gather3A_307 masked %and3A_189 : memref<16x128xf32, #tpu.memory_space<vmem>>[vector<16xi32>, vector<16xi32>], vector<16xf32>, vector<16xi1>
        %add3A_315 = arith.constant 8 : i32
        %add3A_316 = vector.broadcast %add3A_315 : i32 to vector<16xi32>
        %add3A_317 = arith.addi %add3A_316, %broadcast_in_dim3A_3 : vector<16xi32>
        %gather3A_318 = arith.constant 0 : i32
        %gather3A_319 = arith.constant 0 : i32
        %gather3A_320 = tpu.memref_slice %arg9[%and3A_126, %gather3A_318, %gather3A_319] : memref<2x64x768xf32, #tpu.memory_space<vmem>> -> memref<1x64x768xf32, #tpu.memory_space<vmem>>
        %gather3A_321 = tpu.memref_squeeze %gather3A_320 : memref<1x64x768xf32, #tpu.memory_space<vmem>> -> memref<64x768xf32, #tpu.memory_space<vmem>>
        %gather3A_322 = tpu.vector_load_idx %gather3A_321[%add3A_317, %min3A_194] masked %and3A_189 : memref<64x768xf32, #tpu.memory_space<vmem>>[vector<16xi32>, vector<16xi32>], vector<16xf32>, vector<16xi1>
        %add3A_323 = arith.constant 8 : i32
        %add3A_324 = vector.broadcast %add3A_323 : i32 to vector<16xi32>
        %add3A_325 = arith.addi %add3A_324, %broadcast_in_dim3A_3 : vector<16xi32>
        %scatter3A_326 = arith.constant 0 : i32
        %scatter3A_327 = arith.constant 0 : i32
        %scatter3A_328 = tpu.memref_slice %arg10[%and3A_196, %scatter3A_326, %scatter3A_327] : memref<4x16x128xf32, #tpu.memory_space<vmem>> -> memref<1x16x128xf32, #tpu.memory_space<vmem>>
        %scatter3A_329 = tpu.memref_squeeze %scatter3A_328 : memref<1x16x128xf32, #tpu.memory_space<vmem>> -> memref<16x128xf32, #tpu.memory_space<vmem>>
        tpu.vector_store_idx %scatter3A_329[%iota3A, %add3A_325], %gather3A_322 masked %and3A_189 : memref<16x128xf32, #tpu.memory_space<vmem>>[vector<16xi32>, vector<16xi32>], vector<16xf32>, vector<16xi1>
        %add3A_330 = arith.constant 9 : i32
        %add3A_331 = vector.broadcast %add3A_330 : i32 to vector<16xi32>
        %add3A_332 = arith.addi %add3A_331, %broadcast_in_dim3A_3 : vector<16xi32>
        %gather3A_333 = arith.constant 0 : i32
        %gather3A_334 = arith.constant 0 : i32
        %gather3A_335 = tpu.memref_slice %arg9[%and3A_126, %gather3A_333, %gather3A_334] : memref<2x64x768xf32, #tpu.memory_space<vmem>> -> memref<1x64x768xf32, #tpu.memory_space<vmem>>
        %gather3A_336 = tpu.memref_squeeze %gather3A_335 : memref<1x64x768xf32, #tpu.memory_space<vmem>> -> memref<64x768xf32, #tpu.memory_space<vmem>>
        %gather3A_337 = tpu.vector_load_idx %gather3A_336[%add3A_332, %min3A_194] masked %and3A_189 : memref<64x768xf32, #tpu.memory_space<vmem>>[vector<16xi32>, vector<16xi32>], vector<16xf32>, vector<16xi1>
        %add3A_338 = arith.constant 9 : i32
        %add3A_339 = vector.broadcast %add3A_338 : i32 to vector<16xi32>
        %add3A_340 = arith.addi %add3A_339, %broadcast_in_dim3A_3 : vector<16xi32>
        %scatter3A_341 = arith.constant 0 : i32
        %scatter3A_342 = arith.constant 0 : i32
        %scatter3A_343 = tpu.memref_slice %arg10[%and3A_196, %scatter3A_341, %scatter3A_342] : memref<4x16x128xf32, #tpu.memory_space<vmem>> -> memref<1x16x128xf32, #tpu.memory_space<vmem>>
        %scatter3A_344 = tpu.memref_squeeze %scatter3A_343 : memref<1x16x128xf32, #tpu.memory_space<vmem>> -> memref<16x128xf32, #tpu.memory_space<vmem>>
        tpu.vector_store_idx %scatter3A_344[%iota3A, %add3A_340], %gather3A_337 masked %and3A_189 : memref<16x128xf32, #tpu.memory_space<vmem>>[vector<16xi32>, vector<16xi32>], vector<16xf32>, vector<16xi1>
        %add3A_345 = arith.constant 10 : i32
        %add3A_346 = vector.broadcast %add3A_345 : i32 to vector<16xi32>
        %add3A_347 = arith.addi %add3A_346, %broadcast_in_dim3A_3 : vector<16xi32>
        %gather3A_348 = arith.constant 0 : i32
        %gather3A_349 = arith.constant 0 : i32
        %gather3A_350 = tpu.memref_slice %arg9[%and3A_126, %gather3A_348, %gather3A_349] : memref<2x64x768xf32, #tpu.memory_space<vmem>> -> memref<1x64x768xf32, #tpu.memory_space<vmem>>
        %gather3A_351 = tpu.memref_squeeze %gather3A_350 : memref<1x64x768xf32, #tpu.memory_space<vmem>> -> memref<64x768xf32, #tpu.memory_space<vmem>>
        %gather3A_352 = tpu.vector_load_idx %gather3A_351[%add3A_347, %min3A_194] masked %and3A_189 : memref<64x768xf32, #tpu.memory_space<vmem>>[vector<16xi32>, vector<16xi32>], vector<16xf32>, vector<16xi1>
        %add3A_353 = arith.constant 10 : i32
        %add3A_354 = vector.broadcast %add3A_353 : i32 to vector<16xi32>
        %add3A_355 = arith.addi %add3A_354, %broadcast_in_dim3A_3 : vector<16xi32>
        %scatter3A_356 = arith.constant 0 : i32
        %scatter3A_357 = arith.constant 0 : i32
        %scatter3A_358 = tpu.memref_slice %arg10[%and3A_196, %scatter3A_356, %scatter3A_357] : memref<4x16x128xf32, #tpu.memory_space<vmem>> -> memref<1x16x128xf32, #tpu.memory_space<vmem>>
        %scatter3A_359 = tpu.memref_squeeze %scatter3A_358 : memref<1x16x128xf32, #tpu.memory_space<vmem>> -> memref<16x128xf32, #tpu.memory_space<vmem>>
        tpu.vector_store_idx %scatter3A_359[%iota3A, %add3A_355], %gather3A_352 masked %and3A_189 : memref<16x128xf32, #tpu.memory_space<vmem>>[vector<16xi32>, vector<16xi32>], vector<16xf32>, vector<16xi1>
        %add3A_360 = arith.constant 11 : i32
        %add3A_361 = vector.broadcast %add3A_360 : i32 to vector<16xi32>
        %add3A_362 = arith.addi %add3A_361, %broadcast_in_dim3A_3 : vector<16xi32>
        %gather3A_363 = arith.constant 0 : i32
        %gather3A_364 = arith.constant 0 : i32
        %gather3A_365 = tpu.memref_slice %arg9[%and3A_126, %gather3A_363, %gather3A_364] : memref<2x64x768xf32, #tpu.memory_space<vmem>> -> memref<1x64x768xf32, #tpu.memory_space<vmem>>
        %gather3A_366 = tpu.memref_squeeze %gather3A_365 : memref<1x64x768xf32, #tpu.memory_space<vmem>> -> memref<64x768xf32, #tpu.memory_space<vmem>>
        %gather3A_367 = tpu.vector_load_idx %gather3A_366[%add3A_362, %min3A_194] masked %and3A_189 : memref<64x768xf32, #tpu.memory_space<vmem>>[vector<16xi32>, vector<16xi32>], vector<16xf32>, vector<16xi1>
        %add3A_368 = arith.constant 11 : i32
        %add3A_369 = vector.broadcast %add3A_368 : i32 to vector<16xi32>
        %add3A_370 = arith.addi %add3A_369, %broadcast_in_dim3A_3 : vector<16xi32>
        %scatter3A_371 = arith.constant 0 : i32
        %scatter3A_372 = arith.constant 0 : i32
        %scatter3A_373 = tpu.memref_slice %arg10[%and3A_196, %scatter3A_371, %scatter3A_372] : memref<4x16x128xf32, #tpu.memory_space<vmem>> -> memref<1x16x128xf32, #tpu.memory_space<vmem>>
        %scatter3A_374 = tpu.memref_squeeze %scatter3A_373 : memref<1x16x128xf32, #tpu.memory_space<vmem>> -> memref<16x128xf32, #tpu.memory_space<vmem>>
        tpu.vector_store_idx %scatter3A_374[%iota3A, %add3A_370], %gather3A_367 masked %and3A_189 : memref<16x128xf32, #tpu.memory_space<vmem>>[vector<16xi32>, vector<16xi32>], vector<16xf32>, vector<16xi1>
        %add3A_375 = arith.constant 12 : i32
        %add3A_376 = vector.broadcast %add3A_375 : i32 to vector<16xi32>
        %add3A_377 = arith.addi %add3A_376, %broadcast_in_dim3A_3 : vector<16xi32>
        %gather3A_378 = arith.constant 0 : i32
        %gather3A_379 = arith.constant 0 : i32
        %gather3A_380 = tpu.memref_slice %arg9[%and3A_126, %gather3A_378, %gather3A_379] : memref<2x64x768xf32, #tpu.memory_space<vmem>> -> memref<1x64x768xf32, #tpu.memory_space<vmem>>
        %gather3A_381 = tpu.memref_squeeze %gather3A_380 : memref<1x64x768xf32, #tpu.memory_space<vmem>> -> memref<64x768xf32, #tpu.memory_space<vmem>>
        %gather3A_382 = tpu.vector_load_idx %gather3A_381[%add3A_377, %min3A_194] masked %and3A_189 : memref<64x768xf32, #tpu.memory_space<vmem>>[vector<16xi32>, vector<16xi32>], vector<16xf32>, vector<16xi1>
        %add3A_383 = arith.constant 12 : i32
        %add3A_384 = vector.broadcast %add3A_383 : i32 to vector<16xi32>
        %add3A_385 = arith.addi %add3A_384, %broadcast_in_dim3A_3 : vector<16xi32>
        %scatter3A_386 = arith.constant 0 : i32
        %scatter3A_387 = arith.constant 0 : i32
        %scatter3A_388 = tpu.memref_slice %arg10[%and3A_196, %scatter3A_386, %scatter3A_387] : memref<4x16x128xf32, #tpu.memory_space<vmem>> -> memref<1x16x128xf32, #tpu.memory_space<vmem>>
        %scatter3A_389 = tpu.memref_squeeze %scatter3A_388 : memref<1x16x128xf32, #tpu.memory_space<vmem>> -> memref<16x128xf32, #tpu.memory_space<vmem>>
        tpu.vector_store_idx %scatter3A_389[%iota3A, %add3A_385], %gather3A_382 masked %and3A_189 : memref<16x128xf32, #tpu.memory_space<vmem>>[vector<16xi32>, vector<16xi32>], vector<16xf32>, vector<16xi1>
        %add3A_390 = arith.constant 13 : i32
        %add3A_391 = vector.broadcast %add3A_390 : i32 to vector<16xi32>
        %add3A_392 = arith.addi %add3A_391, %broadcast_in_dim3A_3 : vector<16xi32>
        %gather3A_393 = arith.constant 0 : i32
        %gather3A_394 = arith.constant 0 : i32
        %gather3A_395 = tpu.memref_slice %arg9[%and3A_126, %gather3A_393, %gather3A_394] : memref<2x64x768xf32, #tpu.memory_space<vmem>> -> memref<1x64x768xf32, #tpu.memory_space<vmem>>
        %gather3A_396 = tpu.memref_squeeze %gather3A_395 : memref<1x64x768xf32, #tpu.memory_space<vmem>> -> memref<64x768xf32, #tpu.memory_space<vmem>>
        %gather3A_397 = tpu.vector_load_idx %gather3A_396[%add3A_392, %min3A_194] masked %and3A_189 : memref<64x768xf32, #tpu.memory_space<vmem>>[vector<16xi32>, vector<16xi32>], vector<16xf32>, vector<16xi1>
        %add3A_398 = arith.constant 13 : i32
        %add3A_399 = vector.broadcast %add3A_398 : i32 to vector<16xi32>
        %add3A_400 = arith.addi %add3A_399, %broadcast_in_dim3A_3 : vector<16xi32>
        %scatter3A_401 = arith.constant 0 : i32
        %scatter3A_402 = arith.constant 0 : i32
        %scatter3A_403 = tpu.memref_slice %arg10[%and3A_196, %scatter3A_401, %scatter3A_402] : memref<4x16x128xf32, #tpu.memory_space<vmem>> -> memref<1x16x128xf32, #tpu.memory_space<vmem>>
        %scatter3A_404 = tpu.memref_squeeze %scatter3A_403 : memref<1x16x128xf32, #tpu.memory_space<vmem>> -> memref<16x128xf32, #tpu.memory_space<vmem>>
        tpu.vector_store_idx %scatter3A_404[%iota3A, %add3A_400], %gather3A_397 masked %and3A_189 : memref<16x128xf32, #tpu.memory_space<vmem>>[vector<16xi32>, vector<16xi32>], vector<16xf32>, vector<16xi1>
        %add3A_405 = arith.constant 14 : i32
        %add3A_406 = vector.broadcast %add3A_405 : i32 to vector<16xi32>
        %add3A_407 = arith.addi %add3A_406, %broadcast_in_dim3A_3 : vector<16xi32>
        %gather3A_408 = arith.constant 0 : i32
        %gather3A_409 = arith.constant 0 : i32
        %gather3A_410 = tpu.memref_slice %arg9[%and3A_126, %gather3A_408, %gather3A_409] : memref<2x64x768xf32, #tpu.memory_space<vmem>> -> memref<1x64x768xf32, #tpu.memory_space<vmem>>
        %gather3A_411 = tpu.memref_squeeze %gather3A_410 : memref<1x64x768xf32, #tpu.memory_space<vmem>> -> memref<64x768xf32, #tpu.memory_space<vmem>>
        %gather3A_412 = tpu.vector_load_idx %gather3A_411[%add3A_407, %min3A_194] masked %and3A_189 : memref<64x768xf32, #tpu.memory_space<vmem>>[vector<16xi32>, vector<16xi32>], vector<16xf32>, vector<16xi1>
        %add3A_413 = arith.constant 14 : i32
        %add3A_414 = vector.broadcast %add3A_413 : i32 to vector<16xi32>
        %add3A_415 = arith.addi %add3A_414, %broadcast_in_dim3A_3 : vector<16xi32>
        %scatter3A_416 = arith.constant 0 : i32
        %scatter3A_417 = arith.constant 0 : i32
        %scatter3A_418 = tpu.memref_slice %arg10[%and3A_196, %scatter3A_416, %scatter3A_417] : memref<4x16x128xf32, #tpu.memory_space<vmem>> -> memref<1x16x128xf32, #tpu.memory_space<vmem>>
        %scatter3A_419 = tpu.memref_squeeze %scatter3A_418 : memref<1x16x128xf32, #tpu.memory_space<vmem>> -> memref<16x128xf32, #tpu.memory_space<vmem>>
        tpu.vector_store_idx %scatter3A_419[%iota3A, %add3A_415], %gather3A_412 masked %and3A_189 : memref<16x128xf32, #tpu.memory_space<vmem>>[vector<16xi32>, vector<16xi32>], vector<16xf32>, vector<16xi1>
        %add3A_420 = arith.constant 15 : i32
        %add3A_421 = vector.broadcast %add3A_420 : i32 to vector<16xi32>
        %add3A_422 = arith.addi %add3A_421, %broadcast_in_dim3A_3 : vector<16xi32>
        %gather3A_423 = arith.constant 0 : i32
        %gather3A_424 = arith.constant 0 : i32
        %gather3A_425 = tpu.memref_slice %arg9[%and3A_126, %gather3A_423, %gather3A_424] : memref<2x64x768xf32, #tpu.memory_space<vmem>> -> memref<1x64x768xf32, #tpu.memory_space<vmem>>
        %gather3A_426 = tpu.memref_squeeze %gather3A_425 : memref<1x64x768xf32, #tpu.memory_space<vmem>> -> memref<64x768xf32, #tpu.memory_space<vmem>>
        %gather3A_427 = tpu.vector_load_idx %gather3A_426[%add3A_422, %min3A_194] masked %and3A_189 : memref<64x768xf32, #tpu.memory_space<vmem>>[vector<16xi32>, vector<16xi32>], vector<16xf32>, vector<16xi1>
        %add3A_428 = arith.constant 15 : i32
        %add3A_429 = vector.broadcast %add3A_428 : i32 to vector<16xi32>
        %add3A_430 = arith.addi %add3A_429, %broadcast_in_dim3A_3 : vector<16xi32>
        %scatter3A_431 = arith.constant 0 : i32
        %scatter3A_432 = arith.constant 0 : i32
        %scatter3A_433 = tpu.memref_slice %arg10[%and3A_196, %scatter3A_431, %scatter3A_432] : memref<4x16x128xf32, #tpu.memory_space<vmem>> -> memref<1x16x128xf32, #tpu.memory_space<vmem>>
        %scatter3A_434 = tpu.memref_squeeze %scatter3A_433 : memref<1x16x128xf32, #tpu.memory_space<vmem>> -> memref<16x128xf32, #tpu.memory_space<vmem>>
        tpu.vector_store_idx %scatter3A_434[%iota3A, %add3A_430], %gather3A_427 masked %and3A_189 : memref<16x128xf32, #tpu.memory_space<vmem>>[vector<16xi32>, vector<16xi32>], vector<16xf32>, vector<16xi1>
        %add3A_435 = arith.constant 16 : i32
        %add3A_436 = vector.broadcast %add3A_435 : i32 to vector<16xi32>
        %add3A_437 = arith.addi %add3A_436, %broadcast_in_dim3A_3 : vector<16xi32>
        %gather3A_438 = arith.constant 0 : i32
        %gather3A_439 = arith.constant 0 : i32
        %gather3A_440 = tpu.memref_slice %arg9[%and3A_126, %gather3A_438, %gather3A_439] : memref<2x64x768xf32, #tpu.memory_space<vmem>> -> memref<1x64x768xf32, #tpu.memory_space<vmem>>
        %gather3A_441 = tpu.memref_squeeze %gather3A_440 : memref<1x64x768xf32, #tpu.memory_space<vmem>> -> memref<64x768xf32, #tpu.memory_space<vmem>>
        %gather3A_442 = tpu.vector_load_idx %gather3A_441[%add3A_437, %min3A_194] masked %and3A_189 : memref<64x768xf32, #tpu.memory_space<vmem>>[vector<16xi32>, vector<16xi32>], vector<16xf32>, vector<16xi1>
        %add3A_443 = arith.constant 16 : i32
        %add3A_444 = vector.broadcast %add3A_443 : i32 to vector<16xi32>
        %add3A_445 = arith.addi %add3A_444, %broadcast_in_dim3A_3 : vector<16xi32>
        %scatter3A_446 = arith.constant 0 : i32
        %scatter3A_447 = arith.constant 0 : i32
        %scatter3A_448 = tpu.memref_slice %arg10[%and3A_196, %scatter3A_446, %scatter3A_447] : memref<4x16x128xf32, #tpu.memory_space<vmem>> -> memref<1x16x128xf32, #tpu.memory_space<vmem>>
        %scatter3A_449 = tpu.memref_squeeze %scatter3A_448 : memref<1x16x128xf32, #tpu.memory_space<vmem>> -> memref<16x128xf32, #tpu.memory_space<vmem>>
        tpu.vector_store_idx %scatter3A_449[%iota3A, %add3A_445], %gather3A_442 masked %and3A_189 : memref<16x128xf32, #tpu.memory_space<vmem>>[vector<16xi32>, vector<16xi32>], vector<16xf32>, vector<16xi1>
        %add3A_450 = arith.constant 17 : i32
        %add3A_451 = vector.broadcast %add3A_450 : i32 to vector<16xi32>
        %add3A_452 = arith.addi %add3A_451, %broadcast_in_dim3A_3 : vector<16xi32>
        %gather3A_453 = arith.constant 0 : i32
        %gather3A_454 = arith.constant 0 : i32
        %gather3A_455 = tpu.memref_slice %arg9[%and3A_126, %gather3A_453, %gather3A_454] : memref<2x64x768xf32, #tpu.memory_space<vmem>> -> memref<1x64x768xf32, #tpu.memory_space<vmem>>
        %gather3A_456 = tpu.memref_squeeze %gather3A_455 : memref<1x64x768xf32, #tpu.memory_space<vmem>> -> memref<64x768xf32, #tpu.memory_space<vmem>>
        %gather3A_457 = tpu.vector_load_idx %gather3A_456[%add3A_452, %min3A_194] masked %and3A_189 : memref<64x768xf32, #tpu.memory_space<vmem>>[vector<16xi32>, vector<16xi32>], vector<16xf32>, vector<16xi1>
        %add3A_458 = arith.constant 17 : i32
        %add3A_459 = vector.broadcast %add3A_458 : i32 to vector<16xi32>
        %add3A_460 = arith.addi %add3A_459, %broadcast_in_dim3A_3 : vector<16xi32>
        %scatter3A_461 = arith.constant 0 : i32
        %scatter3A_462 = arith.constant 0 : i32
        %scatter3A_463 = tpu.memref_slice %arg10[%and3A_196, %scatter3A_461, %scatter3A_462] : memref<4x16x128xf32, #tpu.memory_space<vmem>> -> memref<1x16x128xf32, #tpu.memory_space<vmem>>
        %scatter3A_464 = tpu.memref_squeeze %scatter3A_463 : memref<1x16x128xf32, #tpu.memory_space<vmem>> -> memref<16x128xf32, #tpu.memory_space<vmem>>
        tpu.vector_store_idx %scatter3A_464[%iota3A, %add3A_460], %gather3A_457 masked %and3A_189 : memref<16x128xf32, #tpu.memory_space<vmem>>[vector<16xi32>, vector<16xi32>], vector<16xf32>, vector<16xi1>
        %add3A_465 = arith.constant 18 : i32
        %add3A_466 = vector.broadcast %add3A_465 : i32 to vector<16xi32>
        %add3A_467 = arith.addi %add3A_466, %broadcast_in_dim3A_3 : vector<16xi32>
        %gather3A_468 = arith.constant 0 : i32
        %gather3A_469 = arith.constant 0 : i32
        %gather3A_470 = tpu.memref_slice %arg9[%and3A_126, %gather3A_468, %gather3A_469] : memref<2x64x768xf32, #tpu.memory_space<vmem>> -> memref<1x64x768xf32, #tpu.memory_space<vmem>>
        %gather3A_471 = tpu.memref_squeeze %gather3A_470 : memref<1x64x768xf32, #tpu.memory_space<vmem>> -> memref<64x768xf32, #tpu.memory_space<vmem>>
        %gather3A_472 = tpu.vector_load_idx %gather3A_471[%add3A_467, %min3A_194] masked %and3A_189 : memref<64x768xf32, #tpu.memory_space<vmem>>[vector<16xi32>, vector<16xi32>], vector<16xf32>, vector<16xi1>
        %add3A_473 = arith.constant 18 : i32
        %add3A_474 = vector.broadcast %add3A_473 : i32 to vector<16xi32>
        %add3A_475 = arith.addi %add3A_474, %broadcast_in_dim3A_3 : vector<16xi32>
        %scatter3A_476 = arith.constant 0 : i32
        %scatter3A_477 = arith.constant 0 : i32
        %scatter3A_478 = tpu.memref_slice %arg10[%and3A_196, %scatter3A_476, %scatter3A_477] : memref<4x16x128xf32, #tpu.memory_space<vmem>> -> memref<1x16x128xf32, #tpu.memory_space<vmem>>
        %scatter3A_479 = tpu.memref_squeeze %scatter3A_478 : memref<1x16x128xf32, #tpu.memory_space<vmem>> -> memref<16x128xf32, #tpu.memory_space<vmem>>
        tpu.vector_store_idx %scatter3A_479[%iota3A, %add3A_475], %gather3A_472 masked %and3A_189 : memref<16x128xf32, #tpu.memory_space<vmem>>[vector<16xi32>, vector<16xi32>], vector<16xf32>, vector<16xi1>
        %add3A_480 = arith.constant 19 : i32
        %add3A_481 = vector.broadcast %add3A_480 : i32 to vector<16xi32>
        %add3A_482 = arith.addi %add3A_481, %broadcast_in_dim3A_3 : vector<16xi32>
        %gather3A_483 = arith.constant 0 : i32
        %gather3A_484 = arith.constant 0 : i32
        %gather3A_485 = tpu.memref_slice %arg9[%and3A_126, %gather3A_483, %gather3A_484] : memref<2x64x768xf32, #tpu.memory_space<vmem>> -> memref<1x64x768xf32, #tpu.memory_space<vmem>>
        %gather3A_486 = tpu.memref_squeeze %gather3A_485 : memref<1x64x768xf32, #tpu.memory_space<vmem>> -> memref<64x768xf32, #tpu.memory_space<vmem>>
        %gather3A_487 = tpu.vector_load_idx %gather3A_486[%add3A_482, %min3A_194] masked %and3A_189 : memref<64x768xf32, #tpu.memory_space<vmem>>[vector<16xi32>, vector<16xi32>], vector<16xf32>, vector<16xi1>
        %add3A_488 = arith.constant 19 : i32
        %add3A_489 = vector.broadcast %add3A_488 : i32 to vector<16xi32>
        %add3A_490 = arith.addi %add3A_489, %broadcast_in_dim3A_3 : vector<16xi32>
        %scatter3A_491 = arith.constant 0 : i32
        %scatter3A_492 = arith.constant 0 : i32
        %scatter3A_493 = tpu.memref_slice %arg10[%and3A_196, %scatter3A_491, %scatter3A_492] : memref<4x16x128xf32, #tpu.memory_space<vmem>> -> memref<1x16x128xf32, #tpu.memory_space<vmem>>
        %scatter3A_494 = tpu.memref_squeeze %scatter3A_493 : memref<1x16x128xf32, #tpu.memory_space<vmem>> -> memref<16x128xf32, #tpu.memory_space<vmem>>
        tpu.vector_store_idx %scatter3A_494[%iota3A, %add3A_490], %gather3A_487 masked %and3A_189 : memref<16x128xf32, #tpu.memory_space<vmem>>[vector<16xi32>, vector<16xi32>], vector<16xf32>, vector<16xi1>
        %add3A_495 = arith.constant 20 : i32
        %add3A_496 = vector.broadcast %add3A_495 : i32 to vector<16xi32>
        %add3A_497 = arith.addi %add3A_496, %broadcast_in_dim3A_3 : vector<16xi32>
        %gather3A_498 = arith.constant 0 : i32
        %gather3A_499 = arith.constant 0 : i32
        %gather3A_500 = tpu.memref_slice %arg9[%and3A_126, %gather3A_498, %gather3A_499] : memref<2x64x768xf32, #tpu.memory_space<vmem>> -> memref<1x64x768xf32, #tpu.memory_space<vmem>>
        %gather3A_501 = tpu.memref_squeeze %gather3A_500 : memref<1x64x768xf32, #tpu.memory_space<vmem>> -> memref<64x768xf32, #tpu.memory_space<vmem>>
        %gather3A_502 = tpu.vector_load_idx %gather3A_501[%add3A_497, %min3A_194] masked %and3A_189 : memref<64x768xf32, #tpu.memory_space<vmem>>[vector<16xi32>, vector<16xi32>], vector<16xf32>, vector<16xi1>
        %add3A_503 = arith.constant 20 : i32
        %add3A_504 = vector.broadcast %add3A_503 : i32 to vector<16xi32>
        %add3A_505 = arith.addi %add3A_504, %broadcast_in_dim3A_3 : vector<16xi32>
        %scatter3A_506 = arith.constant 0 : i32
        %scatter3A_507 = arith.constant 0 : i32
        %scatter3A_508 = tpu.memref_slice %arg10[%and3A_196, %scatter3A_506, %scatter3A_507] : memref<4x16x128xf32, #tpu.memory_space<vmem>> -> memref<1x16x128xf32, #tpu.memory_space<vmem>>
        %scatter3A_509 = tpu.memref_squeeze %scatter3A_508 : memref<1x16x128xf32, #tpu.memory_space<vmem>> -> memref<16x128xf32, #tpu.memory_space<vmem>>
        tpu.vector_store_idx %scatter3A_509[%iota3A, %add3A_505], %gather3A_502 masked %and3A_189 : memref<16x128xf32, #tpu.memory_space<vmem>>[vector<16xi32>, vector<16xi32>], vector<16xf32>, vector<16xi1>
        %add3A_510 = arith.constant 21 : i32
        %add3A_511 = vector.broadcast %add3A_510 : i32 to vector<16xi32>
        %add3A_512 = arith.addi %add3A_511, %broadcast_in_dim3A_3 : vector<16xi32>
        %gather3A_513 = arith.constant 0 : i32
        %gather3A_514 = arith.constant 0 : i32
        %gather3A_515 = tpu.memref_slice %arg9[%and3A_126, %gather3A_513, %gather3A_514] : memref<2x64x768xf32, #tpu.memory_space<vmem>> -> memref<1x64x768xf32, #tpu.memory_space<vmem>>
        %gather3A_516 = tpu.memref_squeeze %gather3A_515 : memref<1x64x768xf32, #tpu.memory_space<vmem>> -> memref<64x768xf32, #tpu.memory_space<vmem>>
        %gather3A_517 = tpu.vector_load_idx %gather3A_516[%add3A_512, %min3A_194] masked %and3A_189 : memref<64x768xf32, #tpu.memory_space<vmem>>[vector<16xi32>, vector<16xi32>], vector<16xf32>, vector<16xi1>
        %add3A_518 = arith.constant 21 : i32
        %add3A_519 = vector.broadcast %add3A_518 : i32 to vector<16xi32>
        %add3A_520 = arith.addi %add3A_519, %broadcast_in_dim3A_3 : vector<16xi32>
        %scatter3A_521 = arith.constant 0 : i32
        %scatter3A_522 = arith.constant 0 : i32
        %scatter3A_523 = tpu.memref_slice %arg10[%and3A_196, %scatter3A_521, %scatter3A_522] : memref<4x16x128xf32, #tpu.memory_space<vmem>> -> memref<1x16x128xf32, #tpu.memory_space<vmem>>
        %scatter3A_524 = tpu.memref_squeeze %scatter3A_523 : memref<1x16x128xf32, #tpu.memory_space<vmem>> -> memref<16x128xf32, #tpu.memory_space<vmem>>
        tpu.vector_store_idx %scatter3A_524[%iota3A, %add3A_520], %gather3A_517 masked %and3A_189 : memref<16x128xf32, #tpu.memory_space<vmem>>[vector<16xi32>, vector<16xi32>], vector<16xf32>, vector<16xi1>
        %add3A_525 = arith.constant 22 : i32
        %add3A_526 = vector.broadcast %add3A_525 : i32 to vector<16xi32>
        %add3A_527 = arith.addi %add3A_526, %broadcast_in_dim3A_3 : vector<16xi32>
        %gather3A_528 = arith.constant 0 : i32
        %gather3A_529 = arith.constant 0 : i32
        %gather3A_530 = tpu.memref_slice %arg9[%and3A_126, %gather3A_528, %gather3A_529] : memref<2x64x768xf32, #tpu.memory_space<vmem>> -> memref<1x64x768xf32, #tpu.memory_space<vmem>>
        %gather3A_531 = tpu.memref_squeeze %gather3A_530 : memref<1x64x768xf32, #tpu.memory_space<vmem>> -> memref<64x768xf32, #tpu.memory_space<vmem>>
        %gather3A_532 = tpu.vector_load_idx %gather3A_531[%add3A_527, %min3A_194] masked %and3A_189 : memref<64x768xf32, #tpu.memory_space<vmem>>[vector<16xi32>, vector<16xi32>], vector<16xf32>, vector<16xi1>
        %add3A_533 = arith.constant 22 : i32
        %add3A_534 = vector.broadcast %add3A_533 : i32 to vector<16xi32>
        %add3A_535 = arith.addi %add3A_534, %broadcast_in_dim3A_3 : vector<16xi32>
        %scatter3A_536 = arith.constant 0 : i32
        %scatter3A_537 = arith.constant 0 : i32
        %scatter3A_538 = tpu.memref_slice %arg10[%and3A_196, %scatter3A_536, %scatter3A_537] : memref<4x16x128xf32, #tpu.memory_space<vmem>> -> memref<1x16x128xf32, #tpu.memory_space<vmem>>
        %scatter3A_539 = tpu.memref_squeeze %scatter3A_538 : memref<1x16x128xf32, #tpu.memory_space<vmem>> -> memref<16x128xf32, #tpu.memory_space<vmem>>
        tpu.vector_store_idx %scatter3A_539[%iota3A, %add3A_535], %gather3A_532 masked %and3A_189 : memref<16x128xf32, #tpu.memory_space<vmem>>[vector<16xi32>, vector<16xi32>], vector<16xf32>, vector<16xi1>
        %add3A_540 = arith.constant 23 : i32
        %add3A_541 = vector.broadcast %add3A_540 : i32 to vector<16xi32>
        %add3A_542 = arith.addi %add3A_541, %broadcast_in_dim3A_3 : vector<16xi32>
        %gather3A_543 = arith.constant 0 : i32
        %gather3A_544 = arith.constant 0 : i32
        %gather3A_545 = tpu.memref_slice %arg9[%and3A_126, %gather3A_543, %gather3A_544] : memref<2x64x768xf32, #tpu.memory_space<vmem>> -> memref<1x64x768xf32, #tpu.memory_space<vmem>>
        %gather3A_546 = tpu.memref_squeeze %gather3A_545 : memref<1x64x768xf32, #tpu.memory_space<vmem>> -> memref<64x768xf32, #tpu.memory_space<vmem>>
        %gather3A_547 = tpu.vector_load_idx %gather3A_546[%add3A_542, %min3A_194] masked %and3A_189 : memref<64x768xf32, #tpu.memory_space<vmem>>[vector<16xi32>, vector<16xi32>], vector<16xf32>, vector<16xi1>
        %add3A_548 = arith.constant 23 : i32
        %add3A_549 = vector.broadcast %add3A_548 : i32 to vector<16xi32>
        %add3A_550 = arith.addi %add3A_549, %broadcast_in_dim3A_3 : vector<16xi32>
        %scatter3A_551 = arith.constant 0 : i32
        %scatter3A_552 = arith.constant 0 : i32
        %scatter3A_553 = tpu.memref_slice %arg10[%and3A_196, %scatter3A_551, %scatter3A_552] : memref<4x16x128xf32, #tpu.memory_space<vmem>> -> memref<1x16x128xf32, #tpu.memory_space<vmem>>
        %scatter3A_554 = tpu.memref_squeeze %scatter3A_553 : memref<1x16x128xf32, #tpu.memory_space<vmem>> -> memref<16x128xf32, #tpu.memory_space<vmem>>
        tpu.vector_store_idx %scatter3A_554[%iota3A, %add3A_550], %gather3A_547 masked %and3A_189 : memref<16x128xf32, #tpu.memory_space<vmem>>[vector<16xi32>, vector<16xi32>], vector<16xf32>, vector<16xi1>
        %add3A_555 = arith.constant 24 : i32
        %add3A_556 = vector.broadcast %add3A_555 : i32 to vector<16xi32>
        %add3A_557 = arith.addi %add3A_556, %broadcast_in_dim3A_3 : vector<16xi32>
        %gather3A_558 = arith.constant 0 : i32
        %gather3A_559 = arith.constant 0 : i32
        %gather3A_560 = tpu.memref_slice %arg9[%and3A_126, %gather3A_558, %gather3A_559] : memref<2x64x768xf32, #tpu.memory_space<vmem>> -> memref<1x64x768xf32, #tpu.memory_space<vmem>>
        %gather3A_561 = tpu.memref_squeeze %gather3A_560 : memref<1x64x768xf32, #tpu.memory_space<vmem>> -> memref<64x768xf32, #tpu.memory_space<vmem>>
        %gather3A_562 = tpu.vector_load_idx %gather3A_561[%add3A_557, %min3A_194] masked %and3A_189 : memref<64x768xf32, #tpu.memory_space<vmem>>[vector<16xi32>, vector<16xi32>], vector<16xf32>, vector<16xi1>
        %add3A_563 = arith.constant 24 : i32
        %add3A_564 = vector.broadcast %add3A_563 : i32 to vector<16xi32>
        %add3A_565 = arith.addi %add3A_564, %broadcast_in_dim3A_3 : vector<16xi32>
        %scatter3A_566 = arith.constant 0 : i32
        %scatter3A_567 = arith.constant 0 : i32
        %scatter3A_568 = tpu.memref_slice %arg10[%and3A_196, %scatter3A_566, %scatter3A_567] : memref<4x16x128xf32, #tpu.memory_space<vmem>> -> memref<1x16x128xf32, #tpu.memory_space<vmem>>
        %scatter3A_569 = tpu.memref_squeeze %scatter3A_568 : memref<1x16x128xf32, #tpu.memory_space<vmem>> -> memref<16x128xf32, #tpu.memory_space<vmem>>
        tpu.vector_store_idx %scatter3A_569[%iota3A, %add3A_565], %gather3A_562 masked %and3A_189 : memref<16x128xf32, #tpu.memory_space<vmem>>[vector<16xi32>, vector<16xi32>], vector<16xf32>, vector<16xi1>
        %add3A_570 = arith.constant 25 : i32
        %add3A_571 = vector.broadcast %add3A_570 : i32 to vector<16xi32>
        %add3A_572 = arith.addi %add3A_571, %broadcast_in_dim3A_3 : vector<16xi32>
        %gather3A_573 = arith.constant 0 : i32
        %gather3A_574 = arith.constant 0 : i32
        %gather3A_575 = tpu.memref_slice %arg9[%and3A_126, %gather3A_573, %gather3A_574] : memref<2x64x768xf32, #tpu.memory_space<vmem>> -> memref<1x64x768xf32, #tpu.memory_space<vmem>>
        %gather3A_576 = tpu.memref_squeeze %gather3A_575 : memref<1x64x768xf32, #tpu.memory_space<vmem>> -> memref<64x768xf32, #tpu.memory_space<vmem>>
        %gather3A_577 = tpu.vector_load_idx %gather3A_576[%add3A_572, %min3A_194] masked %and3A_189 : memref<64x768xf32, #tpu.memory_space<vmem>>[vector<16xi32>, vector<16xi32>], vector<16xf32>, vector<16xi1>
        %add3A_578 = arith.constant 25 : i32
        %add3A_579 = vector.broadcast %add3A_578 : i32 to vector<16xi32>
        %add3A_580 = arith.addi %add3A_579, %broadcast_in_dim3A_3 : vector<16xi32>
        %scatter3A_581 = arith.constant 0 : i32
        %scatter3A_582 = arith.constant 0 : i32
        %scatter3A_583 = tpu.memref_slice %arg10[%and3A_196, %scatter3A_581, %scatter3A_582] : memref<4x16x128xf32, #tpu.memory_space<vmem>> -> memref<1x16x128xf32, #tpu.memory_space<vmem>>
        %scatter3A_584 = tpu.memref_squeeze %scatter3A_583 : memref<1x16x128xf32, #tpu.memory_space<vmem>> -> memref<16x128xf32, #tpu.memory_space<vmem>>
        tpu.vector_store_idx %scatter3A_584[%iota3A, %add3A_580], %gather3A_577 masked %and3A_189 : memref<16x128xf32, #tpu.memory_space<vmem>>[vector<16xi32>, vector<16xi32>], vector<16xf32>, vector<16xi1>
        %add3A_585 = arith.constant 26 : i32
        %add3A_586 = vector.broadcast %add3A_585 : i32 to vector<16xi32>
        %add3A_587 = arith.addi %add3A_586, %broadcast_in_dim3A_3 : vector<16xi32>
        %gather3A_588 = arith.constant 0 : i32
        %gather3A_589 = arith.constant 0 : i32
        %gather3A_590 = tpu.memref_slice %arg9[%and3A_126, %gather3A_588, %gather3A_589] : memref<2x64x768xf32, #tpu.memory_space<vmem>> -> memref<1x64x768xf32, #tpu.memory_space<vmem>>
        %gather3A_591 = tpu.memref_squeeze %gather3A_590 : memref<1x64x768xf32, #tpu.memory_space<vmem>> -> memref<64x768xf32, #tpu.memory_space<vmem>>
        %gather3A_592 = tpu.vector_load_idx %gather3A_591[%add3A_587, %min3A_194] masked %and3A_189 : memref<64x768xf32, #tpu.memory_space<vmem>>[vector<16xi32>, vector<16xi32>], vector<16xf32>, vector<16xi1>
        %add3A_593 = arith.constant 26 : i32
        %add3A_594 = vector.broadcast %add3A_593 : i32 to vector<16xi32>
        %add3A_595 = arith.addi %add3A_594, %broadcast_in_dim3A_3 : vector<16xi32>
        %scatter3A_596 = arith.constant 0 : i32
        %scatter3A_597 = arith.constant 0 : i32
        %scatter3A_598 = tpu.memref_slice %arg10[%and3A_196, %scatter3A_596, %scatter3A_597] : memref<4x16x128xf32, #tpu.memory_space<vmem>> -> memref<1x16x128xf32, #tpu.memory_space<vmem>>
        %scatter3A_599 = tpu.memref_squeeze %scatter3A_598 : memref<1x16x128xf32, #tpu.memory_space<vmem>> -> memref<16x128xf32, #tpu.memory_space<vmem>>
        tpu.vector_store_idx %scatter3A_599[%iota3A, %add3A_595], %gather3A_592 masked %and3A_189 : memref<16x128xf32, #tpu.memory_space<vmem>>[vector<16xi32>, vector<16xi32>], vector<16xf32>, vector<16xi1>
        %add3A_600 = arith.constant 27 : i32
        %add3A_601 = vector.broadcast %add3A_600 : i32 to vector<16xi32>
        %add3A_602 = arith.addi %add3A_601, %broadcast_in_dim3A_3 : vector<16xi32>
        %gather3A_603 = arith.constant 0 : i32
        %gather3A_604 = arith.constant 0 : i32
        %gather3A_605 = tpu.memref_slice %arg9[%and3A_126, %gather3A_603, %gather3A_604] : memref<2x64x768xf32, #tpu.memory_space<vmem>> -> memref<1x64x768xf32, #tpu.memory_space<vmem>>
        %gather3A_606 = tpu.memref_squeeze %gather3A_605 : memref<1x64x768xf32, #tpu.memory_space<vmem>> -> memref<64x768xf32, #tpu.memory_space<vmem>>
        %gather3A_607 = tpu.vector_load_idx %gather3A_606[%add3A_602, %min3A_194] masked %and3A_189 : memref<64x768xf32, #tpu.memory_space<vmem>>[vector<16xi32>, vector<16xi32>], vector<16xf32>, vector<16xi1>
        %add3A_608 = arith.constant 27 : i32
        %add3A_609 = vector.broadcast %add3A_608 : i32 to vector<16xi32>
        %add3A_610 = arith.addi %add3A_609, %broadcast_in_dim3A_3 : vector<16xi32>
        %scatter3A_611 = arith.constant 0 : i32
        %scatter3A_612 = arith.constant 0 : i32
        %scatter3A_613 = tpu.memref_slice %arg10[%and3A_196, %scatter3A_611, %scatter3A_612] : memref<4x16x128xf32, #tpu.memory_space<vmem>> -> memref<1x16x128xf32, #tpu.memory_space<vmem>>
        %scatter3A_614 = tpu.memref_squeeze %scatter3A_613 : memref<1x16x128xf32, #tpu.memory_space<vmem>> -> memref<16x128xf32, #tpu.memory_space<vmem>>
        tpu.vector_store_idx %scatter3A_614[%iota3A, %add3A_610], %gather3A_607 masked %and3A_189 : memref<16x128xf32, #tpu.memory_space<vmem>>[vector<16xi32>, vector<16xi32>], vector<16xf32>, vector<16xi1>
        %add3A_615 = arith.constant 28 : i32
        %add3A_616 = vector.broadcast %add3A_615 : i32 to vector<16xi32>
        %add3A_617 = arith.addi %add3A_616, %broadcast_in_dim3A_3 : vector<16xi32>
        %gather3A_618 = arith.constant 0 : i32
        %gather3A_619 = arith.constant 0 : i32
        %gather3A_620 = tpu.memref_slice %arg9[%and3A_126, %gather3A_618, %gather3A_619] : memref<2x64x768xf32, #tpu.memory_space<vmem>> -> memref<1x64x768xf32, #tpu.memory_space<vmem>>
        %gather3A_621 = tpu.memref_squeeze %gather3A_620 : memref<1x64x768xf32, #tpu.memory_space<vmem>> -> memref<64x768xf32, #tpu.memory_space<vmem>>
        %gather3A_622 = tpu.vector_load_idx %gather3A_621[%add3A_617, %min3A_194] masked %and3A_189 : memref<64x768xf32, #tpu.memory_space<vmem>>[vector<16xi32>, vector<16xi32>], vector<16xf32>, vector<16xi1>
        %add3A_623 = arith.constant 28 : i32
        %add3A_624 = vector.broadcast %add3A_623 : i32 to vector<16xi32>
        %add3A_625 = arith.addi %add3A_624, %broadcast_in_dim3A_3 : vector<16xi32>
        %scatter3A_626 = arith.constant 0 : i32
        %scatter3A_627 = arith.constant 0 : i32
        %scatter3A_628 = tpu.memref_slice %arg10[%and3A_196, %scatter3A_626, %scatter3A_627] : memref<4x16x128xf32, #tpu.memory_space<vmem>> -> memref<1x16x128xf32, #tpu.memory_space<vmem>>
        %scatter3A_629 = tpu.memref_squeeze %scatter3A_628 : memref<1x16x128xf32, #tpu.memory_space<vmem>> -> memref<16x128xf32, #tpu.memory_space<vmem>>
        tpu.vector_store_idx %scatter3A_629[%iota3A, %add3A_625], %gather3A_622 masked %and3A_189 : memref<16x128xf32, #tpu.memory_space<vmem>>[vector<16xi32>, vector<16xi32>], vector<16xf32>, vector<16xi1>
        %add3A_630 = arith.constant 29 : i32
        %add3A_631 = vector.broadcast %add3A_630 : i32 to vector<16xi32>
        %add3A_632 = arith.addi %add3A_631, %broadcast_in_dim3A_3 : vector<16xi32>
        %gather3A_633 = arith.constant 0 : i32
        %gather3A_634 = arith.constant 0 : i32
        %gather3A_635 = tpu.memref_slice %arg9[%and3A_126, %gather3A_633, %gather3A_634] : memref<2x64x768xf32, #tpu.memory_space<vmem>> -> memref<1x64x768xf32, #tpu.memory_space<vmem>>
        %gather3A_636 = tpu.memref_squeeze %gather3A_635 : memref<1x64x768xf32, #tpu.memory_space<vmem>> -> memref<64x768xf32, #tpu.memory_space<vmem>>
        %gather3A_637 = tpu.vector_load_idx %gather3A_636[%add3A_632, %min3A_194] masked %and3A_189 : memref<64x768xf32, #tpu.memory_space<vmem>>[vector<16xi32>, vector<16xi32>], vector<16xf32>, vector<16xi1>
        %add3A_638 = arith.constant 29 : i32
        %add3A_639 = vector.broadcast %add3A_638 : i32 to vector<16xi32>
        %add3A_640 = arith.addi %add3A_639, %broadcast_in_dim3A_3 : vector<16xi32>
        %scatter3A_641 = arith.constant 0 : i32
        %scatter3A_642 = arith.constant 0 : i32
        %scatter3A_643 = tpu.memref_slice %arg10[%and3A_196, %scatter3A_641, %scatter3A_642] : memref<4x16x128xf32, #tpu.memory_space<vmem>> -> memref<1x16x128xf32, #tpu.memory_space<vmem>>
        %scatter3A_644 = tpu.memref_squeeze %scatter3A_643 : memref<1x16x128xf32, #tpu.memory_space<vmem>> -> memref<16x128xf32, #tpu.memory_space<vmem>>
        tpu.vector_store_idx %scatter3A_644[%iota3A, %add3A_640], %gather3A_637 masked %and3A_189 : memref<16x128xf32, #tpu.memory_space<vmem>>[vector<16xi32>, vector<16xi32>], vector<16xf32>, vector<16xi1>
        %add3A_645 = arith.constant 30 : i32
        %add3A_646 = vector.broadcast %add3A_645 : i32 to vector<16xi32>
        %add3A_647 = arith.addi %add3A_646, %broadcast_in_dim3A_3 : vector<16xi32>
        %gather3A_648 = arith.constant 0 : i32
        %gather3A_649 = arith.constant 0 : i32
        %gather3A_650 = tpu.memref_slice %arg9[%and3A_126, %gather3A_648, %gather3A_649] : memref<2x64x768xf32, #tpu.memory_space<vmem>> -> memref<1x64x768xf32, #tpu.memory_space<vmem>>
        %gather3A_651 = tpu.memref_squeeze %gather3A_650 : memref<1x64x768xf32, #tpu.memory_space<vmem>> -> memref<64x768xf32, #tpu.memory_space<vmem>>
        %gather3A_652 = tpu.vector_load_idx %gather3A_651[%add3A_647, %min3A_194] masked %and3A_189 : memref<64x768xf32, #tpu.memory_space<vmem>>[vector<16xi32>, vector<16xi32>], vector<16xf32>, vector<16xi1>
        %add3A_653 = arith.constant 30 : i32
        %add3A_654 = vector.broadcast %add3A_653 : i32 to vector<16xi32>
        %add3A_655 = arith.addi %add3A_654, %broadcast_in_dim3A_3 : vector<16xi32>
        %scatter3A_656 = arith.constant 0 : i32
        %scatter3A_657 = arith.constant 0 : i32
        %scatter3A_658 = tpu.memref_slice %arg10[%and3A_196, %scatter3A_656, %scatter3A_657] : memref<4x16x128xf32, #tpu.memory_space<vmem>> -> memref<1x16x128xf32, #tpu.memory_space<vmem>>
        %scatter3A_659 = tpu.memref_squeeze %scatter3A_658 : memref<1x16x128xf32, #tpu.memory_space<vmem>> -> memref<16x128xf32, #tpu.memory_space<vmem>>
        tpu.vector_store_idx %scatter3A_659[%iota3A, %add3A_655], %gather3A_652 masked %and3A_189 : memref<16x128xf32, #tpu.memory_space<vmem>>[vector<16xi32>, vector<16xi32>], vector<16xf32>, vector<16xi1>
        %add3A_660 = arith.constant 31 : i32
        %add3A_661 = vector.broadcast %add3A_660 : i32 to vector<16xi32>
        %add3A_662 = arith.addi %add3A_661, %broadcast_in_dim3A_3 : vector<16xi32>
        %gather3A_663 = arith.constant 0 : i32
        %gather3A_664 = arith.constant 0 : i32
        %gather3A_665 = tpu.memref_slice %arg9[%and3A_126, %gather3A_663, %gather3A_664] : memref<2x64x768xf32, #tpu.memory_space<vmem>> -> memref<1x64x768xf32, #tpu.memory_space<vmem>>
        %gather3A_666 = tpu.memref_squeeze %gather3A_665 : memref<1x64x768xf32, #tpu.memory_space<vmem>> -> memref<64x768xf32, #tpu.memory_space<vmem>>
        %gather3A_667 = tpu.vector_load_idx %gather3A_666[%add3A_662, %min3A_194] masked %and3A_189 : memref<64x768xf32, #tpu.memory_space<vmem>>[vector<16xi32>, vector<16xi32>], vector<16xf32>, vector<16xi1>
        %add3A_668 = arith.constant 31 : i32
        %add3A_669 = vector.broadcast %add3A_668 : i32 to vector<16xi32>
        %add3A_670 = arith.addi %add3A_669, %broadcast_in_dim3A_3 : vector<16xi32>
        %scatter3A_671 = arith.constant 0 : i32
        %scatter3A_672 = arith.constant 0 : i32
        %scatter3A_673 = tpu.memref_slice %arg10[%and3A_196, %scatter3A_671, %scatter3A_672] : memref<4x16x128xf32, #tpu.memory_space<vmem>> -> memref<1x16x128xf32, #tpu.memory_space<vmem>>
        %scatter3A_674 = tpu.memref_squeeze %scatter3A_673 : memref<1x16x128xf32, #tpu.memory_space<vmem>> -> memref<16x128xf32, #tpu.memory_space<vmem>>
        tpu.vector_store_idx %scatter3A_674[%iota3A, %add3A_670], %gather3A_667 masked %and3A_189 : memref<16x128xf32, #tpu.memory_space<vmem>>[vector<16xi32>, vector<16xi32>], vector<16xf32>, vector<16xi1>
        %add3A_675 = arith.constant 32 : i32
        %add3A_676 = vector.broadcast %add3A_675 : i32 to vector<16xi32>
        %add3A_677 = arith.addi %add3A_676, %broadcast_in_dim3A_3 : vector<16xi32>
        %gather3A_678 = arith.constant 0 : i32
        %gather3A_679 = arith.constant 0 : i32
        %gather3A_680 = tpu.memref_slice %arg9[%and3A_126, %gather3A_678, %gather3A_679] : memref<2x64x768xf32, #tpu.memory_space<vmem>> -> memref<1x64x768xf32, #tpu.memory_space<vmem>>
        %gather3A_681 = tpu.memref_squeeze %gather3A_680 : memref<1x64x768xf32, #tpu.memory_space<vmem>> -> memref<64x768xf32, #tpu.memory_space<vmem>>
        %gather3A_682 = tpu.vector_load_idx %gather3A_681[%add3A_677, %min3A_194] masked %and3A_189 : memref<64x768xf32, #tpu.memory_space<vmem>>[vector<16xi32>, vector<16xi32>], vector<16xf32>, vector<16xi1>
        %add3A_683 = arith.constant 32 : i32
        %add3A_684 = vector.broadcast %add3A_683 : i32 to vector<16xi32>
        %add3A_685 = arith.addi %add3A_684, %broadcast_in_dim3A_3 : vector<16xi32>
        %scatter3A_686 = arith.constant 0 : i32
        %scatter3A_687 = arith.constant 0 : i32
        %scatter3A_688 = tpu.memref_slice %arg10[%and3A_196, %scatter3A_686, %scatter3A_687] : memref<4x16x128xf32, #tpu.memory_space<vmem>> -> memref<1x16x128xf32, #tpu.memory_space<vmem>>
        %scatter3A_689 = tpu.memref_squeeze %scatter3A_688 : memref<1x16x128xf32, #tpu.memory_space<vmem>> -> memref<16x128xf32, #tpu.memory_space<vmem>>
        tpu.vector_store_idx %scatter3A_689[%iota3A, %add3A_685], %gather3A_682 masked %and3A_189 : memref<16x128xf32, #tpu.memory_space<vmem>>[vector<16xi32>, vector<16xi32>], vector<16xf32>, vector<16xi1>
        %add3A_690 = arith.constant 33 : i32
        %add3A_691 = vector.broadcast %add3A_690 : i32 to vector<16xi32>
        %add3A_692 = arith.addi %add3A_691, %broadcast_in_dim3A_3 : vector<16xi32>
        %gather3A_693 = arith.constant 0 : i32
        %gather3A_694 = arith.constant 0 : i32
        %gather3A_695 = tpu.memref_slice %arg9[%and3A_126, %gather3A_693, %gather3A_694] : memref<2x64x768xf32, #tpu.memory_space<vmem>> -> memref<1x64x768xf32, #tpu.memory_space<vmem>>
        %gather3A_696 = tpu.memref_squeeze %gather3A_695 : memref<1x64x768xf32, #tpu.memory_space<vmem>> -> memref<64x768xf32, #tpu.memory_space<vmem>>
        %gather3A_697 = tpu.vector_load_idx %gather3A_696[%add3A_692, %min3A_194] masked %and3A_189 : memref<64x768xf32, #tpu.memory_space<vmem>>[vector<16xi32>, vector<16xi32>], vector<16xf32>, vector<16xi1>
        %add3A_698 = arith.constant 33 : i32
        %add3A_699 = vector.broadcast %add3A_698 : i32 to vector<16xi32>
        %add3A_700 = arith.addi %add3A_699, %broadcast_in_dim3A_3 : vector<16xi32>
        %scatter3A_701 = arith.constant 0 : i32
        %scatter3A_702 = arith.constant 0 : i32
        %scatter3A_703 = tpu.memref_slice %arg10[%and3A_196, %scatter3A_701, %scatter3A_702] : memref<4x16x128xf32, #tpu.memory_space<vmem>> -> memref<1x16x128xf32, #tpu.memory_space<vmem>>
        %scatter3A_704 = tpu.memref_squeeze %scatter3A_703 : memref<1x16x128xf32, #tpu.memory_space<vmem>> -> memref<16x128xf32, #tpu.memory_space<vmem>>
        tpu.vector_store_idx %scatter3A_704[%iota3A, %add3A_700], %gather3A_697 masked %and3A_189 : memref<16x128xf32, #tpu.memory_space<vmem>>[vector<16xi32>, vector<16xi32>], vector<16xf32>, vector<16xi1>
        %add3A_705 = arith.constant 34 : i32
        %add3A_706 = vector.broadcast %add3A_705 : i32 to vector<16xi32>
        %add3A_707 = arith.addi %add3A_706, %broadcast_in_dim3A_3 : vector<16xi32>
        %gather3A_708 = arith.constant 0 : i32
        %gather3A_709 = arith.constant 0 : i32
        %gather3A_710 = tpu.memref_slice %arg9[%and3A_126, %gather3A_708, %gather3A_709] : memref<2x64x768xf32, #tpu.memory_space<vmem>> -> memref<1x64x768xf32, #tpu.memory_space<vmem>>
        %gather3A_711 = tpu.memref_squeeze %gather3A_710 : memref<1x64x768xf32, #tpu.memory_space<vmem>> -> memref<64x768xf32, #tpu.memory_space<vmem>>
        %gather3A_712 = tpu.vector_load_idx %gather3A_711[%add3A_707, %min3A_194] masked %and3A_189 : memref<64x768xf32, #tpu.memory_space<vmem>>[vector<16xi32>, vector<16xi32>], vector<16xf32>, vector<16xi1>
        %add3A_713 = arith.constant 34 : i32
        %add3A_714 = vector.broadcast %add3A_713 : i32 to vector<16xi32>
        %add3A_715 = arith.addi %add3A_714, %broadcast_in_dim3A_3 : vector<16xi32>
        %scatter3A_716 = arith.constant 0 : i32
        %scatter3A_717 = arith.constant 0 : i32
        %scatter3A_718 = tpu.memref_slice %arg10[%and3A_196, %scatter3A_716, %scatter3A_717] : memref<4x16x128xf32, #tpu.memory_space<vmem>> -> memref<1x16x128xf32, #tpu.memory_space<vmem>>
        %scatter3A_719 = tpu.memref_squeeze %scatter3A_718 : memref<1x16x128xf32, #tpu.memory_space<vmem>> -> memref<16x128xf32, #tpu.memory_space<vmem>>
        tpu.vector_store_idx %scatter3A_719[%iota3A, %add3A_715], %gather3A_712 masked %and3A_189 : memref<16x128xf32, #tpu.memory_space<vmem>>[vector<16xi32>, vector<16xi32>], vector<16xf32>, vector<16xi1>
        %add3A_720 = arith.constant 35 : i32
        %add3A_721 = vector.broadcast %add3A_720 : i32 to vector<16xi32>
        %add3A_722 = arith.addi %add3A_721, %broadcast_in_dim3A_3 : vector<16xi32>
        %gather3A_723 = arith.constant 0 : i32
        %gather3A_724 = arith.constant 0 : i32
        %gather3A_725 = tpu.memref_slice %arg9[%and3A_126, %gather3A_723, %gather3A_724] : memref<2x64x768xf32, #tpu.memory_space<vmem>> -> memref<1x64x768xf32, #tpu.memory_space<vmem>>
        %gather3A_726 = tpu.memref_squeeze %gather3A_725 : memref<1x64x768xf32, #tpu.memory_space<vmem>> -> memref<64x768xf32, #tpu.memory_space<vmem>>
        %gather3A_727 = tpu.vector_load_idx %gather3A_726[%add3A_722, %min3A_194] masked %and3A_189 : memref<64x768xf32, #tpu.memory_space<vmem>>[vector<16xi32>, vector<16xi32>], vector<16xf32>, vector<16xi1>
        %add3A_728 = arith.constant 35 : i32
        %add3A_729 = vector.broadcast %add3A_728 : i32 to vector<16xi32>
        %add3A_730 = arith.addi %add3A_729, %broadcast_in_dim3A_3 : vector<16xi32>
        %scatter3A_731 = arith.constant 0 : i32
        %scatter3A_732 = arith.constant 0 : i32
        %scatter3A_733 = tpu.memref_slice %arg10[%and3A_196, %scatter3A_731, %scatter3A_732] : memref<4x16x128xf32, #tpu.memory_space<vmem>> -> memref<1x16x128xf32, #tpu.memory_space<vmem>>
        %scatter3A_734 = tpu.memref_squeeze %scatter3A_733 : memref<1x16x128xf32, #tpu.memory_space<vmem>> -> memref<16x128xf32, #tpu.memory_space<vmem>>
        tpu.vector_store_idx %scatter3A_734[%iota3A, %add3A_730], %gather3A_727 masked %and3A_189 : memref<16x128xf32, #tpu.memory_space<vmem>>[vector<16xi32>, vector<16xi32>], vector<16xf32>, vector<16xi1>
        %add3A_735 = arith.constant 36 : i32
        %add3A_736 = vector.broadcast %add3A_735 : i32 to vector<16xi32>
        %add3A_737 = arith.addi %add3A_736, %broadcast_in_dim3A_3 : vector<16xi32>
        %gather3A_738 = arith.constant 0 : i32
        %gather3A_739 = arith.constant 0 : i32
        %gather3A_740 = tpu.memref_slice %arg9[%and3A_126, %gather3A_738, %gather3A_739] : memref<2x64x768xf32, #tpu.memory_space<vmem>> -> memref<1x64x768xf32, #tpu.memory_space<vmem>>
        %gather3A_741 = tpu.memref_squeeze %gather3A_740 : memref<1x64x768xf32, #tpu.memory_space<vmem>> -> memref<64x768xf32, #tpu.memory_space<vmem>>
        %gather3A_742 = tpu.vector_load_idx %gather3A_741[%add3A_737, %min3A_194] masked %and3A_189 : memref<64x768xf32, #tpu.memory_space<vmem>>[vector<16xi32>, vector<16xi32>], vector<16xf32>, vector<16xi1>
        %add3A_743 = arith.constant 36 : i32
        %add3A_744 = vector.broadcast %add3A_743 : i32 to vector<16xi32>
        %add3A_745 = arith.addi %add3A_744, %broadcast_in_dim3A_3 : vector<16xi32>
        %scatter3A_746 = arith.constant 0 : i32
        %scatter3A_747 = arith.constant 0 : i32
        %scatter3A_748 = tpu.memref_slice %arg10[%and3A_196, %scatter3A_746, %scatter3A_747] : memref<4x16x128xf32, #tpu.memory_space<vmem>> -> memref<1x16x128xf32, #tpu.memory_space<vmem>>
        %scatter3A_749 = tpu.memref_squeeze %scatter3A_748 : memref<1x16x128xf32, #tpu.memory_space<vmem>> -> memref<16x128xf32, #tpu.memory_space<vmem>>
        tpu.vector_store_idx %scatter3A_749[%iota3A, %add3A_745], %gather3A_742 masked %and3A_189 : memref<16x128xf32, #tpu.memory_space<vmem>>[vector<16xi32>, vector<16xi32>], vector<16xf32>, vector<16xi1>
        %add3A_750 = arith.constant 37 : i32
        %add3A_751 = vector.broadcast %add3A_750 : i32 to vector<16xi32>
        %add3A_752 = arith.addi %add3A_751, %broadcast_in_dim3A_3 : vector<16xi32>
        %gather3A_753 = arith.constant 0 : i32
        %gather3A_754 = arith.constant 0 : i32
        %gather3A_755 = tpu.memref_slice %arg9[%and3A_126, %gather3A_753, %gather3A_754] : memref<2x64x768xf32, #tpu.memory_space<vmem>> -> memref<1x64x768xf32, #tpu.memory_space<vmem>>
        %gather3A_756 = tpu.memref_squeeze %gather3A_755 : memref<1x64x768xf32, #tpu.memory_space<vmem>> -> memref<64x768xf32, #tpu.memory_space<vmem>>
        %gather3A_757 = tpu.vector_load_idx %gather3A_756[%add3A_752, %min3A_194] masked %and3A_189 : memref<64x768xf32, #tpu.memory_space<vmem>>[vector<16xi32>, vector<16xi32>], vector<16xf32>, vector<16xi1>
        %add3A_758 = arith.constant 37 : i32
        %add3A_759 = vector.broadcast %add3A_758 : i32 to vector<16xi32>
        %add3A_760 = arith.addi %add3A_759, %broadcast_in_dim3A_3 : vector<16xi32>
        %scatter3A_761 = arith.constant 0 : i32
        %scatter3A_762 = arith.constant 0 : i32
        %scatter3A_763 = tpu.memref_slice %arg10[%and3A_196, %scatter3A_761, %scatter3A_762] : memref<4x16x128xf32, #tpu.memory_space<vmem>> -> memref<1x16x128xf32, #tpu.memory_space<vmem>>
        %scatter3A_764 = tpu.memref_squeeze %scatter3A_763 : memref<1x16x128xf32, #tpu.memory_space<vmem>> -> memref<16x128xf32, #tpu.memory_space<vmem>>
        tpu.vector_store_idx %scatter3A_764[%iota3A, %add3A_760], %gather3A_757 masked %and3A_189 : memref<16x128xf32, #tpu.memory_space<vmem>>[vector<16xi32>, vector<16xi32>], vector<16xf32>, vector<16xi1>
        %add3A_765 = arith.constant 38 : i32
        %add3A_766 = vector.broadcast %add3A_765 : i32 to vector<16xi32>
        %add3A_767 = arith.addi %add3A_766, %broadcast_in_dim3A_3 : vector<16xi32>
        %gather3A_768 = arith.constant 0 : i32
        %gather3A_769 = arith.constant 0 : i32
        %gather3A_770 = tpu.memref_slice %arg9[%and3A_126, %gather3A_768, %gather3A_769] : memref<2x64x768xf32, #tpu.memory_space<vmem>> -> memref<1x64x768xf32, #tpu.memory_space<vmem>>
        %gather3A_771 = tpu.memref_squeeze %gather3A_770 : memref<1x64x768xf32, #tpu.memory_space<vmem>> -> memref<64x768xf32, #tpu.memory_space<vmem>>
        %gather3A_772 = tpu.vector_load_idx %gather3A_771[%add3A_767, %min3A_194] masked %and3A_189 : memref<64x768xf32, #tpu.memory_space<vmem>>[vector<16xi32>, vector<16xi32>], vector<16xf32>, vector<16xi1>
        %add3A_773 = arith.constant 38 : i32
        %add3A_774 = vector.broadcast %add3A_773 : i32 to vector<16xi32>
        %add3A_775 = arith.addi %add3A_774, %broadcast_in_dim3A_3 : vector<16xi32>
        %scatter3A_776 = arith.constant 0 : i32
        %scatter3A_777 = arith.constant 0 : i32
        %scatter3A_778 = tpu.memref_slice %arg10[%and3A_196, %scatter3A_776, %scatter3A_777] : memref<4x16x128xf32, #tpu.memory_space<vmem>> -> memref<1x16x128xf32, #tpu.memory_space<vmem>>
        %scatter3A_779 = tpu.memref_squeeze %scatter3A_778 : memref<1x16x128xf32, #tpu.memory_space<vmem>> -> memref<16x128xf32, #tpu.memory_space<vmem>>
        tpu.vector_store_idx %scatter3A_779[%iota3A, %add3A_775], %gather3A_772 masked %and3A_189 : memref<16x128xf32, #tpu.memory_space<vmem>>[vector<16xi32>, vector<16xi32>], vector<16xf32>, vector<16xi1>
        %add3A_780 = arith.constant 39 : i32
        %add3A_781 = vector.broadcast %add3A_780 : i32 to vector<16xi32>
        %add3A_782 = arith.addi %add3A_781, %broadcast_in_dim3A_3 : vector<16xi32>
        %gather3A_783 = arith.constant 0 : i32
        %gather3A_784 = arith.constant 0 : i32
        %gather3A_785 = tpu.memref_slice %arg9[%and3A_126, %gather3A_783, %gather3A_784] : memref<2x64x768xf32, #tpu.memory_space<vmem>> -> memref<1x64x768xf32, #tpu.memory_space<vmem>>
        %gather3A_786 = tpu.memref_squeeze %gather3A_785 : memref<1x64x768xf32, #tpu.memory_space<vmem>> -> memref<64x768xf32, #tpu.memory_space<vmem>>
        %gather3A_787 = tpu.vector_load_idx %gather3A_786[%add3A_782, %min3A_194] masked %and3A_189 : memref<64x768xf32, #tpu.memory_space<vmem>>[vector<16xi32>, vector<16xi32>], vector<16xf32>, vector<16xi1>
        %add3A_788 = arith.constant 39 : i32
        %add3A_789 = vector.broadcast %add3A_788 : i32 to vector<16xi32>
        %add3A_790 = arith.addi %add3A_789, %broadcast_in_dim3A_3 : vector<16xi32>
        %scatter3A_791 = arith.constant 0 : i32
        %scatter3A_792 = arith.constant 0 : i32
        %scatter3A_793 = tpu.memref_slice %arg10[%and3A_196, %scatter3A_791, %scatter3A_792] : memref<4x16x128xf32, #tpu.memory_space<vmem>> -> memref<1x16x128xf32, #tpu.memory_space<vmem>>
        %scatter3A_794 = tpu.memref_squeeze %scatter3A_793 : memref<1x16x128xf32, #tpu.memory_space<vmem>> -> memref<16x128xf32, #tpu.memory_space<vmem>>
        tpu.vector_store_idx %scatter3A_794[%iota3A, %add3A_790], %gather3A_787 masked %and3A_189 : memref<16x128xf32, #tpu.memory_space<vmem>>[vector<16xi32>, vector<16xi32>], vector<16xf32>, vector<16xi1>
        %add3A_795 = arith.constant 40 : i32
        %add3A_796 = vector.broadcast %add3A_795 : i32 to vector<16xi32>
        %add3A_797 = arith.addi %add3A_796, %broadcast_in_dim3A_3 : vector<16xi32>
        %gather3A_798 = arith.constant 0 : i32
        %gather3A_799 = arith.constant 0 : i32
        %gather3A_800 = tpu.memref_slice %arg9[%and3A_126, %gather3A_798, %gather3A_799] : memref<2x64x768xf32, #tpu.memory_space<vmem>> -> memref<1x64x768xf32, #tpu.memory_space<vmem>>
        %gather3A_801 = tpu.memref_squeeze %gather3A_800 : memref<1x64x768xf32, #tpu.memory_space<vmem>> -> memref<64x768xf32, #tpu.memory_space<vmem>>
        %gather3A_802 = tpu.vector_load_idx %gather3A_801[%add3A_797, %min3A_194] masked %and3A_189 : memref<64x768xf32, #tpu.memory_space<vmem>>[vector<16xi32>, vector<16xi32>], vector<16xf32>, vector<16xi1>
        %add3A_803 = arith.constant 40 : i32
        %add3A_804 = vector.broadcast %add3A_803 : i32 to vector<16xi32>
        %add3A_805 = arith.addi %add3A_804, %broadcast_in_dim3A_3 : vector<16xi32>
        %scatter3A_806 = arith.constant 0 : i32
        %scatter3A_807 = arith.constant 0 : i32
        %scatter3A_808 = tpu.memref_slice %arg10[%and3A_196, %scatter3A_806, %scatter3A_807] : memref<4x16x128xf32, #tpu.memory_space<vmem>> -> memref<1x16x128xf32, #tpu.memory_space<vmem>>
        %scatter3A_809 = tpu.memref_squeeze %scatter3A_808 : memref<1x16x128xf32, #tpu.memory_space<vmem>> -> memref<16x128xf32, #tpu.memory_space<vmem>>
        tpu.vector_store_idx %scatter3A_809[%iota3A, %add3A_805], %gather3A_802 masked %and3A_189 : memref<16x128xf32, #tpu.memory_space<vmem>>[vector<16xi32>, vector<16xi32>], vector<16xf32>, vector<16xi1>
        %add3A_810 = arith.constant 41 : i32
        %add3A_811 = vector.broadcast %add3A_810 : i32 to vector<16xi32>
        %add3A_812 = arith.addi %add3A_811, %broadcast_in_dim3A_3 : vector<16xi32>
        %gather3A_813 = arith.constant 0 : i32
        %gather3A_814 = arith.constant 0 : i32
        %gather3A_815 = tpu.memref_slice %arg9[%and3A_126, %gather3A_813, %gather3A_814] : memref<2x64x768xf32, #tpu.memory_space<vmem>> -> memref<1x64x768xf32, #tpu.memory_space<vmem>>
        %gather3A_816 = tpu.memref_squeeze %gather3A_815 : memref<1x64x768xf32, #tpu.memory_space<vmem>> -> memref<64x768xf32, #tpu.memory_space<vmem>>
        %gather3A_817 = tpu.vector_load_idx %gather3A_816[%add3A_812, %min3A_194] masked %and3A_189 : memref<64x768xf32, #tpu.memory_space<vmem>>[vector<16xi32>, vector<16xi32>], vector<16xf32>, vector<16xi1>
        %add3A_818 = arith.constant 41 : i32
        %add3A_819 = vector.broadcast %add3A_818 : i32 to vector<16xi32>
        %add3A_820 = arith.addi %add3A_819, %broadcast_in_dim3A_3 : vector<16xi32>
        %scatter3A_821 = arith.constant 0 : i32
        %scatter3A_822 = arith.constant 0 : i32
        %scatter3A_823 = tpu.memref_slice %arg10[%and3A_196, %scatter3A_821, %scatter3A_822] : memref<4x16x128xf32, #tpu.memory_space<vmem>> -> memref<1x16x128xf32, #tpu.memory_space<vmem>>
        %scatter3A_824 = tpu.memref_squeeze %scatter3A_823 : memref<1x16x128xf32, #tpu.memory_space<vmem>> -> memref<16x128xf32, #tpu.memory_space<vmem>>
        tpu.vector_store_idx %scatter3A_824[%iota3A, %add3A_820], %gather3A_817 masked %and3A_189 : memref<16x128xf32, #tpu.memory_space<vmem>>[vector<16xi32>, vector<16xi32>], vector<16xf32>, vector<16xi1>
        %add3A_825 = arith.constant 42 : i32
        %add3A_826 = vector.broadcast %add3A_825 : i32 to vector<16xi32>
        %add3A_827 = arith.addi %add3A_826, %broadcast_in_dim3A_3 : vector<16xi32>
        %gather3A_828 = arith.constant 0 : i32
        %gather3A_829 = arith.constant 0 : i32
        %gather3A_830 = tpu.memref_slice %arg9[%and3A_126, %gather3A_828, %gather3A_829] : memref<2x64x768xf32, #tpu.memory_space<vmem>> -> memref<1x64x768xf32, #tpu.memory_space<vmem>>
        %gather3A_831 = tpu.memref_squeeze %gather3A_830 : memref<1x64x768xf32, #tpu.memory_space<vmem>> -> memref<64x768xf32, #tpu.memory_space<vmem>>
        %gather3A_832 = tpu.vector_load_idx %gather3A_831[%add3A_827, %min3A_194] masked %and3A_189 : memref<64x768xf32, #tpu.memory_space<vmem>>[vector<16xi32>, vector<16xi32>], vector<16xf32>, vector<16xi1>
        %add3A_833 = arith.constant 42 : i32
        %add3A_834 = vector.broadcast %add3A_833 : i32 to vector<16xi32>
        %add3A_835 = arith.addi %add3A_834, %broadcast_in_dim3A_3 : vector<16xi32>
        %scatter3A_836 = arith.constant 0 : i32
        %scatter3A_837 = arith.constant 0 : i32
        %scatter3A_838 = tpu.memref_slice %arg10[%and3A_196, %scatter3A_836, %scatter3A_837] : memref<4x16x128xf32, #tpu.memory_space<vmem>> -> memref<1x16x128xf32, #tpu.memory_space<vmem>>
        %scatter3A_839 = tpu.memref_squeeze %scatter3A_838 : memref<1x16x128xf32, #tpu.memory_space<vmem>> -> memref<16x128xf32, #tpu.memory_space<vmem>>
        tpu.vector_store_idx %scatter3A_839[%iota3A, %add3A_835], %gather3A_832 masked %and3A_189 : memref<16x128xf32, #tpu.memory_space<vmem>>[vector<16xi32>, vector<16xi32>], vector<16xf32>, vector<16xi1>
        %add3A_840 = arith.constant 43 : i32
        %add3A_841 = vector.broadcast %add3A_840 : i32 to vector<16xi32>
        %add3A_842 = arith.addi %add3A_841, %broadcast_in_dim3A_3 : vector<16xi32>
        %gather3A_843 = arith.constant 0 : i32
        %gather3A_844 = arith.constant 0 : i32
        %gather3A_845 = tpu.memref_slice %arg9[%and3A_126, %gather3A_843, %gather3A_844] : memref<2x64x768xf32, #tpu.memory_space<vmem>> -> memref<1x64x768xf32, #tpu.memory_space<vmem>>
        %gather3A_846 = tpu.memref_squeeze %gather3A_845 : memref<1x64x768xf32, #tpu.memory_space<vmem>> -> memref<64x768xf32, #tpu.memory_space<vmem>>
        %gather3A_847 = tpu.vector_load_idx %gather3A_846[%add3A_842, %min3A_194] masked %and3A_189 : memref<64x768xf32, #tpu.memory_space<vmem>>[vector<16xi32>, vector<16xi32>], vector<16xf32>, vector<16xi1>
        %add3A_848 = arith.constant 43 : i32
        %add3A_849 = vector.broadcast %add3A_848 : i32 to vector<16xi32>
        %add3A_850 = arith.addi %add3A_849, %broadcast_in_dim3A_3 : vector<16xi32>
        %scatter3A_851 = arith.constant 0 : i32
        %scatter3A_852 = arith.constant 0 : i32
        %scatter3A_853 = tpu.memref_slice %arg10[%and3A_196, %scatter3A_851, %scatter3A_852] : memref<4x16x128xf32, #tpu.memory_space<vmem>> -> memref<1x16x128xf32, #tpu.memory_space<vmem>>
        %scatter3A_854 = tpu.memref_squeeze %scatter3A_853 : memref<1x16x128xf32, #tpu.memory_space<vmem>> -> memref<16x128xf32, #tpu.memory_space<vmem>>
        tpu.vector_store_idx %scatter3A_854[%iota3A, %add3A_850], %gather3A_847 masked %and3A_189 : memref<16x128xf32, #tpu.memory_space<vmem>>[vector<16xi32>, vector<16xi32>], vector<16xf32>, vector<16xi1>
        %add3A_855 = arith.constant 44 : i32
        %add3A_856 = vector.broadcast %add3A_855 : i32 to vector<16xi32>
        %add3A_857 = arith.addi %add3A_856, %broadcast_in_dim3A_3 : vector<16xi32>
        %gather3A_858 = arith.constant 0 : i32
        %gather3A_859 = arith.constant 0 : i32
        %gather3A_860 = tpu.memref_slice %arg9[%and3A_126, %gather3A_858, %gather3A_859] : memref<2x64x768xf32, #tpu.memory_space<vmem>> -> memref<1x64x768xf32, #tpu.memory_space<vmem>>
        %gather3A_861 = tpu.memref_squeeze %gather3A_860 : memref<1x64x768xf32, #tpu.memory_space<vmem>> -> memref<64x768xf32, #tpu.memory_space<vmem>>
        %gather3A_862 = tpu.vector_load_idx %gather3A_861[%add3A_857, %min3A_194] masked %and3A_189 : memref<64x768xf32, #tpu.memory_space<vmem>>[vector<16xi32>, vector<16xi32>], vector<16xf32>, vector<16xi1>
        %add3A_863 = arith.constant 44 : i32
        %add3A_864 = vector.broadcast %add3A_863 : i32 to vector<16xi32>
        %add3A_865 = arith.addi %add3A_864, %broadcast_in_dim3A_3 : vector<16xi32>
        %scatter3A_866 = arith.constant 0 : i32
        %scatter3A_867 = arith.constant 0 : i32
        %scatter3A_868 = tpu.memref_slice %arg10[%and3A_196, %scatter3A_866, %scatter3A_867] : memref<4x16x128xf32, #tpu.memory_space<vmem>> -> memref<1x16x128xf32, #tpu.memory_space<vmem>>
        %scatter3A_869 = tpu.memref_squeeze %scatter3A_868 : memref<1x16x128xf32, #tpu.memory_space<vmem>> -> memref<16x128xf32, #tpu.memory_space<vmem>>
        tpu.vector_store_idx %scatter3A_869[%iota3A, %add3A_865], %gather3A_862 masked %and3A_189 : memref<16x128xf32, #tpu.memory_space<vmem>>[vector<16xi32>, vector<16xi32>], vector<16xf32>, vector<16xi1>
        %add3A_870 = arith.constant 45 : i32
        %add3A_871 = vector.broadcast %add3A_870 : i32 to vector<16xi32>
        %add3A_872 = arith.addi %add3A_871, %broadcast_in_dim3A_3 : vector<16xi32>
        %gather3A_873 = arith.constant 0 : i32
        %gather3A_874 = arith.constant 0 : i32
        %gather3A_875 = tpu.memref_slice %arg9[%and3A_126, %gather3A_873, %gather3A_874] : memref<2x64x768xf32, #tpu.memory_space<vmem>> -> memref<1x64x768xf32, #tpu.memory_space<vmem>>
        %gather3A_876 = tpu.memref_squeeze %gather3A_875 : memref<1x64x768xf32, #tpu.memory_space<vmem>> -> memref<64x768xf32, #tpu.memory_space<vmem>>
        %gather3A_877 = tpu.vector_load_idx %gather3A_876[%add3A_872, %min3A_194] masked %and3A_189 : memref<64x768xf32, #tpu.memory_space<vmem>>[vector<16xi32>, vector<16xi32>], vector<16xf32>, vector<16xi1>
        %add3A_878 = arith.constant 45 : i32
        %add3A_879 = vector.broadcast %add3A_878 : i32 to vector<16xi32>
        %add3A_880 = arith.addi %add3A_879, %broadcast_in_dim3A_3 : vector<16xi32>
        %scatter3A_881 = arith.constant 0 : i32
        %scatter3A_882 = arith.constant 0 : i32
        %scatter3A_883 = tpu.memref_slice %arg10[%and3A_196, %scatter3A_881, %scatter3A_882] : memref<4x16x128xf32, #tpu.memory_space<vmem>> -> memref<1x16x128xf32, #tpu.memory_space<vmem>>
        %scatter3A_884 = tpu.memref_squeeze %scatter3A_883 : memref<1x16x128xf32, #tpu.memory_space<vmem>> -> memref<16x128xf32, #tpu.memory_space<vmem>>
        tpu.vector_store_idx %scatter3A_884[%iota3A, %add3A_880], %gather3A_877 masked %and3A_189 : memref<16x128xf32, #tpu.memory_space<vmem>>[vector<16xi32>, vector<16xi32>], vector<16xf32>, vector<16xi1>
        %add3A_885 = arith.constant 46 : i32
        %add3A_886 = vector.broadcast %add3A_885 : i32 to vector<16xi32>
        %add3A_887 = arith.addi %add3A_886, %broadcast_in_dim3A_3 : vector<16xi32>
        %gather3A_888 = arith.constant 0 : i32
        %gather3A_889 = arith.constant 0 : i32
        %gather3A_890 = tpu.memref_slice %arg9[%and3A_126, %gather3A_888, %gather3A_889] : memref<2x64x768xf32, #tpu.memory_space<vmem>> -> memref<1x64x768xf32, #tpu.memory_space<vmem>>
        %gather3A_891 = tpu.memref_squeeze %gather3A_890 : memref<1x64x768xf32, #tpu.memory_space<vmem>> -> memref<64x768xf32, #tpu.memory_space<vmem>>
        %gather3A_892 = tpu.vector_load_idx %gather3A_891[%add3A_887, %min3A_194] masked %and3A_189 : memref<64x768xf32, #tpu.memory_space<vmem>>[vector<16xi32>, vector<16xi32>], vector<16xf32>, vector<16xi1>
        %add3A_893 = arith.constant 46 : i32
        %add3A_894 = vector.broadcast %add3A_893 : i32 to vector<16xi32>
        %add3A_895 = arith.addi %add3A_894, %broadcast_in_dim3A_3 : vector<16xi32>
        %scatter3A_896 = arith.constant 0 : i32
        %scatter3A_897 = arith.constant 0 : i32
        %scatter3A_898 = tpu.memref_slice %arg10[%and3A_196, %scatter3A_896, %scatter3A_897] : memref<4x16x128xf32, #tpu.memory_space<vmem>> -> memref<1x16x128xf32, #tpu.memory_space<vmem>>
        %scatter3A_899 = tpu.memref_squeeze %scatter3A_898 : memref<1x16x128xf32, #tpu.memory_space<vmem>> -> memref<16x128xf32, #tpu.memory_space<vmem>>
        tpu.vector_store_idx %scatter3A_899[%iota3A, %add3A_895], %gather3A_892 masked %and3A_189 : memref<16x128xf32, #tpu.memory_space<vmem>>[vector<16xi32>, vector<16xi32>], vector<16xf32>, vector<16xi1>
        %add3A_900 = arith.constant 47 : i32
        %add3A_901 = vector.broadcast %add3A_900 : i32 to vector<16xi32>
        %add3A_902 = arith.addi %add3A_901, %broadcast_in_dim3A_3 : vector<16xi32>
        %gather3A_903 = arith.constant 0 : i32
        %gather3A_904 = arith.constant 0 : i32
        %gather3A_905 = tpu.memref_slice %arg9[%and3A_126, %gather3A_903, %gather3A_904] : memref<2x64x768xf32, #tpu.memory_space<vmem>> -> memref<1x64x768xf32, #tpu.memory_space<vmem>>
        %gather3A_906 = tpu.memref_squeeze %gather3A_905 : memref<1x64x768xf32, #tpu.memory_space<vmem>> -> memref<64x768xf32, #tpu.memory_space<vmem>>
        %gather3A_907 = tpu.vector_load_idx %gather3A_906[%add3A_902, %min3A_194] masked %and3A_189 : memref<64x768xf32, #tpu.memory_space<vmem>>[vector<16xi32>, vector<16xi32>], vector<16xf32>, vector<16xi1>
        %add3A_908 = arith.constant 47 : i32
        %add3A_909 = vector.broadcast %add3A_908 : i32 to vector<16xi32>
        %add3A_910 = arith.addi %add3A_909, %broadcast_in_dim3A_3 : vector<16xi32>
        %scatter3A_911 = arith.constant 0 : i32
        %scatter3A_912 = arith.constant 0 : i32
        %scatter3A_913 = tpu.memref_slice %arg10[%and3A_196, %scatter3A_911, %scatter3A_912] : memref<4x16x128xf32, #tpu.memory_space<vmem>> -> memref<1x16x128xf32, #tpu.memory_space<vmem>>
        %scatter3A_914 = tpu.memref_squeeze %scatter3A_913 : memref<1x16x128xf32, #tpu.memory_space<vmem>> -> memref<16x128xf32, #tpu.memory_space<vmem>>
        tpu.vector_store_idx %scatter3A_914[%iota3A, %add3A_910], %gather3A_907 masked %and3A_189 : memref<16x128xf32, #tpu.memory_space<vmem>>[vector<16xi32>, vector<16xi32>], vector<16xf32>, vector<16xi1>
        %add3A_915 = arith.constant 48 : i32
        %add3A_916 = vector.broadcast %add3A_915 : i32 to vector<16xi32>
        %add3A_917 = arith.addi %add3A_916, %broadcast_in_dim3A_3 : vector<16xi32>
        %gather3A_918 = arith.constant 0 : i32
        %gather3A_919 = arith.constant 0 : i32
        %gather3A_920 = tpu.memref_slice %arg9[%and3A_126, %gather3A_918, %gather3A_919] : memref<2x64x768xf32, #tpu.memory_space<vmem>> -> memref<1x64x768xf32, #tpu.memory_space<vmem>>
        %gather3A_921 = tpu.memref_squeeze %gather3A_920 : memref<1x64x768xf32, #tpu.memory_space<vmem>> -> memref<64x768xf32, #tpu.memory_space<vmem>>
        %gather3A_922 = tpu.vector_load_idx %gather3A_921[%add3A_917, %min3A_194] masked %and3A_189 : memref<64x768xf32, #tpu.memory_space<vmem>>[vector<16xi32>, vector<16xi32>], vector<16xf32>, vector<16xi1>
        %add3A_923 = arith.constant 48 : i32
        %add3A_924 = vector.broadcast %add3A_923 : i32 to vector<16xi32>
        %add3A_925 = arith.addi %add3A_924, %broadcast_in_dim3A_3 : vector<16xi32>
        %scatter3A_926 = arith.constant 0 : i32
        %scatter3A_927 = arith.constant 0 : i32
        %scatter3A_928 = tpu.memref_slice %arg10[%and3A_196, %scatter3A_926, %scatter3A_927] : memref<4x16x128xf32, #tpu.memory_space<vmem>> -> memref<1x16x128xf32, #tpu.memory_space<vmem>>
        %scatter3A_929 = tpu.memref_squeeze %scatter3A_928 : memref<1x16x128xf32, #tpu.memory_space<vmem>> -> memref<16x128xf32, #tpu.memory_space<vmem>>
        tpu.vector_store_idx %scatter3A_929[%iota3A, %add3A_925], %gather3A_922 masked %and3A_189 : memref<16x128xf32, #tpu.memory_space<vmem>>[vector<16xi32>, vector<16xi32>], vector<16xf32>, vector<16xi1>
        %add3A_930 = arith.constant 49 : i32
        %add3A_931 = vector.broadcast %add3A_930 : i32 to vector<16xi32>
        %add3A_932 = arith.addi %add3A_931, %broadcast_in_dim3A_3 : vector<16xi32>
        %gather3A_933 = arith.constant 0 : i32
        %gather3A_934 = arith.constant 0 : i32
        %gather3A_935 = tpu.memref_slice %arg9[%and3A_126, %gather3A_933, %gather3A_934] : memref<2x64x768xf32, #tpu.memory_space<vmem>> -> memref<1x64x768xf32, #tpu.memory_space<vmem>>
        %gather3A_936 = tpu.memref_squeeze %gather3A_935 : memref<1x64x768xf32, #tpu.memory_space<vmem>> -> memref<64x768xf32, #tpu.memory_space<vmem>>
        %gather3A_937 = tpu.vector_load_idx %gather3A_936[%add3A_932, %min3A_194] masked %and3A_189 : memref<64x768xf32, #tpu.memory_space<vmem>>[vector<16xi32>, vector<16xi32>], vector<16xf32>, vector<16xi1>
        %add3A_938 = arith.constant 49 : i32
        %add3A_939 = vector.broadcast %add3A_938 : i32 to vector<16xi32>
        %add3A_940 = arith.addi %add3A_939, %broadcast_in_dim3A_3 : vector<16xi32>
        %scatter3A_941 = arith.constant 0 : i32
        %scatter3A_942 = arith.constant 0 : i32
        %scatter3A_943 = tpu.memref_slice %arg10[%and3A_196, %scatter3A_941, %scatter3A_942] : memref<4x16x128xf32, #tpu.memory_space<vmem>> -> memref<1x16x128xf32, #tpu.memory_space<vmem>>
        %scatter3A_944 = tpu.memref_squeeze %scatter3A_943 : memref<1x16x128xf32, #tpu.memory_space<vmem>> -> memref<16x128xf32, #tpu.memory_space<vmem>>
        tpu.vector_store_idx %scatter3A_944[%iota3A, %add3A_940], %gather3A_937 masked %and3A_189 : memref<16x128xf32, #tpu.memory_space<vmem>>[vector<16xi32>, vector<16xi32>], vector<16xf32>, vector<16xi1>
        %add3A_945 = arith.constant 50 : i32
        %add3A_946 = vector.broadcast %add3A_945 : i32 to vector<16xi32>
        %add3A_947 = arith.addi %add3A_946, %broadcast_in_dim3A_3 : vector<16xi32>
        %gather3A_948 = arith.constant 0 : i32
        %gather3A_949 = arith.constant 0 : i32
        %gather3A_950 = tpu.memref_slice %arg9[%and3A_126, %gather3A_948, %gather3A_949] : memref<2x64x768xf32, #tpu.memory_space<vmem>> -> memref<1x64x768xf32, #tpu.memory_space<vmem>>
        %gather3A_951 = tpu.memref_squeeze %gather3A_950 : memref<1x64x768xf32, #tpu.memory_space<vmem>> -> memref<64x768xf32, #tpu.memory_space<vmem>>
        %gather3A_952 = tpu.vector_load_idx %gather3A_951[%add3A_947, %min3A_194] masked %and3A_189 : memref<64x768xf32, #tpu.memory_space<vmem>>[vector<16xi32>, vector<16xi32>], vector<16xf32>, vector<16xi1>
        %add3A_953 = arith.constant 50 : i32
        %add3A_954 = vector.broadcast %add3A_953 : i32 to vector<16xi32>
        %add3A_955 = arith.addi %add3A_954, %broadcast_in_dim3A_3 : vector<16xi32>
        %scatter3A_956 = arith.constant 0 : i32
        %scatter3A_957 = arith.constant 0 : i32
        %scatter3A_958 = tpu.memref_slice %arg10[%and3A_196, %scatter3A_956, %scatter3A_957] : memref<4x16x128xf32, #tpu.memory_space<vmem>> -> memref<1x16x128xf32, #tpu.memory_space<vmem>>
        %scatter3A_959 = tpu.memref_squeeze %scatter3A_958 : memref<1x16x128xf32, #tpu.memory_space<vmem>> -> memref<16x128xf32, #tpu.memory_space<vmem>>
        tpu.vector_store_idx %scatter3A_959[%iota3A, %add3A_955], %gather3A_952 masked %and3A_189 : memref<16x128xf32, #tpu.memory_space<vmem>>[vector<16xi32>, vector<16xi32>], vector<16xf32>, vector<16xi1>
        %add3A_960 = arith.constant 51 : i32
        %add3A_961 = vector.broadcast %add3A_960 : i32 to vector<16xi32>
        %add3A_962 = arith.addi %add3A_961, %broadcast_in_dim3A_3 : vector<16xi32>
        %gather3A_963 = arith.constant 0 : i32
        %gather3A_964 = arith.constant 0 : i32
        %gather3A_965 = tpu.memref_slice %arg9[%and3A_126, %gather3A_963, %gather3A_964] : memref<2x64x768xf32, #tpu.memory_space<vmem>> -> memref<1x64x768xf32, #tpu.memory_space<vmem>>
        %gather3A_966 = tpu.memref_squeeze %gather3A_965 : memref<1x64x768xf32, #tpu.memory_space<vmem>> -> memref<64x768xf32, #tpu.memory_space<vmem>>
        %gather3A_967 = tpu.vector_load_idx %gather3A_966[%add3A_962, %min3A_194] masked %and3A_189 : memref<64x768xf32, #tpu.memory_space<vmem>>[vector<16xi32>, vector<16xi32>], vector<16xf32>, vector<16xi1>
        %add3A_968 = arith.constant 51 : i32
        %add3A_969 = vector.broadcast %add3A_968 : i32 to vector<16xi32>
        %add3A_970 = arith.addi %add3A_969, %broadcast_in_dim3A_3 : vector<16xi32>
        %scatter3A_971 = arith.constant 0 : i32
        %scatter3A_972 = arith.constant 0 : i32
        %scatter3A_973 = tpu.memref_slice %arg10[%and3A_196, %scatter3A_971, %scatter3A_972] : memref<4x16x128xf32, #tpu.memory_space<vmem>> -> memref<1x16x128xf32, #tpu.memory_space<vmem>>
        %scatter3A_974 = tpu.memref_squeeze %scatter3A_973 : memref<1x16x128xf32, #tpu.memory_space<vmem>> -> memref<16x128xf32, #tpu.memory_space<vmem>>
        tpu.vector_store_idx %scatter3A_974[%iota3A, %add3A_970], %gather3A_967 masked %and3A_189 : memref<16x128xf32, #tpu.memory_space<vmem>>[vector<16xi32>, vector<16xi32>], vector<16xf32>, vector<16xi1>
        %add3A_975 = arith.constant 52 : i32
        %add3A_976 = vector.broadcast %add3A_975 : i32 to vector<16xi32>
        %add3A_977 = arith.addi %add3A_976, %broadcast_in_dim3A_3 : vector<16xi32>
        %gather3A_978 = arith.constant 0 : i32
        %gather3A_979 = arith.constant 0 : i32
        %gather3A_980 = tpu.memref_slice %arg9[%and3A_126, %gather3A_978, %gather3A_979] : memref<2x64x768xf32, #tpu.memory_space<vmem>> -> memref<1x64x768xf32, #tpu.memory_space<vmem>>
        %gather3A_981 = tpu.memref_squeeze %gather3A_980 : memref<1x64x768xf32, #tpu.memory_space<vmem>> -> memref<64x768xf32, #tpu.memory_space<vmem>>
        %gather3A_982 = tpu.vector_load_idx %gather3A_981[%add3A_977, %min3A_194] masked %and3A_189 : memref<64x768xf32, #tpu.memory_space<vmem>>[vector<16xi32>, vector<16xi32>], vector<16xf32>, vector<16xi1>
        %add3A_983 = arith.constant 52 : i32
        %add3A_984 = vector.broadcast %add3A_983 : i32 to vector<16xi32>
        %add3A_985 = arith.addi %add3A_984, %broadcast_in_dim3A_3 : vector<16xi32>
        %scatter3A_986 = arith.constant 0 : i32
        %scatter3A_987 = arith.constant 0 : i32
        %scatter3A_988 = tpu.memref_slice %arg10[%and3A_196, %scatter3A_986, %scatter3A_987] : memref<4x16x128xf32, #tpu.memory_space<vmem>> -> memref<1x16x128xf32, #tpu.memory_space<vmem>>
        %scatter3A_989 = tpu.memref_squeeze %scatter3A_988 : memref<1x16x128xf32, #tpu.memory_space<vmem>> -> memref<16x128xf32, #tpu.memory_space<vmem>>
        tpu.vector_store_idx %scatter3A_989[%iota3A, %add3A_985], %gather3A_982 masked %and3A_189 : memref<16x128xf32, #tpu.memory_space<vmem>>[vector<16xi32>, vector<16xi32>], vector<16xf32>, vector<16xi1>
        %add3A_990 = arith.constant 53 : i32
        %add3A_991 = vector.broadcast %add3A_990 : i32 to vector<16xi32>
        %add3A_992 = arith.addi %add3A_991, %broadcast_in_dim3A_3 : vector<16xi32>
        %gather3A_993 = arith.constant 0 : i32
        %gather3A_994 = arith.constant 0 : i32
        %gather3A_995 = tpu.memref_slice %arg9[%and3A_126, %gather3A_993, %gather3A_994] : memref<2x64x768xf32, #tpu.memory_space<vmem>> -> memref<1x64x768xf32, #tpu.memory_space<vmem>>
        %gather3A_996 = tpu.memref_squeeze %gather3A_995 : memref<1x64x768xf32, #tpu.memory_space<vmem>> -> memref<64x768xf32, #tpu.memory_space<vmem>>
        %gather3A_997 = tpu.vector_load_idx %gather3A_996[%add3A_992, %min3A_194] masked %and3A_189 : memref<64x768xf32, #tpu.memory_space<vmem>>[vector<16xi32>, vector<16xi32>], vector<16xf32>, vector<16xi1>
        %add3A_998 = arith.constant 53 : i32
        %add3A_999 = vector.broadcast %add3A_998 : i32 to vector<16xi32>
        %add3A_1000 = arith.addi %add3A_999, %broadcast_in_dim3A_3 : vector<16xi32>
        %scatter3A_1001 = arith.constant 0 : i32
        %scatter3A_1002 = arith.constant 0 : i32
        %scatter3A_1003 = tpu.memref_slice %arg10[%and3A_196, %scatter3A_1001, %scatter3A_1002] : memref<4x16x128xf32, #tpu.memory_space<vmem>> -> memref<1x16x128xf32, #tpu.memory_space<vmem>>
        %scatter3A_1004 = tpu.memref_squeeze %scatter3A_1003 : memref<1x16x128xf32, #tpu.memory_space<vmem>> -> memref<16x128xf32, #tpu.memory_space<vmem>>
        tpu.vector_store_idx %scatter3A_1004[%iota3A, %add3A_1000], %gather3A_997 masked %and3A_189 : memref<16x128xf32, #tpu.memory_space<vmem>>[vector<16xi32>, vector<16xi32>], vector<16xf32>, vector<16xi1>
        %add3A_1005 = arith.constant 54 : i32
        %add3A_1006 = vector.broadcast %add3A_1005 : i32 to vector<16xi32>
        %add3A_1007 = arith.addi %add3A_1006, %broadcast_in_dim3A_3 : vector<16xi32>
        %gather3A_1008 = arith.constant 0 : i32
        %gather3A_1009 = arith.constant 0 : i32
        %gather3A_1010 = tpu.memref_slice %arg9[%and3A_126, %gather3A_1008, %gather3A_1009] : memref<2x64x768xf32, #tpu.memory_space<vmem>> -> memref<1x64x768xf32, #tpu.memory_space<vmem>>
        %gather3A_1011 = tpu.memref_squeeze %gather3A_1010 : memref<1x64x768xf32, #tpu.memory_space<vmem>> -> memref<64x768xf32, #tpu.memory_space<vmem>>
        %gather3A_1012 = tpu.vector_load_idx %gather3A_1011[%add3A_1007, %min3A_194] masked %and3A_189 : memref<64x768xf32, #tpu.memory_space<vmem>>[vector<16xi32>, vector<16xi32>], vector<16xf32>, vector<16xi1>
        %add3A_1013 = arith.constant 54 : i32
        %add3A_1014 = vector.broadcast %add3A_1013 : i32 to vector<16xi32>
        %add3A_1015 = arith.addi %add3A_1014, %broadcast_in_dim3A_3 : vector<16xi32>
        %scatter3A_1016 = arith.constant 0 : i32
        %scatter3A_1017 = arith.constant 0 : i32
        %scatter3A_1018 = tpu.memref_slice %arg10[%and3A_196, %scatter3A_1016, %scatter3A_1017] : memref<4x16x128xf32, #tpu.memory_space<vmem>> -> memref<1x16x128xf32, #tpu.memory_space<vmem>>
        %scatter3A_1019 = tpu.memref_squeeze %scatter3A_1018 : memref<1x16x128xf32, #tpu.memory_space<vmem>> -> memref<16x128xf32, #tpu.memory_space<vmem>>
        tpu.vector_store_idx %scatter3A_1019[%iota3A, %add3A_1015], %gather3A_1012 masked %and3A_189 : memref<16x128xf32, #tpu.memory_space<vmem>>[vector<16xi32>, vector<16xi32>], vector<16xf32>, vector<16xi1>
        %add3A_1020 = arith.constant 55 : i32
        %add3A_1021 = vector.broadcast %add3A_1020 : i32 to vector<16xi32>
        %add3A_1022 = arith.addi %add3A_1021, %broadcast_in_dim3A_3 : vector<16xi32>
        %gather3A_1023 = arith.constant 0 : i32
        %gather3A_1024 = arith.constant 0 : i32
        %gather3A_1025 = tpu.memref_slice %arg9[%and3A_126, %gather3A_1023, %gather3A_1024] : memref<2x64x768xf32, #tpu.memory_space<vmem>> -> memref<1x64x768xf32, #tpu.memory_space<vmem>>
        %gather3A_1026 = tpu.memref_squeeze %gather3A_1025 : memref<1x64x768xf32, #tpu.memory_space<vmem>> -> memref<64x768xf32, #tpu.memory_space<vmem>>
        %gather3A_1027 = tpu.vector_load_idx %gather3A_1026[%add3A_1022, %min3A_194] masked %and3A_189 : memref<64x768xf32, #tpu.memory_space<vmem>>[vector<16xi32>, vector<16xi32>], vector<16xf32>, vector<16xi1>
        %add3A_1028 = arith.constant 55 : i32
        %add3A_1029 = vector.broadcast %add3A_1028 : i32 to vector<16xi32>
        %add3A_1030 = arith.addi %add3A_1029, %broadcast_in_dim3A_3 : vector<16xi32>
        %scatter3A_1031 = arith.constant 0 : i32
        %scatter3A_1032 = arith.constant 0 : i32
        %scatter3A_1033 = tpu.memref_slice %arg10[%and3A_196, %scatter3A_1031, %scatter3A_1032] : memref<4x16x128xf32, #tpu.memory_space<vmem>> -> memref<1x16x128xf32, #tpu.memory_space<vmem>>
        %scatter3A_1034 = tpu.memref_squeeze %scatter3A_1033 : memref<1x16x128xf32, #tpu.memory_space<vmem>> -> memref<16x128xf32, #tpu.memory_space<vmem>>
        tpu.vector_store_idx %scatter3A_1034[%iota3A, %add3A_1030], %gather3A_1027 masked %and3A_189 : memref<16x128xf32, #tpu.memory_space<vmem>>[vector<16xi32>, vector<16xi32>], vector<16xf32>, vector<16xi1>
        %add3A_1035 = arith.constant 56 : i32
        %add3A_1036 = vector.broadcast %add3A_1035 : i32 to vector<16xi32>
        %add3A_1037 = arith.addi %add3A_1036, %broadcast_in_dim3A_3 : vector<16xi32>
        %gather3A_1038 = arith.constant 0 : i32
        %gather3A_1039 = arith.constant 0 : i32
        %gather3A_1040 = tpu.memref_slice %arg9[%and3A_126, %gather3A_1038, %gather3A_1039] : memref<2x64x768xf32, #tpu.memory_space<vmem>> -> memref<1x64x768xf32, #tpu.memory_space<vmem>>
        %gather3A_1041 = tpu.memref_squeeze %gather3A_1040 : memref<1x64x768xf32, #tpu.memory_space<vmem>> -> memref<64x768xf32, #tpu.memory_space<vmem>>
        %gather3A_1042 = tpu.vector_load_idx %gather3A_1041[%add3A_1037, %min3A_194] masked %and3A_189 : memref<64x768xf32, #tpu.memory_space<vmem>>[vector<16xi32>, vector<16xi32>], vector<16xf32>, vector<16xi1>
        %add3A_1043 = arith.constant 56 : i32
        %add3A_1044 = vector.broadcast %add3A_1043 : i32 to vector<16xi32>
        %add3A_1045 = arith.addi %add3A_1044, %broadcast_in_dim3A_3 : vector<16xi32>
        %scatter3A_1046 = arith.constant 0 : i32
        %scatter3A_1047 = arith.constant 0 : i32
        %scatter3A_1048 = tpu.memref_slice %arg10[%and3A_196, %scatter3A_1046, %scatter3A_1047] : memref<4x16x128xf32, #tpu.memory_space<vmem>> -> memref<1x16x128xf32, #tpu.memory_space<vmem>>
        %scatter3A_1049 = tpu.memref_squeeze %scatter3A_1048 : memref<1x16x128xf32, #tpu.memory_space<vmem>> -> memref<16x128xf32, #tpu.memory_space<vmem>>
        tpu.vector_store_idx %scatter3A_1049[%iota3A, %add3A_1045], %gather3A_1042 masked %and3A_189 : memref<16x128xf32, #tpu.memory_space<vmem>>[vector<16xi32>, vector<16xi32>], vector<16xf32>, vector<16xi1>
        %add3A_1050 = arith.constant 57 : i32
        %add3A_1051 = vector.broadcast %add3A_1050 : i32 to vector<16xi32>
        %add3A_1052 = arith.addi %add3A_1051, %broadcast_in_dim3A_3 : vector<16xi32>
        %gather3A_1053 = arith.constant 0 : i32
        %gather3A_1054 = arith.constant 0 : i32
        %gather3A_1055 = tpu.memref_slice %arg9[%and3A_126, %gather3A_1053, %gather3A_1054] : memref<2x64x768xf32, #tpu.memory_space<vmem>> -> memref<1x64x768xf32, #tpu.memory_space<vmem>>
        %gather3A_1056 = tpu.memref_squeeze %gather3A_1055 : memref<1x64x768xf32, #tpu.memory_space<vmem>> -> memref<64x768xf32, #tpu.memory_space<vmem>>
        %gather3A_1057 = tpu.vector_load_idx %gather3A_1056[%add3A_1052, %min3A_194] masked %and3A_189 : memref<64x768xf32, #tpu.memory_space<vmem>>[vector<16xi32>, vector<16xi32>], vector<16xf32>, vector<16xi1>
        %add3A_1058 = arith.constant 57 : i32
        %add3A_1059 = vector.broadcast %add3A_1058 : i32 to vector<16xi32>
        %add3A_1060 = arith.addi %add3A_1059, %broadcast_in_dim3A_3 : vector<16xi32>
        %scatter3A_1061 = arith.constant 0 : i32
        %scatter3A_1062 = arith.constant 0 : i32
        %scatter3A_1063 = tpu.memref_slice %arg10[%and3A_196, %scatter3A_1061, %scatter3A_1062] : memref<4x16x128xf32, #tpu.memory_space<vmem>> -> memref<1x16x128xf32, #tpu.memory_space<vmem>>
        %scatter3A_1064 = tpu.memref_squeeze %scatter3A_1063 : memref<1x16x128xf32, #tpu.memory_space<vmem>> -> memref<16x128xf32, #tpu.memory_space<vmem>>
        tpu.vector_store_idx %scatter3A_1064[%iota3A, %add3A_1060], %gather3A_1057 masked %and3A_189 : memref<16x128xf32, #tpu.memory_space<vmem>>[vector<16xi32>, vector<16xi32>], vector<16xf32>, vector<16xi1>
        %add3A_1065 = arith.constant 58 : i32
        %add3A_1066 = vector.broadcast %add3A_1065 : i32 to vector<16xi32>
        %add3A_1067 = arith.addi %add3A_1066, %broadcast_in_dim3A_3 : vector<16xi32>
        %gather3A_1068 = arith.constant 0 : i32
        %gather3A_1069 = arith.constant 0 : i32
        %gather3A_1070 = tpu.memref_slice %arg9[%and3A_126, %gather3A_1068, %gather3A_1069] : memref<2x64x768xf32, #tpu.memory_space<vmem>> -> memref<1x64x768xf32, #tpu.memory_space<vmem>>
        %gather3A_1071 = tpu.memref_squeeze %gather3A_1070 : memref<1x64x768xf32, #tpu.memory_space<vmem>> -> memref<64x768xf32, #tpu.memory_space<vmem>>
        %gather3A_1072 = tpu.vector_load_idx %gather3A_1071[%add3A_1067, %min3A_194] masked %and3A_189 : memref<64x768xf32, #tpu.memory_space<vmem>>[vector<16xi32>, vector<16xi32>], vector<16xf32>, vector<16xi1>
        %add3A_1073 = arith.constant 58 : i32
        %add3A_1074 = vector.broadcast %add3A_1073 : i32 to vector<16xi32>
        %add3A_1075 = arith.addi %add3A_1074, %broadcast_in_dim3A_3 : vector<16xi32>
        %scatter3A_1076 = arith.constant 0 : i32
        %scatter3A_1077 = arith.constant 0 : i32
        %scatter3A_1078 = tpu.memref_slice %arg10[%and3A_196, %scatter3A_1076, %scatter3A_1077] : memref<4x16x128xf32, #tpu.memory_space<vmem>> -> memref<1x16x128xf32, #tpu.memory_space<vmem>>
        %scatter3A_1079 = tpu.memref_squeeze %scatter3A_1078 : memref<1x16x128xf32, #tpu.memory_space<vmem>> -> memref<16x128xf32, #tpu.memory_space<vmem>>
        tpu.vector_store_idx %scatter3A_1079[%iota3A, %add3A_1075], %gather3A_1072 masked %and3A_189 : memref<16x128xf32, #tpu.memory_space<vmem>>[vector<16xi32>, vector<16xi32>], vector<16xf32>, vector<16xi1>
        %add3A_1080 = arith.constant 59 : i32
        %add3A_1081 = vector.broadcast %add3A_1080 : i32 to vector<16xi32>
        %add3A_1082 = arith.addi %add3A_1081, %broadcast_in_dim3A_3 : vector<16xi32>
        %gather3A_1083 = arith.constant 0 : i32
        %gather3A_1084 = arith.constant 0 : i32
        %gather3A_1085 = tpu.memref_slice %arg9[%and3A_126, %gather3A_1083, %gather3A_1084] : memref<2x64x768xf32, #tpu.memory_space<vmem>> -> memref<1x64x768xf32, #tpu.memory_space<vmem>>
        %gather3A_1086 = tpu.memref_squeeze %gather3A_1085 : memref<1x64x768xf32, #tpu.memory_space<vmem>> -> memref<64x768xf32, #tpu.memory_space<vmem>>
        %gather3A_1087 = tpu.vector_load_idx %gather3A_1086[%add3A_1082, %min3A_194] masked %and3A_189 : memref<64x768xf32, #tpu.memory_space<vmem>>[vector<16xi32>, vector<16xi32>], vector<16xf32>, vector<16xi1>
        %add3A_1088 = arith.constant 59 : i32
        %add3A_1089 = vector.broadcast %add3A_1088 : i32 to vector<16xi32>
        %add3A_1090 = arith.addi %add3A_1089, %broadcast_in_dim3A_3 : vector<16xi32>
        %scatter3A_1091 = arith.constant 0 : i32
        %scatter3A_1092 = arith.constant 0 : i32
        %scatter3A_1093 = tpu.memref_slice %arg10[%and3A_196, %scatter3A_1091, %scatter3A_1092] : memref<4x16x128xf32, #tpu.memory_space<vmem>> -> memref<1x16x128xf32, #tpu.memory_space<vmem>>
        %scatter3A_1094 = tpu.memref_squeeze %scatter3A_1093 : memref<1x16x128xf32, #tpu.memory_space<vmem>> -> memref<16x128xf32, #tpu.memory_space<vmem>>
        tpu.vector_store_idx %scatter3A_1094[%iota3A, %add3A_1090], %gather3A_1087 masked %and3A_189 : memref<16x128xf32, #tpu.memory_space<vmem>>[vector<16xi32>, vector<16xi32>], vector<16xf32>, vector<16xi1>
        %add3A_1095 = arith.constant 60 : i32
        %add3A_1096 = vector.broadcast %add3A_1095 : i32 to vector<16xi32>
        %add3A_1097 = arith.addi %add3A_1096, %broadcast_in_dim3A_3 : vector<16xi32>
        %gather3A_1098 = arith.constant 0 : i32
        %gather3A_1099 = arith.constant 0 : i32
        %gather3A_1100 = tpu.memref_slice %arg9[%and3A_126, %gather3A_1098, %gather3A_1099] : memref<2x64x768xf32, #tpu.memory_space<vmem>> -> memref<1x64x768xf32, #tpu.memory_space<vmem>>
        %gather3A_1101 = tpu.memref_squeeze %gather3A_1100 : memref<1x64x768xf32, #tpu.memory_space<vmem>> -> memref<64x768xf32, #tpu.memory_space<vmem>>
        %gather3A_1102 = tpu.vector_load_idx %gather3A_1101[%add3A_1097, %min3A_194] masked %and3A_189 : memref<64x768xf32, #tpu.memory_space<vmem>>[vector<16xi32>, vector<16xi32>], vector<16xf32>, vector<16xi1>
        %add3A_1103 = arith.constant 60 : i32
        %add3A_1104 = vector.broadcast %add3A_1103 : i32 to vector<16xi32>
        %add3A_1105 = arith.addi %add3A_1104, %broadcast_in_dim3A_3 : vector<16xi32>
        %scatter3A_1106 = arith.constant 0 : i32
        %scatter3A_1107 = arith.constant 0 : i32
        %scatter3A_1108 = tpu.memref_slice %arg10[%and3A_196, %scatter3A_1106, %scatter3A_1107] : memref<4x16x128xf32, #tpu.memory_space<vmem>> -> memref<1x16x128xf32, #tpu.memory_space<vmem>>
        %scatter3A_1109 = tpu.memref_squeeze %scatter3A_1108 : memref<1x16x128xf32, #tpu.memory_space<vmem>> -> memref<16x128xf32, #tpu.memory_space<vmem>>
        tpu.vector_store_idx %scatter3A_1109[%iota3A, %add3A_1105], %gather3A_1102 masked %and3A_189 : memref<16x128xf32, #tpu.memory_space<vmem>>[vector<16xi32>, vector<16xi32>], vector<16xf32>, vector<16xi1>
        %add3A_1110 = arith.constant 61 : i32
        %add3A_1111 = vector.broadcast %add3A_1110 : i32 to vector<16xi32>
        %add3A_1112 = arith.addi %add3A_1111, %broadcast_in_dim3A_3 : vector<16xi32>
        %gather3A_1113 = arith.constant 0 : i32
        %gather3A_1114 = arith.constant 0 : i32
        %gather3A_1115 = tpu.memref_slice %arg9[%and3A_126, %gather3A_1113, %gather3A_1114] : memref<2x64x768xf32, #tpu.memory_space<vmem>> -> memref<1x64x768xf32, #tpu.memory_space<vmem>>
        %gather3A_1116 = tpu.memref_squeeze %gather3A_1115 : memref<1x64x768xf32, #tpu.memory_space<vmem>> -> memref<64x768xf32, #tpu.memory_space<vmem>>
        %gather3A_1117 = tpu.vector_load_idx %gather3A_1116[%add3A_1112, %min3A_194] masked %and3A_189 : memref<64x768xf32, #tpu.memory_space<vmem>>[vector<16xi32>, vector<16xi32>], vector<16xf32>, vector<16xi1>
        %add3A_1118 = arith.constant 61 : i32
        %add3A_1119 = vector.broadcast %add3A_1118 : i32 to vector<16xi32>
        %add3A_1120 = arith.addi %add3A_1119, %broadcast_in_dim3A_3 : vector<16xi32>
        %scatter3A_1121 = arith.constant 0 : i32
        %scatter3A_1122 = arith.constant 0 : i32
        %scatter3A_1123 = tpu.memref_slice %arg10[%and3A_196, %scatter3A_1121, %scatter3A_1122] : memref<4x16x128xf32, #tpu.memory_space<vmem>> -> memref<1x16x128xf32, #tpu.memory_space<vmem>>
        %scatter3A_1124 = tpu.memref_squeeze %scatter3A_1123 : memref<1x16x128xf32, #tpu.memory_space<vmem>> -> memref<16x128xf32, #tpu.memory_space<vmem>>
        tpu.vector_store_idx %scatter3A_1124[%iota3A, %add3A_1120], %gather3A_1117 masked %and3A_189 : memref<16x128xf32, #tpu.memory_space<vmem>>[vector<16xi32>, vector<16xi32>], vector<16xf32>, vector<16xi1>
        %add3A_1125 = arith.constant 62 : i32
        %add3A_1126 = vector.broadcast %add3A_1125 : i32 to vector<16xi32>
        %add3A_1127 = arith.addi %add3A_1126, %broadcast_in_dim3A_3 : vector<16xi32>
        %gather3A_1128 = arith.constant 0 : i32
        %gather3A_1129 = arith.constant 0 : i32
        %gather3A_1130 = tpu.memref_slice %arg9[%and3A_126, %gather3A_1128, %gather3A_1129] : memref<2x64x768xf32, #tpu.memory_space<vmem>> -> memref<1x64x768xf32, #tpu.memory_space<vmem>>
        %gather3A_1131 = tpu.memref_squeeze %gather3A_1130 : memref<1x64x768xf32, #tpu.memory_space<vmem>> -> memref<64x768xf32, #tpu.memory_space<vmem>>
        %gather3A_1132 = tpu.vector_load_idx %gather3A_1131[%add3A_1127, %min3A_194] masked %and3A_189 : memref<64x768xf32, #tpu.memory_space<vmem>>[vector<16xi32>, vector<16xi32>], vector<16xf32>, vector<16xi1>
        %add3A_1133 = arith.constant 62 : i32
        %add3A_1134 = vector.broadcast %add3A_1133 : i32 to vector<16xi32>
        %add3A_1135 = arith.addi %add3A_1134, %broadcast_in_dim3A_3 : vector<16xi32>
        %scatter3A_1136 = arith.constant 0 : i32
        %scatter3A_1137 = arith.constant 0 : i32
        %scatter3A_1138 = tpu.memref_slice %arg10[%and3A_196, %scatter3A_1136, %scatter3A_1137] : memref<4x16x128xf32, #tpu.memory_space<vmem>> -> memref<1x16x128xf32, #tpu.memory_space<vmem>>
        %scatter3A_1139 = tpu.memref_squeeze %scatter3A_1138 : memref<1x16x128xf32, #tpu.memory_space<vmem>> -> memref<16x128xf32, #tpu.memory_space<vmem>>
        tpu.vector_store_idx %scatter3A_1139[%iota3A, %add3A_1135], %gather3A_1132 masked %and3A_189 : memref<16x128xf32, #tpu.memory_space<vmem>>[vector<16xi32>, vector<16xi32>], vector<16xf32>, vector<16xi1>
        %add3A_1140 = arith.constant 63 : i32
        %add3A_1141 = vector.broadcast %add3A_1140 : i32 to vector<16xi32>
        %add3A_1142 = arith.addi %add3A_1141, %broadcast_in_dim3A_3 : vector<16xi32>
        %gather3A_1143 = arith.constant 0 : i32
        %gather3A_1144 = arith.constant 0 : i32
        %gather3A_1145 = tpu.memref_slice %arg9[%and3A_126, %gather3A_1143, %gather3A_1144] : memref<2x64x768xf32, #tpu.memory_space<vmem>> -> memref<1x64x768xf32, #tpu.memory_space<vmem>>
        %gather3A_1146 = tpu.memref_squeeze %gather3A_1145 : memref<1x64x768xf32, #tpu.memory_space<vmem>> -> memref<64x768xf32, #tpu.memory_space<vmem>>
        %gather3A_1147 = tpu.vector_load_idx %gather3A_1146[%add3A_1142, %min3A_194] masked %and3A_189 : memref<64x768xf32, #tpu.memory_space<vmem>>[vector<16xi32>, vector<16xi32>], vector<16xf32>, vector<16xi1>
        %add3A_1148 = arith.constant 63 : i32
        %add3A_1149 = vector.broadcast %add3A_1148 : i32 to vector<16xi32>
        %add3A_1150 = arith.addi %add3A_1149, %broadcast_in_dim3A_3 : vector<16xi32>
        %scatter3A_1151 = arith.constant 0 : i32
        %scatter3A_1152 = arith.constant 0 : i32
        %scatter3A_1153 = tpu.memref_slice %arg10[%and3A_196, %scatter3A_1151, %scatter3A_1152] : memref<4x16x128xf32, #tpu.memory_space<vmem>> -> memref<1x16x128xf32, #tpu.memory_space<vmem>>
        %scatter3A_1154 = tpu.memref_squeeze %scatter3A_1153 : memref<1x16x128xf32, #tpu.memory_space<vmem>> -> memref<16x128xf32, #tpu.memory_space<vmem>>
        tpu.vector_store_idx %scatter3A_1154[%iota3A, %add3A_1150], %gather3A_1147 masked %and3A_189 : memref<16x128xf32, #tpu.memory_space<vmem>>[vector<16xi32>, vector<16xi32>], vector<16xf32>, vector<16xi1>
        %eq3A = arith.constant 15 : i32
        %eq3A_1155 = vector.broadcast %eq3A : i32 to vector<16xi32>
        %eq3A_1156 = arith.cmpi eq, %iota3A, %eq3A_1155 : vector<16xi32>
        %jit3A_1157 = arith.constant 0 : i32
        %broadcast_in_dim3A_1158 = vector.broadcast %jit3A_1157 : i32 to vector<16xi32>
        %select_n3A = arith.select %eq3A_1156, %get3A_180, %broadcast_in_dim3A_1158 : vector<16xi1>, vector<16xi32>
        %reduce_sum3A = arith.constant true
        %reduce_sum3A_1159 = vector.broadcast %reduce_sum3A : i1 to vector<16xi1>
        %reduce_sum3A_1160 = tpu.scan <sum>, %select_n3A masked %reduce_sum3A_1159 : vector<16xi32>, vector<16xi1> -> vector<16xi32>
        %reduce_sum3A_1161 = vector.extract %reduce_sum3A_1160[15] : i32 from vector<16xi32>
        %add3A_1162 = arith.constant 768 : i32
        %add3A_1163 = arith.addi %while3A_124, %add3A_1162 : i32
        %lt3A_1164 = arith.cmpi slt, %reduce_sum3A_1161, %add3A_1163 : i32
        %convert_element_type3A_1165 = arith.extui %lt3A_1164 : i1 to i32
        %cond3A_1166 = arith.constant 0 : i32
        %cond3A_1167 = arith.cmpi ne, %convert_element_type3A_1165, %cond3A_1166 : i32
        scf.if %cond3A_1167 {
          %ge3A_1201 = arith.constant 3 : i32
          %ge3A_1202 = arith.cmpi sge, %min3A_176, %ge3A_1201 : i32
          %convert_element_type3A_1203 = arith.extui %ge3A_1202 : i1 to i32
          %cond3A_1204 = arith.constant 0 : i32
          %cond3A_1205 = arith.cmpi ne, %convert_element_type3A_1203, %cond3A_1204 : i32
          scf.if %cond3A_1205 {
            %dma_wait3A_1215 = arith.constant 0 : i32
            %dma_wait3A_1216 = arith.constant 0 : i32
            %dma_wait3A_1217 = arith.constant 0 : i32
            %dma_wait3A_1218 = tpu.memref_slice %arg10[%dma_wait3A_1215, %dma_wait3A_1216, %dma_wait3A_1217] : memref<4x16x128xf32, #tpu.memory_space<vmem>> -> memref<1x16x128xf32, #tpu.memory_space<vmem>>
            %dma_wait3A_1219 = tpu.memref_squeeze %dma_wait3A_1218 : memref<1x16x128xf32, #tpu.memory_space<vmem>> -> memref<16x128xf32, #tpu.memory_space<vmem>>
            %dma_wait3A_1220 = arith.constant 0 : i32
            %dma_wait3A_1221 = arith.constant 0 : i32
            %dma_wait3A_1222 = tpu.memref_slice %arg6[%dma_wait3A_1220, %dma_wait3A_1221] : memref<32768x128xf32, #tpu.memory_space<hbm>> -> memref<16x128xf32, #tpu.memory_space<hbm>>
            %dma_wait3A_1223 = arith.constant 0 : i32
            %dma_wait3A_1224 = arith.constant 0 : i32
            %dma_wait3A_1225 = tpu.memref_slice %arg10[%dma_wait3A_1215, %dma_wait3A_1223, %dma_wait3A_1224] : memref<4x16x128xf32, #tpu.memory_space<vmem>> -> memref<1x16x128xf32, #tpu.memory_space<vmem>>
            %dma_wait3A_1226 = tpu.memref_squeeze %dma_wait3A_1225 : memref<1x16x128xf32, #tpu.memory_space<vmem>> -> memref<16x128xf32, #tpu.memory_space<vmem>>
            %dma_wait3A_1227 = arith.constant 0 : i32
            %dma_wait3A_1228 = arith.constant 0 : i32
            %dma_wait3A_1229 = tpu.memref_slice %arg6[%dma_wait3A_1227, %dma_wait3A_1228] : memref<32768x128xf32, #tpu.memory_space<hbm>> -> memref<16x128xf32, #tpu.memory_space<hbm>>
            tpu.wait_dma2 semaphore(%arg13 : memref<!tpu.dma_semaphore, #tpu.memory_space<semaphore_mem>>) src(%dma_wait3A_1229 : memref<16x128xf32, #tpu.memory_space<hbm>>) dst(%dma_wait3A_1226 : memref<16x128xf32, #tpu.memory_space<vmem>>)
          } else {
          }
          %and3A_1206 = arith.constant 3 : i32
          %and3A_1207 = arith.andi %min3A_176, %and3A_1206 : i32
          %dma_start3A_1208 = arith.constant 0 : i32
          %dma_start3A_1209 = arith.constant 0 : i32
          %dma_start3A_1210 = tpu.memref_slice %arg10[%and3A_1207, %dma_start3A_1208, %dma_start3A_1209] : memref<4x16x128xf32, #tpu.memory_space<vmem>> -> memref<1x16x128xf32, #tpu.memory_space<vmem>>
          %dma_start3A_1211 = tpu.memref_squeeze %dma_start3A_1210 : memref<1x16x128xf32, #tpu.memory_space<vmem>> -> memref<16x128xf32, #tpu.memory_space<vmem>>
          %dma_start3A_1212 = arith.constant 0 : i32
          %dma_start3A_1213 = arith.constant 0 : i32
          %dma_start3A_1214 = tpu.memref_slice %arg6[%dma_start3A_1212, %dma_start3A_1213] : memref<32768x128xf32, #tpu.memory_space<hbm>> -> memref<32768x128xf32, #tpu.memory_space<hbm>>
          tpu.enqueue_indirect_dma source(%dma_start3A_1211 : memref<16x128xf32, #tpu.memory_space<vmem>>) target(%dma_start3A_1214 : memref<32768x128xf32, #tpu.memory_space<hbm>>) offsets(%get3A_184 : vector<16xi32>) semaphore(%arg13 : memref<!tpu.dma_semaphore, #tpu.memory_space<semaphore_mem>>)
        } else {
        }
        %convert_element_type3A_1168 = arith.extui %lt3A_1164 : i1 to i32
        %add3A_1169 = arith.addi %while3A_173, %convert_element_type3A_1168 : i32
        %min3A_1170 = arith.constant 63 : i32
        %min3A_1171 = arith.minsi %add3A_1169, %min3A_1170 : i32
        %mul3A_1172 = arith.constant 16 : i32
        %mul3A_1173 = arith.muli %min3A_1171, %mul3A_1172 : i32
        %get3A_1174 = arith.index_cast %mul3A_1173 : i32 to index
        %get3A_1175 = tpu.vector_load %arg7[%get3A_1174] {strides = array<i32>} : memref<1024xi32, #tpu.memory_space<vmem>>, vector<16xi32>,
        %mul3A_1176 = arith.constant 16 : i32
        %mul3A_1177 = arith.muli %min3A_1171, %mul3A_1176 : i32
        %get3A_1178 = arith.index_cast %mul3A_1177 : i32 to index
        %get3A_1179 = tpu.vector_load %arg8[%get3A_1178] {strides = array<i32>} : memref<1024xi32, #tpu.memory_space<vmem>>, vector<16xi32>,
        %add3A_1180 = arith.constant 768 : i32
        %add3A_1181 = arith.addi %while3A_124, %add3A_1180 : i32
        %jit3A_1182 = arith.constant -2147483647 : i32
        %select_n3A_1183 = arith.select %lt3A_1164, %jit3A_1182, %add3A_1181 : i32
        %ge3A_1184 = vector.broadcast %select_n3A_1183 : i32 to vector<16xi32>
        %ge3A_1185 = arith.cmpi sge, %get3A_1175, %ge3A_1184 : vector<16xi32>
        %jit3A_1186 = arith.constant 2147483647 : i32
        %broadcast_in_dim3A_1187 = vector.broadcast %jit3A_1186 : i32 to vector<16xi32>
        %select_n3A_1188 = arith.select %ge3A_1185, %get3A_1175, %broadcast_in_dim3A_1187 : vector<16xi1>, vector<16xi32>
        %reduce_min3A_1189 = arith.constant true
        %reduce_min3A_1190 = vector.broadcast %reduce_min3A_1189 : i1 to vector<16xi1>
        %reduce_min3A_1191 = arith.constant -2147483648 : i32
        %reduce_min3A_1192 = vector.broadcast %reduce_min3A_1191 : i32 to vector<16xi32>
        %reduce_min3A_1193 = arith.xori %select_n3A_1188, %reduce_min3A_1192 : vector<16xi32>
        %reduce_min3A_1194 = tpu.scan <min>, %reduce_min3A_1193 masked %reduce_min3A_1190 : vector<16xi32>, vector<16xi1> -> vector<16xi32>
        %reduce_min3A_1195 = arith.xori %reduce_min3A_1194, %reduce_min3A_1192 : vector<16xi32>
        %reduce_min3A_1196 = vector.extract %reduce_min3A_1195[15] : i32 from vector<16xi32>
        %ge3A_1197 = arith.constant 64 : i32
        %ge3A_1198 = arith.cmpi sge, %add3A_1169, %ge3A_1197 : i32
        %jit3A_1199 = arith.constant 2147483647 : i32
        %select_n3A_1200 = arith.select %ge3A_1198, %jit3A_1199, %reduce_min3A_1196 : i32
        scf.yield %add3A_1169, %select_n3A_1200 : i32, i32
      }
      %shift_right_arithmetic3A_143 = arith.constant 7 : i32
      %shift_right_arithmetic3A_144 = arith.shrsi %while3A_142#1, %shift_right_arithmetic3A_143 : i32
      %shift_left3A_145 = arith.constant 7 : i32
      %shift_left3A_146 = arith.shli %shift_right_arithmetic3A_144, %shift_left3A_145 : i32
      %min3A_147 = arith.constant 1099136 : i32
      %min3A_148 = arith.minsi %shift_left3A_146, %min3A_147 : i32
      %add3A_149 = arith.constant 768 : i32
      %add3A_150 = arith.addi %while3A_124, %add3A_149 : i32
      %min3A_151 = arith.constant 1099136 : i32
      %min3A_152 = arith.minsi %add3A_150, %min3A_151 : i32
      %ne3A = arith.cmpi ne, %min3A_148, %min3A_152 : i32
      %convert_element_type3A = arith.extui %ne3A : i1 to i32
      %cond3A = arith.constant 0 : i32
      %cond3A_153 = arith.cmpi ne, %convert_element_type3A, %cond3A : i32
      scf.if %cond3A_153 {
        %dma_wait3A_173 = arith.constant 0 : i32
        %dma_wait3A_174 = arith.constant 0 : i32
        %dma_wait3A_175 = arith.constant 0 : i32
        %dma_wait3A_176 = tpu.memref_slice %arg9[%dma_wait3A_173, %dma_wait3A_174, %dma_wait3A_175] : memref<2x64x768xf32, #tpu.memory_space<vmem>> -> memref<1x64x768xf32, #tpu.memory_space<vmem>>
        %dma_wait3A_177 = tpu.memref_squeeze %dma_wait3A_176 : memref<1x64x768xf32, #tpu.memory_space<vmem>> -> memref<64x768xf32, #tpu.memory_space<vmem>>
        %dma_wait3A_178 = arith.constant 0 : i32
        %dma_wait3A_179 = arith.constant 0 : i32
        %dma_wait3A_180 = tpu.memref_slice %arg4[%dma_wait3A_178, %dma_wait3A_179] : memref<64x1100000xf32, #tpu.memory_space<hbm>> -> memref<64x768xf32, #tpu.memory_space<hbm>>
        %dma_wait3A_181 = arith.constant 0 : i32
        %dma_wait3A_182 = arith.constant 0 : i32
        %dma_wait3A_183 = tpu.memref_slice %arg9[%dma_wait3A_173, %dma_wait3A_181, %dma_wait3A_182] : memref<2x64x768xf32, #tpu.memory_space<vmem>> -> memref<1x64x768xf32, #tpu.memory_space<vmem>>
        %dma_wait3A_184 = tpu.memref_squeeze %dma_wait3A_183 : memref<1x64x768xf32, #tpu.memory_space<vmem>> -> memref<64x768xf32, #tpu.memory_space<vmem>>
        %dma_wait3A_185 = arith.constant 0 : i32
        %dma_wait3A_186 = arith.constant 0 : i32
        %dma_wait3A_187 = tpu.memref_slice %arg4[%dma_wait3A_185, %dma_wait3A_186] : memref<64x1100000xf32, #tpu.memory_space<hbm>> -> memref<64x768xf32, #tpu.memory_space<hbm>>
        tpu.wait_dma2 semaphore(%arg12 : memref<!tpu.dma_semaphore, #tpu.memory_space<semaphore_mem>>) src(%dma_wait3A_187 : memref<64x768xf32, #tpu.memory_space<hbm>>) dst(%dma_wait3A_184 : memref<64x768xf32, #tpu.memory_space<vmem>>)
        %add3A_188 = arith.constant 1 : i32
        %add3A_189 = arith.addi %while3A_125, %add3A_188 : i32
        %and3A_190 = arith.constant 1 : i32
        %and3A_191 = arith.andi %add3A_189, %and3A_190 : i32
        %multiple_of3A_192 = tpu.assume_multiple %min3A_148, 128 : i32
        %dma_start3A_193 = arith.constant 0 : i32
        %dma_start3A_194 = arith.constant 0 : i32
        %dma_start3A_195 = tpu.memref_slice %arg9[%and3A_191, %dma_start3A_193, %dma_start3A_194] : memref<2x64x768xf32, #tpu.memory_space<vmem>> -> memref<1x64x768xf32, #tpu.memory_space<vmem>>
        %dma_start3A_196 = tpu.memref_squeeze %dma_start3A_195 : memref<1x64x768xf32, #tpu.memory_space<vmem>> -> memref<64x768xf32, #tpu.memory_space<vmem>>
        %dma_start3A_197 = arith.constant 0 : i32
        %dma_start3A_198 = tpu.memref_slice %arg4[%dma_start3A_197, %multiple_of3A_192] : memref<64x1100000xf32, #tpu.memory_space<hbm>> -> memref<64x768xf32, #tpu.memory_space<hbm>>
        %dma_start3A_199 = arith.constant 0 : i32
        %dma_start3A_200 = arith.constant 0 : i32
        %dma_start3A_201 = tpu.memref_slice %arg9[%and3A_191, %dma_start3A_199, %dma_start3A_200] : memref<2x64x768xf32, #tpu.memory_space<vmem>> -> memref<1x64x768xf32, #tpu.memory_space<vmem>>
        %dma_start3A_202 = tpu.memref_squeeze %dma_start3A_201 : memref<1x64x768xf32, #tpu.memory_space<vmem>> -> memref<64x768xf32, #tpu.memory_space<vmem>>
        %dma_start3A_203 = arith.constant 0 : i32
        %dma_start3A_204 = tpu.memref_slice %arg4[%dma_start3A_203, %multiple_of3A_192] : memref<64x1100000xf32, #tpu.memory_space<hbm>> -> memref<64x768xf32, #tpu.memory_space<hbm>>
        tpu.enqueue_dma source(%dma_start3A_204 : memref<64x768xf32, #tpu.memory_space<hbm>>) target(%dma_start3A_202 : memref<64x768xf32, #tpu.memory_space<vmem>>) target_semaphore(%arg12 : memref<!tpu.dma_semaphore, #tpu.memory_space<semaphore_mem>>)
      } else {
      }
      %add3A_154 = arith.constant 768 : i32
      %add3A_155 = arith.addi %min3A_148, %add3A_154 : i32
      %min3A_156 = arith.constant 1099136 : i32
      %min3A_157 = arith.minsi %add3A_155, %min3A_156 : i32
      %multiple_of3A_158 = tpu.assume_multiple %min3A_157, 128 : i32
      %dma_start3A_159 = arith.constant 0 : i32
      %dma_start3A_160 = arith.constant 0 : i32
      %dma_start3A_161 = tpu.memref_slice %arg9[%and3A_126, %dma_start3A_159, %dma_start3A_160] : memref<2x64x768xf32, #tpu.memory_space<vmem>> -> memref<1x64x768xf32, #tpu.memory_space<vmem>>
      %dma_start3A_162 = tpu.memref_squeeze %dma_start3A_161 : memref<1x64x768xf32, #tpu.memory_space<vmem>> -> memref<64x768xf32, #tpu.memory_space<vmem>>
      %dma_start3A_163 = arith.constant 0 : i32
      %dma_start3A_164 = tpu.memref_slice %arg4[%dma_start3A_163, %multiple_of3A_158] : memref<64x1100000xf32, #tpu.memory_space<hbm>> -> memref<64x768xf32, #tpu.memory_space<hbm>>
      %dma_start3A_165 = arith.constant 0 : i32
      %dma_start3A_166 = arith.constant 0 : i32
      %dma_start3A_167 = tpu.memref_slice %arg9[%and3A_126, %dma_start3A_165, %dma_start3A_166] : memref<2x64x768xf32, #tpu.memory_space<vmem>> -> memref<1x64x768xf32, #tpu.memory_space<vmem>>
      %dma_start3A_168 = tpu.memref_squeeze %dma_start3A_167 : memref<1x64x768xf32, #tpu.memory_space<vmem>> -> memref<64x768xf32, #tpu.memory_space<vmem>>
      %dma_start3A_169 = arith.constant 0 : i32
      %dma_start3A_170 = tpu.memref_slice %arg4[%dma_start3A_169, %multiple_of3A_158] : memref<64x1100000xf32, #tpu.memory_space<hbm>> -> memref<64x768xf32, #tpu.memory_space<hbm>>
      tpu.enqueue_dma source(%dma_start3A_170 : memref<64x768xf32, #tpu.memory_space<hbm>>) target(%dma_start3A_168 : memref<64x768xf32, #tpu.memory_space<vmem>>) target_semaphore(%arg12 : memref<!tpu.dma_semaphore, #tpu.memory_space<semaphore_mem>>)
      %add3A_171 = arith.constant 1 : i32
      %add3A_172 = arith.addi %while3A_125, %add3A_171 : i32
      scf.yield %while3A_142#0, %while3A_142#1, %min3A_148, %add3A_172 : i32, i32, i32, i32
    }
    %while3A_47 = scf.while (%while3A_122 = %while3A_46#0) : (i32) -> i32 {
      %lt3A = arith.constant 64 : i32
      %lt3A_123 = arith.cmpi slt, %while3A_122, %lt3A : i32
      scf.condition(%lt3A_123) %while3A_122 : i32
    } do {
    ^bb0(%while3A_122: i32):
      %min3A_123 = arith.constant 63 : i32
      %min3A_124 = arith.minsi %while3A_122, %min3A_123 : i32
      %mul3A_125 = arith.constant 16 : i32
      %mul3A_126 = arith.muli %min3A_124, %mul3A_125 : i32
      %get3A_127 = arith.index_cast %mul3A_126 : i32 to index
      %get3A_128 = tpu.vector_load %arg7[%get3A_127] {strides = array<i32>} : memref<1024xi32, #tpu.memory_space<vmem>>, vector<16xi32>,
      %mul3A_129 = arith.constant 16 : i32
      %mul3A_130 = arith.muli %min3A_124, %mul3A_129 : i32
      %get3A_131 = arith.index_cast %mul3A_130 : i32 to index
      %get3A_132 = tpu.vector_load %arg8[%get3A_131] {strides = array<i32>} : memref<1024xi32, #tpu.memory_space<vmem>>, vector<16xi32>,
      %ge3A = arith.constant 1099904 : i32
      %ge3A_133 = vector.broadcast %ge3A : i32 to vector<16xi32>
      %ge3A_134 = arith.cmpi sge, %get3A_128, %ge3A_133 : vector<16xi32>
      %sub3A = arith.constant 1099904 : i32
      %sub3A_135 = vector.broadcast %sub3A : i32 to vector<16xi32>
      %sub3A_136 = arith.subi %get3A_128, %sub3A_135 : vector<16xi32>
      %jit3A = arith.constant 0 : i32
      %jit3A_137 = arith.constant 95 : i32
      %max3A = vector.broadcast %jit3A : i32 to vector<16xi32>
      %max3A_138 = arith.maxsi %max3A, %sub3A_136 : vector<16xi32>
      %min3A_139 = vector.broadcast %jit3A_137 : i32 to vector<16xi32>
      %min3A_140 = arith.minsi %min3A_139, %max3A_138 : vector<16xi32>
      %shift_right_arithmetic3A_141 = arith.constant 1 : i32
      %shift_right_arithmetic3A_142 = vector.broadcast %shift_right_arithmetic3A_141 : i32 to vector<16xi32>
      %shift_right_arithmetic3A_143 = arith.shrsi %min3A_140, %shift_right_arithmetic3A_142 : vector<16xi32>
      %and3A = arith.constant 1 : i32
      %and3A_144 = vector.broadcast %and3A : i32 to vector<16xi32>
      %and3A_145 = arith.andi %min3A_140, %and3A_144 : vector<16xi32>
      %shift_left3A_146 = arith.constant 6 : i32
      %shift_left3A_147 = vector.broadcast %shift_left3A_146 : i32 to vector<16xi32>
      %shift_left3A_148 = arith.shli %and3A_145, %shift_left3A_147 : vector<16xi32>
      %and3A_149 = arith.constant 3 : i32
      %and3A_150 = arith.andi %min3A_124, %and3A_149 : i32
      %add3A_151 = arith.constant 0 : i32
      %add3A_152 = vector.broadcast %add3A_151 : i32 to vector<16xi32>
      %add3A_153 = arith.addi %shift_left3A_148, %add3A_152 : vector<16xi32>
      %gather3A = tpu.vector_load_idx %arg11[%shift_right_arithmetic3A_143, %add3A_153] masked %ge3A_134 : memref<48x128xf32, #tpu.memory_space<vmem>>[vector<16xi32>, vector<16xi32>], vector<16xf32>, vector<16xi1>
      %add3A_154 = arith.constant 0 : i32
      %add3A_155 = vector.broadcast %add3A_154 : i32 to vector<16xi32>
      %add3A_156 = arith.addi %add3A_155, %broadcast_in_dim3A_3 : vector<16xi32>
      %scatter3A = arith.constant 0 : i32
      %scatter3A_157 = arith.constant 0 : i32
      %scatter3A_158 = tpu.memref_slice %arg10[%and3A_150, %scatter3A, %scatter3A_157] : memref<4x16x128xf32, #tpu.memory_space<vmem>> -> memref<1x16x128xf32, #tpu.memory_space<vmem>>
      %scatter3A_159 = tpu.memref_squeeze %scatter3A_158 : memref<1x16x128xf32, #tpu.memory_space<vmem>> -> memref<16x128xf32, #tpu.memory_space<vmem>>
      tpu.vector_store_idx %scatter3A_159[%iota3A, %add3A_156], %gather3A masked %ge3A_134 : memref<16x128xf32, #tpu.memory_space<vmem>>[vector<16xi32>, vector<16xi32>], vector<16xf32>, vector<16xi1>
      %add3A_160 = arith.constant 1 : i32
      %add3A_161 = vector.broadcast %add3A_160 : i32 to vector<16xi32>
      %add3A_162 = arith.addi %shift_left3A_148, %add3A_161 : vector<16xi32>
      %gather3A_163 = tpu.vector_load_idx %arg11[%shift_right_arithmetic3A_143, %add3A_162] masked %ge3A_134 : memref<48x128xf32, #tpu.memory_space<vmem>>[vector<16xi32>, vector<16xi32>], vector<16xf32>, vector<16xi1>
      %add3A_164 = arith.constant 1 : i32
      %add3A_165 = vector.broadcast %add3A_164 : i32 to vector<16xi32>
      %add3A_166 = arith.addi %add3A_165, %broadcast_in_dim3A_3 : vector<16xi32>
      %scatter3A_167 = arith.constant 0 : i32
      %scatter3A_168 = arith.constant 0 : i32
      %scatter3A_169 = tpu.memref_slice %arg10[%and3A_150, %scatter3A_167, %scatter3A_168] : memref<4x16x128xf32, #tpu.memory_space<vmem>> -> memref<1x16x128xf32, #tpu.memory_space<vmem>>
      %scatter3A_170 = tpu.memref_squeeze %scatter3A_169 : memref<1x16x128xf32, #tpu.memory_space<vmem>> -> memref<16x128xf32, #tpu.memory_space<vmem>>
      tpu.vector_store_idx %scatter3A_170[%iota3A, %add3A_166], %gather3A_163 masked %ge3A_134 : memref<16x128xf32, #tpu.memory_space<vmem>>[vector<16xi32>, vector<16xi32>], vector<16xf32>, vector<16xi1>
      %add3A_171 = arith.constant 2 : i32
      %add3A_172 = vector.broadcast %add3A_171 : i32 to vector<16xi32>
      %add3A_173 = arith.addi %shift_left3A_148, %add3A_172 : vector<16xi32>
      %gather3A_174 = tpu.vector_load_idx %arg11[%shift_right_arithmetic3A_143, %add3A_173] masked %ge3A_134 : memref<48x128xf32, #tpu.memory_space<vmem>>[vector<16xi32>, vector<16xi32>], vector<16xf32>, vector<16xi1>
      %add3A_175 = arith.constant 2 : i32
      %add3A_176 = vector.broadcast %add3A_175 : i32 to vector<16xi32>
      %add3A_177 = arith.addi %add3A_176, %broadcast_in_dim3A_3 : vector<16xi32>
      %scatter3A_178 = arith.constant 0 : i32
      %scatter3A_179 = arith.constant 0 : i32
      %scatter3A_180 = tpu.memref_slice %arg10[%and3A_150, %scatter3A_178, %scatter3A_179] : memref<4x16x128xf32, #tpu.memory_space<vmem>> -> memref<1x16x128xf32, #tpu.memory_space<vmem>>
      %scatter3A_181 = tpu.memref_squeeze %scatter3A_180 : memref<1x16x128xf32, #tpu.memory_space<vmem>> -> memref<16x128xf32, #tpu.memory_space<vmem>>
      tpu.vector_store_idx %scatter3A_181[%iota3A, %add3A_177], %gather3A_174 masked %ge3A_134 : memref<16x128xf32, #tpu.memory_space<vmem>>[vector<16xi32>, vector<16xi32>], vector<16xf32>, vector<16xi1>
      %add3A_182 = arith.constant 3 : i32
      %add3A_183 = vector.broadcast %add3A_182 : i32 to vector<16xi32>
      %add3A_184 = arith.addi %shift_left3A_148, %add3A_183 : vector<16xi32>
      %gather3A_185 = tpu.vector_load_idx %arg11[%shift_right_arithmetic3A_143, %add3A_184] masked %ge3A_134 : memref<48x128xf32, #tpu.memory_space<vmem>>[vector<16xi32>, vector<16xi32>], vector<16xf32>, vector<16xi1>
      %add3A_186 = arith.constant 3 : i32
      %add3A_187 = vector.broadcast %add3A_186 : i32 to vector<16xi32>
      %add3A_188 = arith.addi %add3A_187, %broadcast_in_dim3A_3 : vector<16xi32>
      %scatter3A_189 = arith.constant 0 : i32
      %scatter3A_190 = arith.constant 0 : i32
      %scatter3A_191 = tpu.memref_slice %arg10[%and3A_150, %scatter3A_189, %scatter3A_190] : memref<4x16x128xf32, #tpu.memory_space<vmem>> -> memref<1x16x128xf32, #tpu.memory_space<vmem>>
      %scatter3A_192 = tpu.memref_squeeze %scatter3A_191 : memref<1x16x128xf32, #tpu.memory_space<vmem>> -> memref<16x128xf32, #tpu.memory_space<vmem>>
      tpu.vector_store_idx %scatter3A_192[%iota3A, %add3A_188], %gather3A_185 masked %ge3A_134 : memref<16x128xf32, #tpu.memory_space<vmem>>[vector<16xi32>, vector<16xi32>], vector<16xf32>, vector<16xi1>
      %add3A_193 = arith.constant 4 : i32
      %add3A_194 = vector.broadcast %add3A_193 : i32 to vector<16xi32>
      %add3A_195 = arith.addi %shift_left3A_148, %add3A_194 : vector<16xi32>
      %gather3A_196 = tpu.vector_load_idx %arg11[%shift_right_arithmetic3A_143, %add3A_195] masked %ge3A_134 : memref<48x128xf32, #tpu.memory_space<vmem>>[vector<16xi32>, vector<16xi32>], vector<16xf32>, vector<16xi1>
      %add3A_197 = arith.constant 4 : i32
      %add3A_198 = vector.broadcast %add3A_197 : i32 to vector<16xi32>
      %add3A_199 = arith.addi %add3A_198, %broadcast_in_dim3A_3 : vector<16xi32>
      %scatter3A_200 = arith.constant 0 : i32
      %scatter3A_201 = arith.constant 0 : i32
      %scatter3A_202 = tpu.memref_slice %arg10[%and3A_150, %scatter3A_200, %scatter3A_201] : memref<4x16x128xf32, #tpu.memory_space<vmem>> -> memref<1x16x128xf32, #tpu.memory_space<vmem>>
      %scatter3A_203 = tpu.memref_squeeze %scatter3A_202 : memref<1x16x128xf32, #tpu.memory_space<vmem>> -> memref<16x128xf32, #tpu.memory_space<vmem>>
      tpu.vector_store_idx %scatter3A_203[%iota3A, %add3A_199], %gather3A_196 masked %ge3A_134 : memref<16x128xf32, #tpu.memory_space<vmem>>[vector<16xi32>, vector<16xi32>], vector<16xf32>, vector<16xi1>
      %add3A_204 = arith.constant 5 : i32
      %add3A_205 = vector.broadcast %add3A_204 : i32 to vector<16xi32>
      %add3A_206 = arith.addi %shift_left3A_148, %add3A_205 : vector<16xi32>
      %gather3A_207 = tpu.vector_load_idx %arg11[%shift_right_arithmetic3A_143, %add3A_206] masked %ge3A_134 : memref<48x128xf32, #tpu.memory_space<vmem>>[vector<16xi32>, vector<16xi32>], vector<16xf32>, vector<16xi1>
      %add3A_208 = arith.constant 5 : i32
      %add3A_209 = vector.broadcast %add3A_208 : i32 to vector<16xi32>
      %add3A_210 = arith.addi %add3A_209, %broadcast_in_dim3A_3 : vector<16xi32>
      %scatter3A_211 = arith.constant 0 : i32
      %scatter3A_212 = arith.constant 0 : i32
      %scatter3A_213 = tpu.memref_slice %arg10[%and3A_150, %scatter3A_211, %scatter3A_212] : memref<4x16x128xf32, #tpu.memory_space<vmem>> -> memref<1x16x128xf32, #tpu.memory_space<vmem>>
      %scatter3A_214 = tpu.memref_squeeze %scatter3A_213 : memref<1x16x128xf32, #tpu.memory_space<vmem>> -> memref<16x128xf32, #tpu.memory_space<vmem>>
      tpu.vector_store_idx %scatter3A_214[%iota3A, %add3A_210], %gather3A_207 masked %ge3A_134 : memref<16x128xf32, #tpu.memory_space<vmem>>[vector<16xi32>, vector<16xi32>], vector<16xf32>, vector<16xi1>
      %add3A_215 = arith.constant 6 : i32
      %add3A_216 = vector.broadcast %add3A_215 : i32 to vector<16xi32>
      %add3A_217 = arith.addi %shift_left3A_148, %add3A_216 : vector<16xi32>
      %gather3A_218 = tpu.vector_load_idx %arg11[%shift_right_arithmetic3A_143, %add3A_217] masked %ge3A_134 : memref<48x128xf32, #tpu.memory_space<vmem>>[vector<16xi32>, vector<16xi32>], vector<16xf32>, vector<16xi1>
      %add3A_219 = arith.constant 6 : i32
      %add3A_220 = vector.broadcast %add3A_219 : i32 to vector<16xi32>
      %add3A_221 = arith.addi %add3A_220, %broadcast_in_dim3A_3 : vector<16xi32>
      %scatter3A_222 = arith.constant 0 : i32
      %scatter3A_223 = arith.constant 0 : i32
      %scatter3A_224 = tpu.memref_slice %arg10[%and3A_150, %scatter3A_222, %scatter3A_223] : memref<4x16x128xf32, #tpu.memory_space<vmem>> -> memref<1x16x128xf32, #tpu.memory_space<vmem>>
      %scatter3A_225 = tpu.memref_squeeze %scatter3A_224 : memref<1x16x128xf32, #tpu.memory_space<vmem>> -> memref<16x128xf32, #tpu.memory_space<vmem>>
      tpu.vector_store_idx %scatter3A_225[%iota3A, %add3A_221], %gather3A_218 masked %ge3A_134 : memref<16x128xf32, #tpu.memory_space<vmem>>[vector<16xi32>, vector<16xi32>], vector<16xf32>, vector<16xi1>
      %add3A_226 = arith.constant 7 : i32
      %add3A_227 = vector.broadcast %add3A_226 : i32 to vector<16xi32>
      %add3A_228 = arith.addi %shift_left3A_148, %add3A_227 : vector<16xi32>
      %gather3A_229 = tpu.vector_load_idx %arg11[%shift_right_arithmetic3A_143, %add3A_228] masked %ge3A_134 : memref<48x128xf32, #tpu.memory_space<vmem>>[vector<16xi32>, vector<16xi32>], vector<16xf32>, vector<16xi1>
      %add3A_230 = arith.constant 7 : i32
      %add3A_231 = vector.broadcast %add3A_230 : i32 to vector<16xi32>
      %add3A_232 = arith.addi %add3A_231, %broadcast_in_dim3A_3 : vector<16xi32>
      %scatter3A_233 = arith.constant 0 : i32
      %scatter3A_234 = arith.constant 0 : i32
      %scatter3A_235 = tpu.memref_slice %arg10[%and3A_150, %scatter3A_233, %scatter3A_234] : memref<4x16x128xf32, #tpu.memory_space<vmem>> -> memref<1x16x128xf32, #tpu.memory_space<vmem>>
      %scatter3A_236 = tpu.memref_squeeze %scatter3A_235 : memref<1x16x128xf32, #tpu.memory_space<vmem>> -> memref<16x128xf32, #tpu.memory_space<vmem>>
      tpu.vector_store_idx %scatter3A_236[%iota3A, %add3A_232], %gather3A_229 masked %ge3A_134 : memref<16x128xf32, #tpu.memory_space<vmem>>[vector<16xi32>, vector<16xi32>], vector<16xf32>, vector<16xi1>
      %add3A_237 = arith.constant 8 : i32
      %add3A_238 = vector.broadcast %add3A_237 : i32 to vector<16xi32>
      %add3A_239 = arith.addi %shift_left3A_148, %add3A_238 : vector<16xi32>
      %gather3A_240 = tpu.vector_load_idx %arg11[%shift_right_arithmetic3A_143, %add3A_239] masked %ge3A_134 : memref<48x128xf32, #tpu.memory_space<vmem>>[vector<16xi32>, vector<16xi32>], vector<16xf32>, vector<16xi1>
      %add3A_241 = arith.constant 8 : i32
      %add3A_242 = vector.broadcast %add3A_241 : i32 to vector<16xi32>
      %add3A_243 = arith.addi %add3A_242, %broadcast_in_dim3A_3 : vector<16xi32>
      %scatter3A_244 = arith.constant 0 : i32
      %scatter3A_245 = arith.constant 0 : i32
      %scatter3A_246 = tpu.memref_slice %arg10[%and3A_150, %scatter3A_244, %scatter3A_245] : memref<4x16x128xf32, #tpu.memory_space<vmem>> -> memref<1x16x128xf32, #tpu.memory_space<vmem>>
      %scatter3A_247 = tpu.memref_squeeze %scatter3A_246 : memref<1x16x128xf32, #tpu.memory_space<vmem>> -> memref<16x128xf32, #tpu.memory_space<vmem>>
      tpu.vector_store_idx %scatter3A_247[%iota3A, %add3A_243], %gather3A_240 masked %ge3A_134 : memref<16x128xf32, #tpu.memory_space<vmem>>[vector<16xi32>, vector<16xi32>], vector<16xf32>, vector<16xi1>
      %add3A_248 = arith.constant 9 : i32
      %add3A_249 = vector.broadcast %add3A_248 : i32 to vector<16xi32>
      %add3A_250 = arith.addi %shift_left3A_148, %add3A_249 : vector<16xi32>
      %gather3A_251 = tpu.vector_load_idx %arg11[%shift_right_arithmetic3A_143, %add3A_250] masked %ge3A_134 : memref<48x128xf32, #tpu.memory_space<vmem>>[vector<16xi32>, vector<16xi32>], vector<16xf32>, vector<16xi1>
      %add3A_252 = arith.constant 9 : i32
      %add3A_253 = vector.broadcast %add3A_252 : i32 to vector<16xi32>
      %add3A_254 = arith.addi %add3A_253, %broadcast_in_dim3A_3 : vector<16xi32>
      %scatter3A_255 = arith.constant 0 : i32
      %scatter3A_256 = arith.constant 0 : i32
      %scatter3A_257 = tpu.memref_slice %arg10[%and3A_150, %scatter3A_255, %scatter3A_256] : memref<4x16x128xf32, #tpu.memory_space<vmem>> -> memref<1x16x128xf32, #tpu.memory_space<vmem>>
      %scatter3A_258 = tpu.memref_squeeze %scatter3A_257 : memref<1x16x128xf32, #tpu.memory_space<vmem>> -> memref<16x128xf32, #tpu.memory_space<vmem>>
      tpu.vector_store_idx %scatter3A_258[%iota3A, %add3A_254], %gather3A_251 masked %ge3A_134 : memref<16x128xf32, #tpu.memory_space<vmem>>[vector<16xi32>, vector<16xi32>], vector<16xf32>, vector<16xi1>
      %add3A_259 = arith.constant 10 : i32
      %add3A_260 = vector.broadcast %add3A_259 : i32 to vector<16xi32>
      %add3A_261 = arith.addi %shift_left3A_148, %add3A_260 : vector<16xi32>
      %gather3A_262 = tpu.vector_load_idx %arg11[%shift_right_arithmetic3A_143, %add3A_261] masked %ge3A_134 : memref<48x128xf32, #tpu.memory_space<vmem>>[vector<16xi32>, vector<16xi32>], vector<16xf32>, vector<16xi1>
      %add3A_263 = arith.constant 10 : i32
      %add3A_264 = vector.broadcast %add3A_263 : i32 to vector<16xi32>
      %add3A_265 = arith.addi %add3A_264, %broadcast_in_dim3A_3 : vector<16xi32>
      %scatter3A_266 = arith.constant 0 : i32
      %scatter3A_267 = arith.constant 0 : i32
      %scatter3A_268 = tpu.memref_slice %arg10[%and3A_150, %scatter3A_266, %scatter3A_267] : memref<4x16x128xf32, #tpu.memory_space<vmem>> -> memref<1x16x128xf32, #tpu.memory_space<vmem>>
      %scatter3A_269 = tpu.memref_squeeze %scatter3A_268 : memref<1x16x128xf32, #tpu.memory_space<vmem>> -> memref<16x128xf32, #tpu.memory_space<vmem>>
      tpu.vector_store_idx %scatter3A_269[%iota3A, %add3A_265], %gather3A_262 masked %ge3A_134 : memref<16x128xf32, #tpu.memory_space<vmem>>[vector<16xi32>, vector<16xi32>], vector<16xf32>, vector<16xi1>
      %add3A_270 = arith.constant 11 : i32
      %add3A_271 = vector.broadcast %add3A_270 : i32 to vector<16xi32>
      %add3A_272 = arith.addi %shift_left3A_148, %add3A_271 : vector<16xi32>
      %gather3A_273 = tpu.vector_load_idx %arg11[%shift_right_arithmetic3A_143, %add3A_272] masked %ge3A_134 : memref<48x128xf32, #tpu.memory_space<vmem>>[vector<16xi32>, vector<16xi32>], vector<16xf32>, vector<16xi1>
      %add3A_274 = arith.constant 11 : i32
      %add3A_275 = vector.broadcast %add3A_274 : i32 to vector<16xi32>
      %add3A_276 = arith.addi %add3A_275, %broadcast_in_dim3A_3 : vector<16xi32>
      %scatter3A_277 = arith.constant 0 : i32
      %scatter3A_278 = arith.constant 0 : i32
      %scatter3A_279 = tpu.memref_slice %arg10[%and3A_150, %scatter3A_277, %scatter3A_278] : memref<4x16x128xf32, #tpu.memory_space<vmem>> -> memref<1x16x128xf32, #tpu.memory_space<vmem>>
      %scatter3A_280 = tpu.memref_squeeze %scatter3A_279 : memref<1x16x128xf32, #tpu.memory_space<vmem>> -> memref<16x128xf32, #tpu.memory_space<vmem>>
      tpu.vector_store_idx %scatter3A_280[%iota3A, %add3A_276], %gather3A_273 masked %ge3A_134 : memref<16x128xf32, #tpu.memory_space<vmem>>[vector<16xi32>, vector<16xi32>], vector<16xf32>, vector<16xi1>
      %add3A_281 = arith.constant 12 : i32
      %add3A_282 = vector.broadcast %add3A_281 : i32 to vector<16xi32>
      %add3A_283 = arith.addi %shift_left3A_148, %add3A_282 : vector<16xi32>
      %gather3A_284 = tpu.vector_load_idx %arg11[%shift_right_arithmetic3A_143, %add3A_283] masked %ge3A_134 : memref<48x128xf32, #tpu.memory_space<vmem>>[vector<16xi32>, vector<16xi32>], vector<16xf32>, vector<16xi1>
      %add3A_285 = arith.constant 12 : i32
      %add3A_286 = vector.broadcast %add3A_285 : i32 to vector<16xi32>
      %add3A_287 = arith.addi %add3A_286, %broadcast_in_dim3A_3 : vector<16xi32>
      %scatter3A_288 = arith.constant 0 : i32
      %scatter3A_289 = arith.constant 0 : i32
      %scatter3A_290 = tpu.memref_slice %arg10[%and3A_150, %scatter3A_288, %scatter3A_289] : memref<4x16x128xf32, #tpu.memory_space<vmem>> -> memref<1x16x128xf32, #tpu.memory_space<vmem>>
      %scatter3A_291 = tpu.memref_squeeze %scatter3A_290 : memref<1x16x128xf32, #tpu.memory_space<vmem>> -> memref<16x128xf32, #tpu.memory_space<vmem>>
      tpu.vector_store_idx %scatter3A_291[%iota3A, %add3A_287], %gather3A_284 masked %ge3A_134 : memref<16x128xf32, #tpu.memory_space<vmem>>[vector<16xi32>, vector<16xi32>], vector<16xf32>, vector<16xi1>
      %add3A_292 = arith.constant 13 : i32
      %add3A_293 = vector.broadcast %add3A_292 : i32 to vector<16xi32>
      %add3A_294 = arith.addi %shift_left3A_148, %add3A_293 : vector<16xi32>
      %gather3A_295 = tpu.vector_load_idx %arg11[%shift_right_arithmetic3A_143, %add3A_294] masked %ge3A_134 : memref<48x128xf32, #tpu.memory_space<vmem>>[vector<16xi32>, vector<16xi32>], vector<16xf32>, vector<16xi1>
      %add3A_296 = arith.constant 13 : i32
      %add3A_297 = vector.broadcast %add3A_296 : i32 to vector<16xi32>
      %add3A_298 = arith.addi %add3A_297, %broadcast_in_dim3A_3 : vector<16xi32>
      %scatter3A_299 = arith.constant 0 : i32
      %scatter3A_300 = arith.constant 0 : i32
      %scatter3A_301 = tpu.memref_slice %arg10[%and3A_150, %scatter3A_299, %scatter3A_300] : memref<4x16x128xf32, #tpu.memory_space<vmem>> -> memref<1x16x128xf32, #tpu.memory_space<vmem>>
      %scatter3A_302 = tpu.memref_squeeze %scatter3A_301 : memref<1x16x128xf32, #tpu.memory_space<vmem>> -> memref<16x128xf32, #tpu.memory_space<vmem>>
      tpu.vector_store_idx %scatter3A_302[%iota3A, %add3A_298], %gather3A_295 masked %ge3A_134 : memref<16x128xf32, #tpu.memory_space<vmem>>[vector<16xi32>, vector<16xi32>], vector<16xf32>, vector<16xi1>
      %add3A_303 = arith.constant 14 : i32
      %add3A_304 = vector.broadcast %add3A_303 : i32 to vector<16xi32>
      %add3A_305 = arith.addi %shift_left3A_148, %add3A_304 : vector<16xi32>
      %gather3A_306 = tpu.vector_load_idx %arg11[%shift_right_arithmetic3A_143, %add3A_305] masked %ge3A_134 : memref<48x128xf32, #tpu.memory_space<vmem>>[vector<16xi32>, vector<16xi32>], vector<16xf32>, vector<16xi1>
      %add3A_307 = arith.constant 14 : i32
      %add3A_308 = vector.broadcast %add3A_307 : i32 to vector<16xi32>
      %add3A_309 = arith.addi %add3A_308, %broadcast_in_dim3A_3 : vector<16xi32>
      %scatter3A_310 = arith.constant 0 : i32
      %scatter3A_311 = arith.constant 0 : i32
      %scatter3A_312 = tpu.memref_slice %arg10[%and3A_150, %scatter3A_310, %scatter3A_311] : memref<4x16x128xf32, #tpu.memory_space<vmem>> -> memref<1x16x128xf32, #tpu.memory_space<vmem>>
      %scatter3A_313 = tpu.memref_squeeze %scatter3A_312 : memref<1x16x128xf32, #tpu.memory_space<vmem>> -> memref<16x128xf32, #tpu.memory_space<vmem>>
      tpu.vector_store_idx %scatter3A_313[%iota3A, %add3A_309], %gather3A_306 masked %ge3A_134 : memref<16x128xf32, #tpu.memory_space<vmem>>[vector<16xi32>, vector<16xi32>], vector<16xf32>, vector<16xi1>
      %add3A_314 = arith.constant 15 : i32
      %add3A_315 = vector.broadcast %add3A_314 : i32 to vector<16xi32>
      %add3A_316 = arith.addi %shift_left3A_148, %add3A_315 : vector<16xi32>
      %gather3A_317 = tpu.vector_load_idx %arg11[%shift_right_arithmetic3A_143, %add3A_316] masked %ge3A_134 : memref<48x128xf32, #tpu.memory_space<vmem>>[vector<16xi32>, vector<16xi32>], vector<16xf32>, vector<16xi1>
      %add3A_318 = arith.constant 15 : i32
      %add3A_319 = vector.broadcast %add3A_318 : i32 to vector<16xi32>
      %add3A_320 = arith.addi %add3A_319, %broadcast_in_dim3A_3 : vector<16xi32>
      %scatter3A_321 = arith.constant 0 : i32
      %scatter3A_322 = arith.constant 0 : i32
      %scatter3A_323 = tpu.memref_slice %arg10[%and3A_150, %scatter3A_321, %scatter3A_322] : memref<4x16x128xf32, #tpu.memory_space<vmem>> -> memref<1x16x128xf32, #tpu.memory_space<vmem>>
      %scatter3A_324 = tpu.memref_squeeze %scatter3A_323 : memref<1x16x128xf32, #tpu.memory_space<vmem>> -> memref<16x128xf32, #tpu.memory_space<vmem>>
      tpu.vector_store_idx %scatter3A_324[%iota3A, %add3A_320], %gather3A_317 masked %ge3A_134 : memref<16x128xf32, #tpu.memory_space<vmem>>[vector<16xi32>, vector<16xi32>], vector<16xf32>, vector<16xi1>
      %add3A_325 = arith.constant 16 : i32
      %add3A_326 = vector.broadcast %add3A_325 : i32 to vector<16xi32>
      %add3A_327 = arith.addi %shift_left3A_148, %add3A_326 : vector<16xi32>
      %gather3A_328 = tpu.vector_load_idx %arg11[%shift_right_arithmetic3A_143, %add3A_327] masked %ge3A_134 : memref<48x128xf32, #tpu.memory_space<vmem>>[vector<16xi32>, vector<16xi32>], vector<16xf32>, vector<16xi1>
      %add3A_329 = arith.constant 16 : i32
      %add3A_330 = vector.broadcast %add3A_329 : i32 to vector<16xi32>
      %add3A_331 = arith.addi %add3A_330, %broadcast_in_dim3A_3 : vector<16xi32>
      %scatter3A_332 = arith.constant 0 : i32
      %scatter3A_333 = arith.constant 0 : i32
      %scatter3A_334 = tpu.memref_slice %arg10[%and3A_150, %scatter3A_332, %scatter3A_333] : memref<4x16x128xf32, #tpu.memory_space<vmem>> -> memref<1x16x128xf32, #tpu.memory_space<vmem>>
      %scatter3A_335 = tpu.memref_squeeze %scatter3A_334 : memref<1x16x128xf32, #tpu.memory_space<vmem>> -> memref<16x128xf32, #tpu.memory_space<vmem>>
      tpu.vector_store_idx %scatter3A_335[%iota3A, %add3A_331], %gather3A_328 masked %ge3A_134 : memref<16x128xf32, #tpu.memory_space<vmem>>[vector<16xi32>, vector<16xi32>], vector<16xf32>, vector<16xi1>
      %add3A_336 = arith.constant 17 : i32
      %add3A_337 = vector.broadcast %add3A_336 : i32 to vector<16xi32>
      %add3A_338 = arith.addi %shift_left3A_148, %add3A_337 : vector<16xi32>
      %gather3A_339 = tpu.vector_load_idx %arg11[%shift_right_arithmetic3A_143, %add3A_338] masked %ge3A_134 : memref<48x128xf32, #tpu.memory_space<vmem>>[vector<16xi32>, vector<16xi32>], vector<16xf32>, vector<16xi1>
      %add3A_340 = arith.constant 17 : i32
      %add3A_341 = vector.broadcast %add3A_340 : i32 to vector<16xi32>
      %add3A_342 = arith.addi %add3A_341, %broadcast_in_dim3A_3 : vector<16xi32>
      %scatter3A_343 = arith.constant 0 : i32
      %scatter3A_344 = arith.constant 0 : i32
      %scatter3A_345 = tpu.memref_slice %arg10[%and3A_150, %scatter3A_343, %scatter3A_344] : memref<4x16x128xf32, #tpu.memory_space<vmem>> -> memref<1x16x128xf32, #tpu.memory_space<vmem>>
      %scatter3A_346 = tpu.memref_squeeze %scatter3A_345 : memref<1x16x128xf32, #tpu.memory_space<vmem>> -> memref<16x128xf32, #tpu.memory_space<vmem>>
      tpu.vector_store_idx %scatter3A_346[%iota3A, %add3A_342], %gather3A_339 masked %ge3A_134 : memref<16x128xf32, #tpu.memory_space<vmem>>[vector<16xi32>, vector<16xi32>], vector<16xf32>, vector<16xi1>
      %add3A_347 = arith.constant 18 : i32
      %add3A_348 = vector.broadcast %add3A_347 : i32 to vector<16xi32>
      %add3A_349 = arith.addi %shift_left3A_148, %add3A_348 : vector<16xi32>
      %gather3A_350 = tpu.vector_load_idx %arg11[%shift_right_arithmetic3A_143, %add3A_349] masked %ge3A_134 : memref<48x128xf32, #tpu.memory_space<vmem>>[vector<16xi32>, vector<16xi32>], vector<16xf32>, vector<16xi1>
      %add3A_351 = arith.constant 18 : i32
      %add3A_352 = vector.broadcast %add3A_351 : i32 to vector<16xi32>
      %add3A_353 = arith.addi %add3A_352, %broadcast_in_dim3A_3 : vector<16xi32>
      %scatter3A_354 = arith.constant 0 : i32
      %scatter3A_355 = arith.constant 0 : i32
      %scatter3A_356 = tpu.memref_slice %arg10[%and3A_150, %scatter3A_354, %scatter3A_355] : memref<4x16x128xf32, #tpu.memory_space<vmem>> -> memref<1x16x128xf32, #tpu.memory_space<vmem>>
      %scatter3A_357 = tpu.memref_squeeze %scatter3A_356 : memref<1x16x128xf32, #tpu.memory_space<vmem>> -> memref<16x128xf32, #tpu.memory_space<vmem>>
      tpu.vector_store_idx %scatter3A_357[%iota3A, %add3A_353], %gather3A_350 masked %ge3A_134 : memref<16x128xf32, #tpu.memory_space<vmem>>[vector<16xi32>, vector<16xi32>], vector<16xf32>, vector<16xi1>
      %add3A_358 = arith.constant 19 : i32
      %add3A_359 = vector.broadcast %add3A_358 : i32 to vector<16xi32>
      %add3A_360 = arith.addi %shift_left3A_148, %add3A_359 : vector<16xi32>
      %gather3A_361 = tpu.vector_load_idx %arg11[%shift_right_arithmetic3A_143, %add3A_360] masked %ge3A_134 : memref<48x128xf32, #tpu.memory_space<vmem>>[vector<16xi32>, vector<16xi32>], vector<16xf32>, vector<16xi1>
      %add3A_362 = arith.constant 19 : i32
      %add3A_363 = vector.broadcast %add3A_362 : i32 to vector<16xi32>
      %add3A_364 = arith.addi %add3A_363, %broadcast_in_dim3A_3 : vector<16xi32>
      %scatter3A_365 = arith.constant 0 : i32
      %scatter3A_366 = arith.constant 0 : i32
      %scatter3A_367 = tpu.memref_slice %arg10[%and3A_150, %scatter3A_365, %scatter3A_366] : memref<4x16x128xf32, #tpu.memory_space<vmem>> -> memref<1x16x128xf32, #tpu.memory_space<vmem>>
      %scatter3A_368 = tpu.memref_squeeze %scatter3A_367 : memref<1x16x128xf32, #tpu.memory_space<vmem>> -> memref<16x128xf32, #tpu.memory_space<vmem>>
      tpu.vector_store_idx %scatter3A_368[%iota3A, %add3A_364], %gather3A_361 masked %ge3A_134 : memref<16x128xf32, #tpu.memory_space<vmem>>[vector<16xi32>, vector<16xi32>], vector<16xf32>, vector<16xi1>
      %add3A_369 = arith.constant 20 : i32
      %add3A_370 = vector.broadcast %add3A_369 : i32 to vector<16xi32>
      %add3A_371 = arith.addi %shift_left3A_148, %add3A_370 : vector<16xi32>
      %gather3A_372 = tpu.vector_load_idx %arg11[%shift_right_arithmetic3A_143, %add3A_371] masked %ge3A_134 : memref<48x128xf32, #tpu.memory_space<vmem>>[vector<16xi32>, vector<16xi32>], vector<16xf32>, vector<16xi1>
      %add3A_373 = arith.constant 20 : i32
      %add3A_374 = vector.broadcast %add3A_373 : i32 to vector<16xi32>
      %add3A_375 = arith.addi %add3A_374, %broadcast_in_dim3A_3 : vector<16xi32>
      %scatter3A_376 = arith.constant 0 : i32
      %scatter3A_377 = arith.constant 0 : i32
      %scatter3A_378 = tpu.memref_slice %arg10[%and3A_150, %scatter3A_376, %scatter3A_377] : memref<4x16x128xf32, #tpu.memory_space<vmem>> -> memref<1x16x128xf32, #tpu.memory_space<vmem>>
      %scatter3A_379 = tpu.memref_squeeze %scatter3A_378 : memref<1x16x128xf32, #tpu.memory_space<vmem>> -> memref<16x128xf32, #tpu.memory_space<vmem>>
      tpu.vector_store_idx %scatter3A_379[%iota3A, %add3A_375], %gather3A_372 masked %ge3A_134 : memref<16x128xf32, #tpu.memory_space<vmem>>[vector<16xi32>, vector<16xi32>], vector<16xf32>, vector<16xi1>
      %add3A_380 = arith.constant 21 : i32
      %add3A_381 = vector.broadcast %add3A_380 : i32 to vector<16xi32>
      %add3A_382 = arith.addi %shift_left3A_148, %add3A_381 : vector<16xi32>
      %gather3A_383 = tpu.vector_load_idx %arg11[%shift_right_arithmetic3A_143, %add3A_382] masked %ge3A_134 : memref<48x128xf32, #tpu.memory_space<vmem>>[vector<16xi32>, vector<16xi32>], vector<16xf32>, vector<16xi1>
      %add3A_384 = arith.constant 21 : i32
      %add3A_385 = vector.broadcast %add3A_384 : i32 to vector<16xi32>
      %add3A_386 = arith.addi %add3A_385, %broadcast_in_dim3A_3 : vector<16xi32>
      %scatter3A_387 = arith.constant 0 : i32
      %scatter3A_388 = arith.constant 0 : i32
      %scatter3A_389 = tpu.memref_slice %arg10[%and3A_150, %scatter3A_387, %scatter3A_388] : memref<4x16x128xf32, #tpu.memory_space<vmem>> -> memref<1x16x128xf32, #tpu.memory_space<vmem>>
      %scatter3A_390 = tpu.memref_squeeze %scatter3A_389 : memref<1x16x128xf32, #tpu.memory_space<vmem>> -> memref<16x128xf32, #tpu.memory_space<vmem>>
      tpu.vector_store_idx %scatter3A_390[%iota3A, %add3A_386], %gather3A_383 masked %ge3A_134 : memref<16x128xf32, #tpu.memory_space<vmem>>[vector<16xi32>, vector<16xi32>], vector<16xf32>, vector<16xi1>
      %add3A_391 = arith.constant 22 : i32
      %add3A_392 = vector.broadcast %add3A_391 : i32 to vector<16xi32>
      %add3A_393 = arith.addi %shift_left3A_148, %add3A_392 : vector<16xi32>
      %gather3A_394 = tpu.vector_load_idx %arg11[%shift_right_arithmetic3A_143, %add3A_393] masked %ge3A_134 : memref<48x128xf32, #tpu.memory_space<vmem>>[vector<16xi32>, vector<16xi32>], vector<16xf32>, vector<16xi1>
      %add3A_395 = arith.constant 22 : i32
      %add3A_396 = vector.broadcast %add3A_395 : i32 to vector<16xi32>
      %add3A_397 = arith.addi %add3A_396, %broadcast_in_dim3A_3 : vector<16xi32>
      %scatter3A_398 = arith.constant 0 : i32
      %scatter3A_399 = arith.constant 0 : i32
      %scatter3A_400 = tpu.memref_slice %arg10[%and3A_150, %scatter3A_398, %scatter3A_399] : memref<4x16x128xf32, #tpu.memory_space<vmem>> -> memref<1x16x128xf32, #tpu.memory_space<vmem>>
      %scatter3A_401 = tpu.memref_squeeze %scatter3A_400 : memref<1x16x128xf32, #tpu.memory_space<vmem>> -> memref<16x128xf32, #tpu.memory_space<vmem>>
      tpu.vector_store_idx %scatter3A_401[%iota3A, %add3A_397], %gather3A_394 masked %ge3A_134 : memref<16x128xf32, #tpu.memory_space<vmem>>[vector<16xi32>, vector<16xi32>], vector<16xf32>, vector<16xi1>
      %add3A_402 = arith.constant 23 : i32
      %add3A_403 = vector.broadcast %add3A_402 : i32 to vector<16xi32>
      %add3A_404 = arith.addi %shift_left3A_148, %add3A_403 : vector<16xi32>
      %gather3A_405 = tpu.vector_load_idx %arg11[%shift_right_arithmetic3A_143, %add3A_404] masked %ge3A_134 : memref<48x128xf32, #tpu.memory_space<vmem>>[vector<16xi32>, vector<16xi32>], vector<16xf32>, vector<16xi1>
      %add3A_406 = arith.constant 23 : i32
      %add3A_407 = vector.broadcast %add3A_406 : i32 to vector<16xi32>
      %add3A_408 = arith.addi %add3A_407, %broadcast_in_dim3A_3 : vector<16xi32>
      %scatter3A_409 = arith.constant 0 : i32
      %scatter3A_410 = arith.constant 0 : i32
      %scatter3A_411 = tpu.memref_slice %arg10[%and3A_150, %scatter3A_409, %scatter3A_410] : memref<4x16x128xf32, #tpu.memory_space<vmem>> -> memref<1x16x128xf32, #tpu.memory_space<vmem>>
      %scatter3A_412 = tpu.memref_squeeze %scatter3A_411 : memref<1x16x128xf32, #tpu.memory_space<vmem>> -> memref<16x128xf32, #tpu.memory_space<vmem>>
      tpu.vector_store_idx %scatter3A_412[%iota3A, %add3A_408], %gather3A_405 masked %ge3A_134 : memref<16x128xf32, #tpu.memory_space<vmem>>[vector<16xi32>, vector<16xi32>], vector<16xf32>, vector<16xi1>
      %add3A_413 = arith.constant 24 : i32
      %add3A_414 = vector.broadcast %add3A_413 : i32 to vector<16xi32>
      %add3A_415 = arith.addi %shift_left3A_148, %add3A_414 : vector<16xi32>
      %gather3A_416 = tpu.vector_load_idx %arg11[%shift_right_arithmetic3A_143, %add3A_415] masked %ge3A_134 : memref<48x128xf32, #tpu.memory_space<vmem>>[vector<16xi32>, vector<16xi32>], vector<16xf32>, vector<16xi1>
      %add3A_417 = arith.constant 24 : i32
      %add3A_418 = vector.broadcast %add3A_417 : i32 to vector<16xi32>
      %add3A_419 = arith.addi %add3A_418, %broadcast_in_dim3A_3 : vector<16xi32>
      %scatter3A_420 = arith.constant 0 : i32
      %scatter3A_421 = arith.constant 0 : i32
      %scatter3A_422 = tpu.memref_slice %arg10[%and3A_150, %scatter3A_420, %scatter3A_421] : memref<4x16x128xf32, #tpu.memory_space<vmem>> -> memref<1x16x128xf32, #tpu.memory_space<vmem>>
      %scatter3A_423 = tpu.memref_squeeze %scatter3A_422 : memref<1x16x128xf32, #tpu.memory_space<vmem>> -> memref<16x128xf32, #tpu.memory_space<vmem>>
      tpu.vector_store_idx %scatter3A_423[%iota3A, %add3A_419], %gather3A_416 masked %ge3A_134 : memref<16x128xf32, #tpu.memory_space<vmem>>[vector<16xi32>, vector<16xi32>], vector<16xf32>, vector<16xi1>
      %add3A_424 = arith.constant 25 : i32
      %add3A_425 = vector.broadcast %add3A_424 : i32 to vector<16xi32>
      %add3A_426 = arith.addi %shift_left3A_148, %add3A_425 : vector<16xi32>
      %gather3A_427 = tpu.vector_load_idx %arg11[%shift_right_arithmetic3A_143, %add3A_426] masked %ge3A_134 : memref<48x128xf32, #tpu.memory_space<vmem>>[vector<16xi32>, vector<16xi32>], vector<16xf32>, vector<16xi1>
      %add3A_428 = arith.constant 25 : i32
      %add3A_429 = vector.broadcast %add3A_428 : i32 to vector<16xi32>
      %add3A_430 = arith.addi %add3A_429, %broadcast_in_dim3A_3 : vector<16xi32>
      %scatter3A_431 = arith.constant 0 : i32
      %scatter3A_432 = arith.constant 0 : i32
      %scatter3A_433 = tpu.memref_slice %arg10[%and3A_150, %scatter3A_431, %scatter3A_432] : memref<4x16x128xf32, #tpu.memory_space<vmem>> -> memref<1x16x128xf32, #tpu.memory_space<vmem>>
      %scatter3A_434 = tpu.memref_squeeze %scatter3A_433 : memref<1x16x128xf32, #tpu.memory_space<vmem>> -> memref<16x128xf32, #tpu.memory_space<vmem>>
      tpu.vector_store_idx %scatter3A_434[%iota3A, %add3A_430], %gather3A_427 masked %ge3A_134 : memref<16x128xf32, #tpu.memory_space<vmem>>[vector<16xi32>, vector<16xi32>], vector<16xf32>, vector<16xi1>
      %add3A_435 = arith.constant 26 : i32
      %add3A_436 = vector.broadcast %add3A_435 : i32 to vector<16xi32>
      %add3A_437 = arith.addi %shift_left3A_148, %add3A_436 : vector<16xi32>
      %gather3A_438 = tpu.vector_load_idx %arg11[%shift_right_arithmetic3A_143, %add3A_437] masked %ge3A_134 : memref<48x128xf32, #tpu.memory_space<vmem>>[vector<16xi32>, vector<16xi32>], vector<16xf32>, vector<16xi1>
      %add3A_439 = arith.constant 26 : i32
      %add3A_440 = vector.broadcast %add3A_439 : i32 to vector<16xi32>
      %add3A_441 = arith.addi %add3A_440, %broadcast_in_dim3A_3 : vector<16xi32>
      %scatter3A_442 = arith.constant 0 : i32
      %scatter3A_443 = arith.constant 0 : i32
      %scatter3A_444 = tpu.memref_slice %arg10[%and3A_150, %scatter3A_442, %scatter3A_443] : memref<4x16x128xf32, #tpu.memory_space<vmem>> -> memref<1x16x128xf32, #tpu.memory_space<vmem>>
      %scatter3A_445 = tpu.memref_squeeze %scatter3A_444 : memref<1x16x128xf32, #tpu.memory_space<vmem>> -> memref<16x128xf32, #tpu.memory_space<vmem>>
      tpu.vector_store_idx %scatter3A_445[%iota3A, %add3A_441], %gather3A_438 masked %ge3A_134 : memref<16x128xf32, #tpu.memory_space<vmem>>[vector<16xi32>, vector<16xi32>], vector<16xf32>, vector<16xi1>
      %add3A_446 = arith.constant 27 : i32
      %add3A_447 = vector.broadcast %add3A_446 : i32 to vector<16xi32>
      %add3A_448 = arith.addi %shift_left3A_148, %add3A_447 : vector<16xi32>
      %gather3A_449 = tpu.vector_load_idx %arg11[%shift_right_arithmetic3A_143, %add3A_448] masked %ge3A_134 : memref<48x128xf32, #tpu.memory_space<vmem>>[vector<16xi32>, vector<16xi32>], vector<16xf32>, vector<16xi1>
      %add3A_450 = arith.constant 27 : i32
      %add3A_451 = vector.broadcast %add3A_450 : i32 to vector<16xi32>
      %add3A_452 = arith.addi %add3A_451, %broadcast_in_dim3A_3 : vector<16xi32>
      %scatter3A_453 = arith.constant 0 : i32
      %scatter3A_454 = arith.constant 0 : i32
      %scatter3A_455 = tpu.memref_slice %arg10[%and3A_150, %scatter3A_453, %scatter3A_454] : memref<4x16x128xf32, #tpu.memory_space<vmem>> -> memref<1x16x128xf32, #tpu.memory_space<vmem>>
      %scatter3A_456 = tpu.memref_squeeze %scatter3A_455 : memref<1x16x128xf32, #tpu.memory_space<vmem>> -> memref<16x128xf32, #tpu.memory_space<vmem>>
      tpu.vector_store_idx %scatter3A_456[%iota3A, %add3A_452], %gather3A_449 masked %ge3A_134 : memref<16x128xf32, #tpu.memory_space<vmem>>[vector<16xi32>, vector<16xi32>], vector<16xf32>, vector<16xi1>
      %add3A_457 = arith.constant 28 : i32
      %add3A_458 = vector.broadcast %add3A_457 : i32 to vector<16xi32>
      %add3A_459 = arith.addi %shift_left3A_148, %add3A_458 : vector<16xi32>
      %gather3A_460 = tpu.vector_load_idx %arg11[%shift_right_arithmetic3A_143, %add3A_459] masked %ge3A_134 : memref<48x128xf32, #tpu.memory_space<vmem>>[vector<16xi32>, vector<16xi32>], vector<16xf32>, vector<16xi1>
      %add3A_461 = arith.constant 28 : i32
      %add3A_462 = vector.broadcast %add3A_461 : i32 to vector<16xi32>
      %add3A_463 = arith.addi %add3A_462, %broadcast_in_dim3A_3 : vector<16xi32>
      %scatter3A_464 = arith.constant 0 : i32
      %scatter3A_465 = arith.constant 0 : i32
      %scatter3A_466 = tpu.memref_slice %arg10[%and3A_150, %scatter3A_464, %scatter3A_465] : memref<4x16x128xf32, #tpu.memory_space<vmem>> -> memref<1x16x128xf32, #tpu.memory_space<vmem>>
      %scatter3A_467 = tpu.memref_squeeze %scatter3A_466 : memref<1x16x128xf32, #tpu.memory_space<vmem>> -> memref<16x128xf32, #tpu.memory_space<vmem>>
      tpu.vector_store_idx %scatter3A_467[%iota3A, %add3A_463], %gather3A_460 masked %ge3A_134 : memref<16x128xf32, #tpu.memory_space<vmem>>[vector<16xi32>, vector<16xi32>], vector<16xf32>, vector<16xi1>
      %add3A_468 = arith.constant 29 : i32
      %add3A_469 = vector.broadcast %add3A_468 : i32 to vector<16xi32>
      %add3A_470 = arith.addi %shift_left3A_148, %add3A_469 : vector<16xi32>
      %gather3A_471 = tpu.vector_load_idx %arg11[%shift_right_arithmetic3A_143, %add3A_470] masked %ge3A_134 : memref<48x128xf32, #tpu.memory_space<vmem>>[vector<16xi32>, vector<16xi32>], vector<16xf32>, vector<16xi1>
      %add3A_472 = arith.constant 29 : i32
      %add3A_473 = vector.broadcast %add3A_472 : i32 to vector<16xi32>
      %add3A_474 = arith.addi %add3A_473, %broadcast_in_dim3A_3 : vector<16xi32>
      %scatter3A_475 = arith.constant 0 : i32
      %scatter3A_476 = arith.constant 0 : i32
      %scatter3A_477 = tpu.memref_slice %arg10[%and3A_150, %scatter3A_475, %scatter3A_476] : memref<4x16x128xf32, #tpu.memory_space<vmem>> -> memref<1x16x128xf32, #tpu.memory_space<vmem>>
      %scatter3A_478 = tpu.memref_squeeze %scatter3A_477 : memref<1x16x128xf32, #tpu.memory_space<vmem>> -> memref<16x128xf32, #tpu.memory_space<vmem>>
      tpu.vector_store_idx %scatter3A_478[%iota3A, %add3A_474], %gather3A_471 masked %ge3A_134 : memref<16x128xf32, #tpu.memory_space<vmem>>[vector<16xi32>, vector<16xi32>], vector<16xf32>, vector<16xi1>
      %add3A_479 = arith.constant 30 : i32
      %add3A_480 = vector.broadcast %add3A_479 : i32 to vector<16xi32>
      %add3A_481 = arith.addi %shift_left3A_148, %add3A_480 : vector<16xi32>
      %gather3A_482 = tpu.vector_load_idx %arg11[%shift_right_arithmetic3A_143, %add3A_481] masked %ge3A_134 : memref<48x128xf32, #tpu.memory_space<vmem>>[vector<16xi32>, vector<16xi32>], vector<16xf32>, vector<16xi1>
      %add3A_483 = arith.constant 30 : i32
      %add3A_484 = vector.broadcast %add3A_483 : i32 to vector<16xi32>
      %add3A_485 = arith.addi %add3A_484, %broadcast_in_dim3A_3 : vector<16xi32>
      %scatter3A_486 = arith.constant 0 : i32
      %scatter3A_487 = arith.constant 0 : i32
      %scatter3A_488 = tpu.memref_slice %arg10[%and3A_150, %scatter3A_486, %scatter3A_487] : memref<4x16x128xf32, #tpu.memory_space<vmem>> -> memref<1x16x128xf32, #tpu.memory_space<vmem>>
      %scatter3A_489 = tpu.memref_squeeze %scatter3A_488 : memref<1x16x128xf32, #tpu.memory_space<vmem>> -> memref<16x128xf32, #tpu.memory_space<vmem>>
      tpu.vector_store_idx %scatter3A_489[%iota3A, %add3A_485], %gather3A_482 masked %ge3A_134 : memref<16x128xf32, #tpu.memory_space<vmem>>[vector<16xi32>, vector<16xi32>], vector<16xf32>, vector<16xi1>
      %add3A_490 = arith.constant 31 : i32
      %add3A_491 = vector.broadcast %add3A_490 : i32 to vector<16xi32>
      %add3A_492 = arith.addi %shift_left3A_148, %add3A_491 : vector<16xi32>
      %gather3A_493 = tpu.vector_load_idx %arg11[%shift_right_arithmetic3A_143, %add3A_492] masked %ge3A_134 : memref<48x128xf32, #tpu.memory_space<vmem>>[vector<16xi32>, vector<16xi32>], vector<16xf32>, vector<16xi1>
      %add3A_494 = arith.constant 31 : i32
      %add3A_495 = vector.broadcast %add3A_494 : i32 to vector<16xi32>
      %add3A_496 = arith.addi %add3A_495, %broadcast_in_dim3A_3 : vector<16xi32>
      %scatter3A_497 = arith.constant 0 : i32
      %scatter3A_498 = arith.constant 0 : i32
      %scatter3A_499 = tpu.memref_slice %arg10[%and3A_150, %scatter3A_497, %scatter3A_498] : memref<4x16x128xf32, #tpu.memory_space<vmem>> -> memref<1x16x128xf32, #tpu.memory_space<vmem>>
      %scatter3A_500 = tpu.memref_squeeze %scatter3A_499 : memref<1x16x128xf32, #tpu.memory_space<vmem>> -> memref<16x128xf32, #tpu.memory_space<vmem>>
      tpu.vector_store_idx %scatter3A_500[%iota3A, %add3A_496], %gather3A_493 masked %ge3A_134 : memref<16x128xf32, #tpu.memory_space<vmem>>[vector<16xi32>, vector<16xi32>], vector<16xf32>, vector<16xi1>
      %add3A_501 = arith.constant 32 : i32
      %add3A_502 = vector.broadcast %add3A_501 : i32 to vector<16xi32>
      %add3A_503 = arith.addi %shift_left3A_148, %add3A_502 : vector<16xi32>
      %gather3A_504 = tpu.vector_load_idx %arg11[%shift_right_arithmetic3A_143, %add3A_503] masked %ge3A_134 : memref<48x128xf32, #tpu.memory_space<vmem>>[vector<16xi32>, vector<16xi32>], vector<16xf32>, vector<16xi1>
      %add3A_505 = arith.constant 32 : i32
      %add3A_506 = vector.broadcast %add3A_505 : i32 to vector<16xi32>
      %add3A_507 = arith.addi %add3A_506, %broadcast_in_dim3A_3 : vector<16xi32>
      %scatter3A_508 = arith.constant 0 : i32
      %scatter3A_509 = arith.constant 0 : i32
      %scatter3A_510 = tpu.memref_slice %arg10[%and3A_150, %scatter3A_508, %scatter3A_509] : memref<4x16x128xf32, #tpu.memory_space<vmem>> -> memref<1x16x128xf32, #tpu.memory_space<vmem>>
      %scatter3A_511 = tpu.memref_squeeze %scatter3A_510 : memref<1x16x128xf32, #tpu.memory_space<vmem>> -> memref<16x128xf32, #tpu.memory_space<vmem>>
      tpu.vector_store_idx %scatter3A_511[%iota3A, %add3A_507], %gather3A_504 masked %ge3A_134 : memref<16x128xf32, #tpu.memory_space<vmem>>[vector<16xi32>, vector<16xi32>], vector<16xf32>, vector<16xi1>
      %add3A_512 = arith.constant 33 : i32
      %add3A_513 = vector.broadcast %add3A_512 : i32 to vector<16xi32>
      %add3A_514 = arith.addi %shift_left3A_148, %add3A_513 : vector<16xi32>
      %gather3A_515 = tpu.vector_load_idx %arg11[%shift_right_arithmetic3A_143, %add3A_514] masked %ge3A_134 : memref<48x128xf32, #tpu.memory_space<vmem>>[vector<16xi32>, vector<16xi32>], vector<16xf32>, vector<16xi1>
      %add3A_516 = arith.constant 33 : i32
      %add3A_517 = vector.broadcast %add3A_516 : i32 to vector<16xi32>
      %add3A_518 = arith.addi %add3A_517, %broadcast_in_dim3A_3 : vector<16xi32>
      %scatter3A_519 = arith.constant 0 : i32
      %scatter3A_520 = arith.constant 0 : i32
      %scatter3A_521 = tpu.memref_slice %arg10[%and3A_150, %scatter3A_519, %scatter3A_520] : memref<4x16x128xf32, #tpu.memory_space<vmem>> -> memref<1x16x128xf32, #tpu.memory_space<vmem>>
      %scatter3A_522 = tpu.memref_squeeze %scatter3A_521 : memref<1x16x128xf32, #tpu.memory_space<vmem>> -> memref<16x128xf32, #tpu.memory_space<vmem>>
      tpu.vector_store_idx %scatter3A_522[%iota3A, %add3A_518], %gather3A_515 masked %ge3A_134 : memref<16x128xf32, #tpu.memory_space<vmem>>[vector<16xi32>, vector<16xi32>], vector<16xf32>, vector<16xi1>
      %add3A_523 = arith.constant 34 : i32
      %add3A_524 = vector.broadcast %add3A_523 : i32 to vector<16xi32>
      %add3A_525 = arith.addi %shift_left3A_148, %add3A_524 : vector<16xi32>
      %gather3A_526 = tpu.vector_load_idx %arg11[%shift_right_arithmetic3A_143, %add3A_525] masked %ge3A_134 : memref<48x128xf32, #tpu.memory_space<vmem>>[vector<16xi32>, vector<16xi32>], vector<16xf32>, vector<16xi1>
      %add3A_527 = arith.constant 34 : i32
      %add3A_528 = vector.broadcast %add3A_527 : i32 to vector<16xi32>
      %add3A_529 = arith.addi %add3A_528, %broadcast_in_dim3A_3 : vector<16xi32>
      %scatter3A_530 = arith.constant 0 : i32
      %scatter3A_531 = arith.constant 0 : i32
      %scatter3A_532 = tpu.memref_slice %arg10[%and3A_150, %scatter3A_530, %scatter3A_531] : memref<4x16x128xf32, #tpu.memory_space<vmem>> -> memref<1x16x128xf32, #tpu.memory_space<vmem>>
      %scatter3A_533 = tpu.memref_squeeze %scatter3A_532 : memref<1x16x128xf32, #tpu.memory_space<vmem>> -> memref<16x128xf32, #tpu.memory_space<vmem>>
      tpu.vector_store_idx %scatter3A_533[%iota3A, %add3A_529], %gather3A_526 masked %ge3A_134 : memref<16x128xf32, #tpu.memory_space<vmem>>[vector<16xi32>, vector<16xi32>], vector<16xf32>, vector<16xi1>
      %add3A_534 = arith.constant 35 : i32
      %add3A_535 = vector.broadcast %add3A_534 : i32 to vector<16xi32>
      %add3A_536 = arith.addi %shift_left3A_148, %add3A_535 : vector<16xi32>
      %gather3A_537 = tpu.vector_load_idx %arg11[%shift_right_arithmetic3A_143, %add3A_536] masked %ge3A_134 : memref<48x128xf32, #tpu.memory_space<vmem>>[vector<16xi32>, vector<16xi32>], vector<16xf32>, vector<16xi1>
      %add3A_538 = arith.constant 35 : i32
      %add3A_539 = vector.broadcast %add3A_538 : i32 to vector<16xi32>
      %add3A_540 = arith.addi %add3A_539, %broadcast_in_dim3A_3 : vector<16xi32>
      %scatter3A_541 = arith.constant 0 : i32
      %scatter3A_542 = arith.constant 0 : i32
      %scatter3A_543 = tpu.memref_slice %arg10[%and3A_150, %scatter3A_541, %scatter3A_542] : memref<4x16x128xf32, #tpu.memory_space<vmem>> -> memref<1x16x128xf32, #tpu.memory_space<vmem>>
      %scatter3A_544 = tpu.memref_squeeze %scatter3A_543 : memref<1x16x128xf32, #tpu.memory_space<vmem>> -> memref<16x128xf32, #tpu.memory_space<vmem>>
      tpu.vector_store_idx %scatter3A_544[%iota3A, %add3A_540], %gather3A_537 masked %ge3A_134 : memref<16x128xf32, #tpu.memory_space<vmem>>[vector<16xi32>, vector<16xi32>], vector<16xf32>, vector<16xi1>
      %add3A_545 = arith.constant 36 : i32
      %add3A_546 = vector.broadcast %add3A_545 : i32 to vector<16xi32>
      %add3A_547 = arith.addi %shift_left3A_148, %add3A_546 : vector<16xi32>
      %gather3A_548 = tpu.vector_load_idx %arg11[%shift_right_arithmetic3A_143, %add3A_547] masked %ge3A_134 : memref<48x128xf32, #tpu.memory_space<vmem>>[vector<16xi32>, vector<16xi32>], vector<16xf32>, vector<16xi1>
      %add3A_549 = arith.constant 36 : i32
      %add3A_550 = vector.broadcast %add3A_549 : i32 to vector<16xi32>
      %add3A_551 = arith.addi %add3A_550, %broadcast_in_dim3A_3 : vector<16xi32>
      %scatter3A_552 = arith.constant 0 : i32
      %scatter3A_553 = arith.constant 0 : i32
      %scatter3A_554 = tpu.memref_slice %arg10[%and3A_150, %scatter3A_552, %scatter3A_553] : memref<4x16x128xf32, #tpu.memory_space<vmem>> -> memref<1x16x128xf32, #tpu.memory_space<vmem>>
      %scatter3A_555 = tpu.memref_squeeze %scatter3A_554 : memref<1x16x128xf32, #tpu.memory_space<vmem>> -> memref<16x128xf32, #tpu.memory_space<vmem>>
      tpu.vector_store_idx %scatter3A_555[%iota3A, %add3A_551], %gather3A_548 masked %ge3A_134 : memref<16x128xf32, #tpu.memory_space<vmem>>[vector<16xi32>, vector<16xi32>], vector<16xf32>, vector<16xi1>
      %add3A_556 = arith.constant 37 : i32
      %add3A_557 = vector.broadcast %add3A_556 : i32 to vector<16xi32>
      %add3A_558 = arith.addi %shift_left3A_148, %add3A_557 : vector<16xi32>
      %gather3A_559 = tpu.vector_load_idx %arg11[%shift_right_arithmetic3A_143, %add3A_558] masked %ge3A_134 : memref<48x128xf32, #tpu.memory_space<vmem>>[vector<16xi32>, vector<16xi32>], vector<16xf32>, vector<16xi1>
      %add3A_560 = arith.constant 37 : i32
      %add3A_561 = vector.broadcast %add3A_560 : i32 to vector<16xi32>
      %add3A_562 = arith.addi %add3A_561, %broadcast_in_dim3A_3 : vector<16xi32>
      %scatter3A_563 = arith.constant 0 : i32
      %scatter3A_564 = arith.constant 0 : i32
      %scatter3A_565 = tpu.memref_slice %arg10[%and3A_150, %scatter3A_563, %scatter3A_564] : memref<4x16x128xf32, #tpu.memory_space<vmem>> -> memref<1x16x128xf32, #tpu.memory_space<vmem>>
      %scatter3A_566 = tpu.memref_squeeze %scatter3A_565 : memref<1x16x128xf32, #tpu.memory_space<vmem>> -> memref<16x128xf32, #tpu.memory_space<vmem>>
      tpu.vector_store_idx %scatter3A_566[%iota3A, %add3A_562], %gather3A_559 masked %ge3A_134 : memref<16x128xf32, #tpu.memory_space<vmem>>[vector<16xi32>, vector<16xi32>], vector<16xf32>, vector<16xi1>
      %add3A_567 = arith.constant 38 : i32
      %add3A_568 = vector.broadcast %add3A_567 : i32 to vector<16xi32>
      %add3A_569 = arith.addi %shift_left3A_148, %add3A_568 : vector<16xi32>
      %gather3A_570 = tpu.vector_load_idx %arg11[%shift_right_arithmetic3A_143, %add3A_569] masked %ge3A_134 : memref<48x128xf32, #tpu.memory_space<vmem>>[vector<16xi32>, vector<16xi32>], vector<16xf32>, vector<16xi1>
      %add3A_571 = arith.constant 38 : i32
      %add3A_572 = vector.broadcast %add3A_571 : i32 to vector<16xi32>
      %add3A_573 = arith.addi %add3A_572, %broadcast_in_dim3A_3 : vector<16xi32>
      %scatter3A_574 = arith.constant 0 : i32
      %scatter3A_575 = arith.constant 0 : i32
      %scatter3A_576 = tpu.memref_slice %arg10[%and3A_150, %scatter3A_574, %scatter3A_575] : memref<4x16x128xf32, #tpu.memory_space<vmem>> -> memref<1x16x128xf32, #tpu.memory_space<vmem>>
      %scatter3A_577 = tpu.memref_squeeze %scatter3A_576 : memref<1x16x128xf32, #tpu.memory_space<vmem>> -> memref<16x128xf32, #tpu.memory_space<vmem>>
      tpu.vector_store_idx %scatter3A_577[%iota3A, %add3A_573], %gather3A_570 masked %ge3A_134 : memref<16x128xf32, #tpu.memory_space<vmem>>[vector<16xi32>, vector<16xi32>], vector<16xf32>, vector<16xi1>
      %add3A_578 = arith.constant 39 : i32
      %add3A_579 = vector.broadcast %add3A_578 : i32 to vector<16xi32>
      %add3A_580 = arith.addi %shift_left3A_148, %add3A_579 : vector<16xi32>
      %gather3A_581 = tpu.vector_load_idx %arg11[%shift_right_arithmetic3A_143, %add3A_580] masked %ge3A_134 : memref<48x128xf32, #tpu.memory_space<vmem>>[vector<16xi32>, vector<16xi32>], vector<16xf32>, vector<16xi1>
      %add3A_582 = arith.constant 39 : i32
      %add3A_583 = vector.broadcast %add3A_582 : i32 to vector<16xi32>
      %add3A_584 = arith.addi %add3A_583, %broadcast_in_dim3A_3 : vector<16xi32>
      %scatter3A_585 = arith.constant 0 : i32
      %scatter3A_586 = arith.constant 0 : i32
      %scatter3A_587 = tpu.memref_slice %arg10[%and3A_150, %scatter3A_585, %scatter3A_586] : memref<4x16x128xf32, #tpu.memory_space<vmem>> -> memref<1x16x128xf32, #tpu.memory_space<vmem>>
      %scatter3A_588 = tpu.memref_squeeze %scatter3A_587 : memref<1x16x128xf32, #tpu.memory_space<vmem>> -> memref<16x128xf32, #tpu.memory_space<vmem>>
      tpu.vector_store_idx %scatter3A_588[%iota3A, %add3A_584], %gather3A_581 masked %ge3A_134 : memref<16x128xf32, #tpu.memory_space<vmem>>[vector<16xi32>, vector<16xi32>], vector<16xf32>, vector<16xi1>
      %add3A_589 = arith.constant 40 : i32
      %add3A_590 = vector.broadcast %add3A_589 : i32 to vector<16xi32>
      %add3A_591 = arith.addi %shift_left3A_148, %add3A_590 : vector<16xi32>
      %gather3A_592 = tpu.vector_load_idx %arg11[%shift_right_arithmetic3A_143, %add3A_591] masked %ge3A_134 : memref<48x128xf32, #tpu.memory_space<vmem>>[vector<16xi32>, vector<16xi32>], vector<16xf32>, vector<16xi1>
      %add3A_593 = arith.constant 40 : i32
      %add3A_594 = vector.broadcast %add3A_593 : i32 to vector<16xi32>
      %add3A_595 = arith.addi %add3A_594, %broadcast_in_dim3A_3 : vector<16xi32>
      %scatter3A_596 = arith.constant 0 : i32
      %scatter3A_597 = arith.constant 0 : i32
      %scatter3A_598 = tpu.memref_slice %arg10[%and3A_150, %scatter3A_596, %scatter3A_597] : memref<4x16x128xf32, #tpu.memory_space<vmem>> -> memref<1x16x128xf32, #tpu.memory_space<vmem>>
      %scatter3A_599 = tpu.memref_squeeze %scatter3A_598 : memref<1x16x128xf32, #tpu.memory_space<vmem>> -> memref<16x128xf32, #tpu.memory_space<vmem>>
      tpu.vector_store_idx %scatter3A_599[%iota3A, %add3A_595], %gather3A_592 masked %ge3A_134 : memref<16x128xf32, #tpu.memory_space<vmem>>[vector<16xi32>, vector<16xi32>], vector<16xf32>, vector<16xi1>
      %add3A_600 = arith.constant 41 : i32
      %add3A_601 = vector.broadcast %add3A_600 : i32 to vector<16xi32>
      %add3A_602 = arith.addi %shift_left3A_148, %add3A_601 : vector<16xi32>
      %gather3A_603 = tpu.vector_load_idx %arg11[%shift_right_arithmetic3A_143, %add3A_602] masked %ge3A_134 : memref<48x128xf32, #tpu.memory_space<vmem>>[vector<16xi32>, vector<16xi32>], vector<16xf32>, vector<16xi1>
      %add3A_604 = arith.constant 41 : i32
      %add3A_605 = vector.broadcast %add3A_604 : i32 to vector<16xi32>
      %add3A_606 = arith.addi %add3A_605, %broadcast_in_dim3A_3 : vector<16xi32>
      %scatter3A_607 = arith.constant 0 : i32
      %scatter3A_608 = arith.constant 0 : i32
      %scatter3A_609 = tpu.memref_slice %arg10[%and3A_150, %scatter3A_607, %scatter3A_608] : memref<4x16x128xf32, #tpu.memory_space<vmem>> -> memref<1x16x128xf32, #tpu.memory_space<vmem>>
      %scatter3A_610 = tpu.memref_squeeze %scatter3A_609 : memref<1x16x128xf32, #tpu.memory_space<vmem>> -> memref<16x128xf32, #tpu.memory_space<vmem>>
      tpu.vector_store_idx %scatter3A_610[%iota3A, %add3A_606], %gather3A_603 masked %ge3A_134 : memref<16x128xf32, #tpu.memory_space<vmem>>[vector<16xi32>, vector<16xi32>], vector<16xf32>, vector<16xi1>
      %add3A_611 = arith.constant 42 : i32
      %add3A_612 = vector.broadcast %add3A_611 : i32 to vector<16xi32>
      %add3A_613 = arith.addi %shift_left3A_148, %add3A_612 : vector<16xi32>
      %gather3A_614 = tpu.vector_load_idx %arg11[%shift_right_arithmetic3A_143, %add3A_613] masked %ge3A_134 : memref<48x128xf32, #tpu.memory_space<vmem>>[vector<16xi32>, vector<16xi32>], vector<16xf32>, vector<16xi1>
      %add3A_615 = arith.constant 42 : i32
      %add3A_616 = vector.broadcast %add3A_615 : i32 to vector<16xi32>
      %add3A_617 = arith.addi %add3A_616, %broadcast_in_dim3A_3 : vector<16xi32>
      %scatter3A_618 = arith.constant 0 : i32
      %scatter3A_619 = arith.constant 0 : i32
      %scatter3A_620 = tpu.memref_slice %arg10[%and3A_150, %scatter3A_618, %scatter3A_619] : memref<4x16x128xf32, #tpu.memory_space<vmem>> -> memref<1x16x128xf32, #tpu.memory_space<vmem>>
      %scatter3A_621 = tpu.memref_squeeze %scatter3A_620 : memref<1x16x128xf32, #tpu.memory_space<vmem>> -> memref<16x128xf32, #tpu.memory_space<vmem>>
      tpu.vector_store_idx %scatter3A_621[%iota3A, %add3A_617], %gather3A_614 masked %ge3A_134 : memref<16x128xf32, #tpu.memory_space<vmem>>[vector<16xi32>, vector<16xi32>], vector<16xf32>, vector<16xi1>
      %add3A_622 = arith.constant 43 : i32
      %add3A_623 = vector.broadcast %add3A_622 : i32 to vector<16xi32>
      %add3A_624 = arith.addi %shift_left3A_148, %add3A_623 : vector<16xi32>
      %gather3A_625 = tpu.vector_load_idx %arg11[%shift_right_arithmetic3A_143, %add3A_624] masked %ge3A_134 : memref<48x128xf32, #tpu.memory_space<vmem>>[vector<16xi32>, vector<16xi32>], vector<16xf32>, vector<16xi1>
      %add3A_626 = arith.constant 43 : i32
      %add3A_627 = vector.broadcast %add3A_626 : i32 to vector<16xi32>
      %add3A_628 = arith.addi %add3A_627, %broadcast_in_dim3A_3 : vector<16xi32>
      %scatter3A_629 = arith.constant 0 : i32
      %scatter3A_630 = arith.constant 0 : i32
      %scatter3A_631 = tpu.memref_slice %arg10[%and3A_150, %scatter3A_629, %scatter3A_630] : memref<4x16x128xf32, #tpu.memory_space<vmem>> -> memref<1x16x128xf32, #tpu.memory_space<vmem>>
      %scatter3A_632 = tpu.memref_squeeze %scatter3A_631 : memref<1x16x128xf32, #tpu.memory_space<vmem>> -> memref<16x128xf32, #tpu.memory_space<vmem>>
      tpu.vector_store_idx %scatter3A_632[%iota3A, %add3A_628], %gather3A_625 masked %ge3A_134 : memref<16x128xf32, #tpu.memory_space<vmem>>[vector<16xi32>, vector<16xi32>], vector<16xf32>, vector<16xi1>
      %add3A_633 = arith.constant 44 : i32
      %add3A_634 = vector.broadcast %add3A_633 : i32 to vector<16xi32>
      %add3A_635 = arith.addi %shift_left3A_148, %add3A_634 : vector<16xi32>
      %gather3A_636 = tpu.vector_load_idx %arg11[%shift_right_arithmetic3A_143, %add3A_635] masked %ge3A_134 : memref<48x128xf32, #tpu.memory_space<vmem>>[vector<16xi32>, vector<16xi32>], vector<16xf32>, vector<16xi1>
      %add3A_637 = arith.constant 44 : i32
      %add3A_638 = vector.broadcast %add3A_637 : i32 to vector<16xi32>
      %add3A_639 = arith.addi %add3A_638, %broadcast_in_dim3A_3 : vector<16xi32>
      %scatter3A_640 = arith.constant 0 : i32
      %scatter3A_641 = arith.constant 0 : i32
      %scatter3A_642 = tpu.memref_slice %arg10[%and3A_150, %scatter3A_640, %scatter3A_641] : memref<4x16x128xf32, #tpu.memory_space<vmem>> -> memref<1x16x128xf32, #tpu.memory_space<vmem>>
      %scatter3A_643 = tpu.memref_squeeze %scatter3A_642 : memref<1x16x128xf32, #tpu.memory_space<vmem>> -> memref<16x128xf32, #tpu.memory_space<vmem>>
      tpu.vector_store_idx %scatter3A_643[%iota3A, %add3A_639], %gather3A_636 masked %ge3A_134 : memref<16x128xf32, #tpu.memory_space<vmem>>[vector<16xi32>, vector<16xi32>], vector<16xf32>, vector<16xi1>
      %add3A_644 = arith.constant 45 : i32
      %add3A_645 = vector.broadcast %add3A_644 : i32 to vector<16xi32>
      %add3A_646 = arith.addi %shift_left3A_148, %add3A_645 : vector<16xi32>
      %gather3A_647 = tpu.vector_load_idx %arg11[%shift_right_arithmetic3A_143, %add3A_646] masked %ge3A_134 : memref<48x128xf32, #tpu.memory_space<vmem>>[vector<16xi32>, vector<16xi32>], vector<16xf32>, vector<16xi1>
      %add3A_648 = arith.constant 45 : i32
      %add3A_649 = vector.broadcast %add3A_648 : i32 to vector<16xi32>
      %add3A_650 = arith.addi %add3A_649, %broadcast_in_dim3A_3 : vector<16xi32>
      %scatter3A_651 = arith.constant 0 : i32
      %scatter3A_652 = arith.constant 0 : i32
      %scatter3A_653 = tpu.memref_slice %arg10[%and3A_150, %scatter3A_651, %scatter3A_652] : memref<4x16x128xf32, #tpu.memory_space<vmem>> -> memref<1x16x128xf32, #tpu.memory_space<vmem>>
      %scatter3A_654 = tpu.memref_squeeze %scatter3A_653 : memref<1x16x128xf32, #tpu.memory_space<vmem>> -> memref<16x128xf32, #tpu.memory_space<vmem>>
      tpu.vector_store_idx %scatter3A_654[%iota3A, %add3A_650], %gather3A_647 masked %ge3A_134 : memref<16x128xf32, #tpu.memory_space<vmem>>[vector<16xi32>, vector<16xi32>], vector<16xf32>, vector<16xi1>
      %add3A_655 = arith.constant 46 : i32
      %add3A_656 = vector.broadcast %add3A_655 : i32 to vector<16xi32>
      %add3A_657 = arith.addi %shift_left3A_148, %add3A_656 : vector<16xi32>
      %gather3A_658 = tpu.vector_load_idx %arg11[%shift_right_arithmetic3A_143, %add3A_657] masked %ge3A_134 : memref<48x128xf32, #tpu.memory_space<vmem>>[vector<16xi32>, vector<16xi32>], vector<16xf32>, vector<16xi1>
      %add3A_659 = arith.constant 46 : i32
      %add3A_660 = vector.broadcast %add3A_659 : i32 to vector<16xi32>
      %add3A_661 = arith.addi %add3A_660, %broadcast_in_dim3A_3 : vector<16xi32>
      %scatter3A_662 = arith.constant 0 : i32
      %scatter3A_663 = arith.constant 0 : i32
      %scatter3A_664 = tpu.memref_slice %arg10[%and3A_150, %scatter3A_662, %scatter3A_663] : memref<4x16x128xf32, #tpu.memory_space<vmem>> -> memref<1x16x128xf32, #tpu.memory_space<vmem>>
      %scatter3A_665 = tpu.memref_squeeze %scatter3A_664 : memref<1x16x128xf32, #tpu.memory_space<vmem>> -> memref<16x128xf32, #tpu.memory_space<vmem>>
      tpu.vector_store_idx %scatter3A_665[%iota3A, %add3A_661], %gather3A_658 masked %ge3A_134 : memref<16x128xf32, #tpu.memory_space<vmem>>[vector<16xi32>, vector<16xi32>], vector<16xf32>, vector<16xi1>
      %add3A_666 = arith.constant 47 : i32
      %add3A_667 = vector.broadcast %add3A_666 : i32 to vector<16xi32>
      %add3A_668 = arith.addi %shift_left3A_148, %add3A_667 : vector<16xi32>
      %gather3A_669 = tpu.vector_load_idx %arg11[%shift_right_arithmetic3A_143, %add3A_668] masked %ge3A_134 : memref<48x128xf32, #tpu.memory_space<vmem>>[vector<16xi32>, vector<16xi32>], vector<16xf32>, vector<16xi1>
      %add3A_670 = arith.constant 47 : i32
      %add3A_671 = vector.broadcast %add3A_670 : i32 to vector<16xi32>
      %add3A_672 = arith.addi %add3A_671, %broadcast_in_dim3A_3 : vector<16xi32>
      %scatter3A_673 = arith.constant 0 : i32
      %scatter3A_674 = arith.constant 0 : i32
      %scatter3A_675 = tpu.memref_slice %arg10[%and3A_150, %scatter3A_673, %scatter3A_674] : memref<4x16x128xf32, #tpu.memory_space<vmem>> -> memref<1x16x128xf32, #tpu.memory_space<vmem>>
      %scatter3A_676 = tpu.memref_squeeze %scatter3A_675 : memref<1x16x128xf32, #tpu.memory_space<vmem>> -> memref<16x128xf32, #tpu.memory_space<vmem>>
      tpu.vector_store_idx %scatter3A_676[%iota3A, %add3A_672], %gather3A_669 masked %ge3A_134 : memref<16x128xf32, #tpu.memory_space<vmem>>[vector<16xi32>, vector<16xi32>], vector<16xf32>, vector<16xi1>
      %add3A_677 = arith.constant 48 : i32
      %add3A_678 = vector.broadcast %add3A_677 : i32 to vector<16xi32>
      %add3A_679 = arith.addi %shift_left3A_148, %add3A_678 : vector<16xi32>
      %gather3A_680 = tpu.vector_load_idx %arg11[%shift_right_arithmetic3A_143, %add3A_679] masked %ge3A_134 : memref<48x128xf32, #tpu.memory_space<vmem>>[vector<16xi32>, vector<16xi32>], vector<16xf32>, vector<16xi1>
      %add3A_681 = arith.constant 48 : i32
      %add3A_682 = vector.broadcast %add3A_681 : i32 to vector<16xi32>
      %add3A_683 = arith.addi %add3A_682, %broadcast_in_dim3A_3 : vector<16xi32>
      %scatter3A_684 = arith.constant 0 : i32
      %scatter3A_685 = arith.constant 0 : i32
      %scatter3A_686 = tpu.memref_slice %arg10[%and3A_150, %scatter3A_684, %scatter3A_685] : memref<4x16x128xf32, #tpu.memory_space<vmem>> -> memref<1x16x128xf32, #tpu.memory_space<vmem>>
      %scatter3A_687 = tpu.memref_squeeze %scatter3A_686 : memref<1x16x128xf32, #tpu.memory_space<vmem>> -> memref<16x128xf32, #tpu.memory_space<vmem>>
      tpu.vector_store_idx %scatter3A_687[%iota3A, %add3A_683], %gather3A_680 masked %ge3A_134 : memref<16x128xf32, #tpu.memory_space<vmem>>[vector<16xi32>, vector<16xi32>], vector<16xf32>, vector<16xi1>
      %add3A_688 = arith.constant 49 : i32
      %add3A_689 = vector.broadcast %add3A_688 : i32 to vector<16xi32>
      %add3A_690 = arith.addi %shift_left3A_148, %add3A_689 : vector<16xi32>
      %gather3A_691 = tpu.vector_load_idx %arg11[%shift_right_arithmetic3A_143, %add3A_690] masked %ge3A_134 : memref<48x128xf32, #tpu.memory_space<vmem>>[vector<16xi32>, vector<16xi32>], vector<16xf32>, vector<16xi1>
      %add3A_692 = arith.constant 49 : i32
      %add3A_693 = vector.broadcast %add3A_692 : i32 to vector<16xi32>
      %add3A_694 = arith.addi %add3A_693, %broadcast_in_dim3A_3 : vector<16xi32>
      %scatter3A_695 = arith.constant 0 : i32
      %scatter3A_696 = arith.constant 0 : i32
      %scatter3A_697 = tpu.memref_slice %arg10[%and3A_150, %scatter3A_695, %scatter3A_696] : memref<4x16x128xf32, #tpu.memory_space<vmem>> -> memref<1x16x128xf32, #tpu.memory_space<vmem>>
      %scatter3A_698 = tpu.memref_squeeze %scatter3A_697 : memref<1x16x128xf32, #tpu.memory_space<vmem>> -> memref<16x128xf32, #tpu.memory_space<vmem>>
      tpu.vector_store_idx %scatter3A_698[%iota3A, %add3A_694], %gather3A_691 masked %ge3A_134 : memref<16x128xf32, #tpu.memory_space<vmem>>[vector<16xi32>, vector<16xi32>], vector<16xf32>, vector<16xi1>
      %add3A_699 = arith.constant 50 : i32
      %add3A_700 = vector.broadcast %add3A_699 : i32 to vector<16xi32>
      %add3A_701 = arith.addi %shift_left3A_148, %add3A_700 : vector<16xi32>
      %gather3A_702 = tpu.vector_load_idx %arg11[%shift_right_arithmetic3A_143, %add3A_701] masked %ge3A_134 : memref<48x128xf32, #tpu.memory_space<vmem>>[vector<16xi32>, vector<16xi32>], vector<16xf32>, vector<16xi1>
      %add3A_703 = arith.constant 50 : i32
      %add3A_704 = vector.broadcast %add3A_703 : i32 to vector<16xi32>
      %add3A_705 = arith.addi %add3A_704, %broadcast_in_dim3A_3 : vector<16xi32>
      %scatter3A_706 = arith.constant 0 : i32
      %scatter3A_707 = arith.constant 0 : i32
      %scatter3A_708 = tpu.memref_slice %arg10[%and3A_150, %scatter3A_706, %scatter3A_707] : memref<4x16x128xf32, #tpu.memory_space<vmem>> -> memref<1x16x128xf32, #tpu.memory_space<vmem>>
      %scatter3A_709 = tpu.memref_squeeze %scatter3A_708 : memref<1x16x128xf32, #tpu.memory_space<vmem>> -> memref<16x128xf32, #tpu.memory_space<vmem>>
      tpu.vector_store_idx %scatter3A_709[%iota3A, %add3A_705], %gather3A_702 masked %ge3A_134 : memref<16x128xf32, #tpu.memory_space<vmem>>[vector<16xi32>, vector<16xi32>], vector<16xf32>, vector<16xi1>
      %add3A_710 = arith.constant 51 : i32
      %add3A_711 = vector.broadcast %add3A_710 : i32 to vector<16xi32>
      %add3A_712 = arith.addi %shift_left3A_148, %add3A_711 : vector<16xi32>
      %gather3A_713 = tpu.vector_load_idx %arg11[%shift_right_arithmetic3A_143, %add3A_712] masked %ge3A_134 : memref<48x128xf32, #tpu.memory_space<vmem>>[vector<16xi32>, vector<16xi32>], vector<16xf32>, vector<16xi1>
      %add3A_714 = arith.constant 51 : i32
      %add3A_715 = vector.broadcast %add3A_714 : i32 to vector<16xi32>
      %add3A_716 = arith.addi %add3A_715, %broadcast_in_dim3A_3 : vector<16xi32>
      %scatter3A_717 = arith.constant 0 : i32
      %scatter3A_718 = arith.constant 0 : i32
      %scatter3A_719 = tpu.memref_slice %arg10[%and3A_150, %scatter3A_717, %scatter3A_718] : memref<4x16x128xf32, #tpu.memory_space<vmem>> -> memref<1x16x128xf32, #tpu.memory_space<vmem>>
      %scatter3A_720 = tpu.memref_squeeze %scatter3A_719 : memref<1x16x128xf32, #tpu.memory_space<vmem>> -> memref<16x128xf32, #tpu.memory_space<vmem>>
      tpu.vector_store_idx %scatter3A_720[%iota3A, %add3A_716], %gather3A_713 masked %ge3A_134 : memref<16x128xf32, #tpu.memory_space<vmem>>[vector<16xi32>, vector<16xi32>], vector<16xf32>, vector<16xi1>
      %add3A_721 = arith.constant 52 : i32
      %add3A_722 = vector.broadcast %add3A_721 : i32 to vector<16xi32>
      %add3A_723 = arith.addi %shift_left3A_148, %add3A_722 : vector<16xi32>
      %gather3A_724 = tpu.vector_load_idx %arg11[%shift_right_arithmetic3A_143, %add3A_723] masked %ge3A_134 : memref<48x128xf32, #tpu.memory_space<vmem>>[vector<16xi32>, vector<16xi32>], vector<16xf32>, vector<16xi1>
      %add3A_725 = arith.constant 52 : i32
      %add3A_726 = vector.broadcast %add3A_725 : i32 to vector<16xi32>
      %add3A_727 = arith.addi %add3A_726, %broadcast_in_dim3A_3 : vector<16xi32>
      %scatter3A_728 = arith.constant 0 : i32
      %scatter3A_729 = arith.constant 0 : i32
      %scatter3A_730 = tpu.memref_slice %arg10[%and3A_150, %scatter3A_728, %scatter3A_729] : memref<4x16x128xf32, #tpu.memory_space<vmem>> -> memref<1x16x128xf32, #tpu.memory_space<vmem>>
      %scatter3A_731 = tpu.memref_squeeze %scatter3A_730 : memref<1x16x128xf32, #tpu.memory_space<vmem>> -> memref<16x128xf32, #tpu.memory_space<vmem>>
      tpu.vector_store_idx %scatter3A_731[%iota3A, %add3A_727], %gather3A_724 masked %ge3A_134 : memref<16x128xf32, #tpu.memory_space<vmem>>[vector<16xi32>, vector<16xi32>], vector<16xf32>, vector<16xi1>
      %add3A_732 = arith.constant 53 : i32
      %add3A_733 = vector.broadcast %add3A_732 : i32 to vector<16xi32>
      %add3A_734 = arith.addi %shift_left3A_148, %add3A_733 : vector<16xi32>
      %gather3A_735 = tpu.vector_load_idx %arg11[%shift_right_arithmetic3A_143, %add3A_734] masked %ge3A_134 : memref<48x128xf32, #tpu.memory_space<vmem>>[vector<16xi32>, vector<16xi32>], vector<16xf32>, vector<16xi1>
      %add3A_736 = arith.constant 53 : i32
      %add3A_737 = vector.broadcast %add3A_736 : i32 to vector<16xi32>
      %add3A_738 = arith.addi %add3A_737, %broadcast_in_dim3A_3 : vector<16xi32>
      %scatter3A_739 = arith.constant 0 : i32
      %scatter3A_740 = arith.constant 0 : i32
      %scatter3A_741 = tpu.memref_slice %arg10[%and3A_150, %scatter3A_739, %scatter3A_740] : memref<4x16x128xf32, #tpu.memory_space<vmem>> -> memref<1x16x128xf32, #tpu.memory_space<vmem>>
      %scatter3A_742 = tpu.memref_squeeze %scatter3A_741 : memref<1x16x128xf32, #tpu.memory_space<vmem>> -> memref<16x128xf32, #tpu.memory_space<vmem>>
      tpu.vector_store_idx %scatter3A_742[%iota3A, %add3A_738], %gather3A_735 masked %ge3A_134 : memref<16x128xf32, #tpu.memory_space<vmem>>[vector<16xi32>, vector<16xi32>], vector<16xf32>, vector<16xi1>
      %add3A_743 = arith.constant 54 : i32
      %add3A_744 = vector.broadcast %add3A_743 : i32 to vector<16xi32>
      %add3A_745 = arith.addi %shift_left3A_148, %add3A_744 : vector<16xi32>
      %gather3A_746 = tpu.vector_load_idx %arg11[%shift_right_arithmetic3A_143, %add3A_745] masked %ge3A_134 : memref<48x128xf32, #tpu.memory_space<vmem>>[vector<16xi32>, vector<16xi32>], vector<16xf32>, vector<16xi1>
      %add3A_747 = arith.constant 54 : i32
      %add3A_748 = vector.broadcast %add3A_747 : i32 to vector<16xi32>
      %add3A_749 = arith.addi %add3A_748, %broadcast_in_dim3A_3 : vector<16xi32>
      %scatter3A_750 = arith.constant 0 : i32
      %scatter3A_751 = arith.constant 0 : i32
      %scatter3A_752 = tpu.memref_slice %arg10[%and3A_150, %scatter3A_750, %scatter3A_751] : memref<4x16x128xf32, #tpu.memory_space<vmem>> -> memref<1x16x128xf32, #tpu.memory_space<vmem>>
      %scatter3A_753 = tpu.memref_squeeze %scatter3A_752 : memref<1x16x128xf32, #tpu.memory_space<vmem>> -> memref<16x128xf32, #tpu.memory_space<vmem>>
      tpu.vector_store_idx %scatter3A_753[%iota3A, %add3A_749], %gather3A_746 masked %ge3A_134 : memref<16x128xf32, #tpu.memory_space<vmem>>[vector<16xi32>, vector<16xi32>], vector<16xf32>, vector<16xi1>
      %add3A_754 = arith.constant 55 : i32
      %add3A_755 = vector.broadcast %add3A_754 : i32 to vector<16xi32>
      %add3A_756 = arith.addi %shift_left3A_148, %add3A_755 : vector<16xi32>
      %gather3A_757 = tpu.vector_load_idx %arg11[%shift_right_arithmetic3A_143, %add3A_756] masked %ge3A_134 : memref<48x128xf32, #tpu.memory_space<vmem>>[vector<16xi32>, vector<16xi32>], vector<16xf32>, vector<16xi1>
      %add3A_758 = arith.constant 55 : i32
      %add3A_759 = vector.broadcast %add3A_758 : i32 to vector<16xi32>
      %add3A_760 = arith.addi %add3A_759, %broadcast_in_dim3A_3 : vector<16xi32>
      %scatter3A_761 = arith.constant 0 : i32
      %scatter3A_762 = arith.constant 0 : i32
      %scatter3A_763 = tpu.memref_slice %arg10[%and3A_150, %scatter3A_761, %scatter3A_762] : memref<4x16x128xf32, #tpu.memory_space<vmem>> -> memref<1x16x128xf32, #tpu.memory_space<vmem>>
      %scatter3A_764 = tpu.memref_squeeze %scatter3A_763 : memref<1x16x128xf32, #tpu.memory_space<vmem>> -> memref<16x128xf32, #tpu.memory_space<vmem>>
      tpu.vector_store_idx %scatter3A_764[%iota3A, %add3A_760], %gather3A_757 masked %ge3A_134 : memref<16x128xf32, #tpu.memory_space<vmem>>[vector<16xi32>, vector<16xi32>], vector<16xf32>, vector<16xi1>
      %add3A_765 = arith.constant 56 : i32
      %add3A_766 = vector.broadcast %add3A_765 : i32 to vector<16xi32>
      %add3A_767 = arith.addi %shift_left3A_148, %add3A_766 : vector<16xi32>
      %gather3A_768 = tpu.vector_load_idx %arg11[%shift_right_arithmetic3A_143, %add3A_767] masked %ge3A_134 : memref<48x128xf32, #tpu.memory_space<vmem>>[vector<16xi32>, vector<16xi32>], vector<16xf32>, vector<16xi1>
      %add3A_769 = arith.constant 56 : i32
      %add3A_770 = vector.broadcast %add3A_769 : i32 to vector<16xi32>
      %add3A_771 = arith.addi %add3A_770, %broadcast_in_dim3A_3 : vector<16xi32>
      %scatter3A_772 = arith.constant 0 : i32
      %scatter3A_773 = arith.constant 0 : i32
      %scatter3A_774 = tpu.memref_slice %arg10[%and3A_150, %scatter3A_772, %scatter3A_773] : memref<4x16x128xf32, #tpu.memory_space<vmem>> -> memref<1x16x128xf32, #tpu.memory_space<vmem>>
      %scatter3A_775 = tpu.memref_squeeze %scatter3A_774 : memref<1x16x128xf32, #tpu.memory_space<vmem>> -> memref<16x128xf32, #tpu.memory_space<vmem>>
      tpu.vector_store_idx %scatter3A_775[%iota3A, %add3A_771], %gather3A_768 masked %ge3A_134 : memref<16x128xf32, #tpu.memory_space<vmem>>[vector<16xi32>, vector<16xi32>], vector<16xf32>, vector<16xi1>
      %add3A_776 = arith.constant 57 : i32
      %add3A_777 = vector.broadcast %add3A_776 : i32 to vector<16xi32>
      %add3A_778 = arith.addi %shift_left3A_148, %add3A_777 : vector<16xi32>
      %gather3A_779 = tpu.vector_load_idx %arg11[%shift_right_arithmetic3A_143, %add3A_778] masked %ge3A_134 : memref<48x128xf32, #tpu.memory_space<vmem>>[vector<16xi32>, vector<16xi32>], vector<16xf32>, vector<16xi1>
      %add3A_780 = arith.constant 57 : i32
      %add3A_781 = vector.broadcast %add3A_780 : i32 to vector<16xi32>
      %add3A_782 = arith.addi %add3A_781, %broadcast_in_dim3A_3 : vector<16xi32>
      %scatter3A_783 = arith.constant 0 : i32
      %scatter3A_784 = arith.constant 0 : i32
      %scatter3A_785 = tpu.memref_slice %arg10[%and3A_150, %scatter3A_783, %scatter3A_784] : memref<4x16x128xf32, #tpu.memory_space<vmem>> -> memref<1x16x128xf32, #tpu.memory_space<vmem>>
      %scatter3A_786 = tpu.memref_squeeze %scatter3A_785 : memref<1x16x128xf32, #tpu.memory_space<vmem>> -> memref<16x128xf32, #tpu.memory_space<vmem>>
      tpu.vector_store_idx %scatter3A_786[%iota3A, %add3A_782], %gather3A_779 masked %ge3A_134 : memref<16x128xf32, #tpu.memory_space<vmem>>[vector<16xi32>, vector<16xi32>], vector<16xf32>, vector<16xi1>
      %add3A_787 = arith.constant 58 : i32
      %add3A_788 = vector.broadcast %add3A_787 : i32 to vector<16xi32>
      %add3A_789 = arith.addi %shift_left3A_148, %add3A_788 : vector<16xi32>
      %gather3A_790 = tpu.vector_load_idx %arg11[%shift_right_arithmetic3A_143, %add3A_789] masked %ge3A_134 : memref<48x128xf32, #tpu.memory_space<vmem>>[vector<16xi32>, vector<16xi32>], vector<16xf32>, vector<16xi1>
      %add3A_791 = arith.constant 58 : i32
      %add3A_792 = vector.broadcast %add3A_791 : i32 to vector<16xi32>
      %add3A_793 = arith.addi %add3A_792, %broadcast_in_dim3A_3 : vector<16xi32>
      %scatter3A_794 = arith.constant 0 : i32
      %scatter3A_795 = arith.constant 0 : i32
      %scatter3A_796 = tpu.memref_slice %arg10[%and3A_150, %scatter3A_794, %scatter3A_795] : memref<4x16x128xf32, #tpu.memory_space<vmem>> -> memref<1x16x128xf32, #tpu.memory_space<vmem>>
      %scatter3A_797 = tpu.memref_squeeze %scatter3A_796 : memref<1x16x128xf32, #tpu.memory_space<vmem>> -> memref<16x128xf32, #tpu.memory_space<vmem>>
      tpu.vector_store_idx %scatter3A_797[%iota3A, %add3A_793], %gather3A_790 masked %ge3A_134 : memref<16x128xf32, #tpu.memory_space<vmem>>[vector<16xi32>, vector<16xi32>], vector<16xf32>, vector<16xi1>
      %add3A_798 = arith.constant 59 : i32
      %add3A_799 = vector.broadcast %add3A_798 : i32 to vector<16xi32>
      %add3A_800 = arith.addi %shift_left3A_148, %add3A_799 : vector<16xi32>
      %gather3A_801 = tpu.vector_load_idx %arg11[%shift_right_arithmetic3A_143, %add3A_800] masked %ge3A_134 : memref<48x128xf32, #tpu.memory_space<vmem>>[vector<16xi32>, vector<16xi32>], vector<16xf32>, vector<16xi1>
      %add3A_802 = arith.constant 59 : i32
      %add3A_803 = vector.broadcast %add3A_802 : i32 to vector<16xi32>
      %add3A_804 = arith.addi %add3A_803, %broadcast_in_dim3A_3 : vector<16xi32>
      %scatter3A_805 = arith.constant 0 : i32
      %scatter3A_806 = arith.constant 0 : i32
      %scatter3A_807 = tpu.memref_slice %arg10[%and3A_150, %scatter3A_805, %scatter3A_806] : memref<4x16x128xf32, #tpu.memory_space<vmem>> -> memref<1x16x128xf32, #tpu.memory_space<vmem>>
      %scatter3A_808 = tpu.memref_squeeze %scatter3A_807 : memref<1x16x128xf32, #tpu.memory_space<vmem>> -> memref<16x128xf32, #tpu.memory_space<vmem>>
      tpu.vector_store_idx %scatter3A_808[%iota3A, %add3A_804], %gather3A_801 masked %ge3A_134 : memref<16x128xf32, #tpu.memory_space<vmem>>[vector<16xi32>, vector<16xi32>], vector<16xf32>, vector<16xi1>
      %add3A_809 = arith.constant 60 : i32
      %add3A_810 = vector.broadcast %add3A_809 : i32 to vector<16xi32>
      %add3A_811 = arith.addi %shift_left3A_148, %add3A_810 : vector<16xi32>
      %gather3A_812 = tpu.vector_load_idx %arg11[%shift_right_arithmetic3A_143, %add3A_811] masked %ge3A_134 : memref<48x128xf32, #tpu.memory_space<vmem>>[vector<16xi32>, vector<16xi32>], vector<16xf32>, vector<16xi1>
      %add3A_813 = arith.constant 60 : i32
      %add3A_814 = vector.broadcast %add3A_813 : i32 to vector<16xi32>
      %add3A_815 = arith.addi %add3A_814, %broadcast_in_dim3A_3 : vector<16xi32>
      %scatter3A_816 = arith.constant 0 : i32
      %scatter3A_817 = arith.constant 0 : i32
      %scatter3A_818 = tpu.memref_slice %arg10[%and3A_150, %scatter3A_816, %scatter3A_817] : memref<4x16x128xf32, #tpu.memory_space<vmem>> -> memref<1x16x128xf32, #tpu.memory_space<vmem>>
      %scatter3A_819 = tpu.memref_squeeze %scatter3A_818 : memref<1x16x128xf32, #tpu.memory_space<vmem>> -> memref<16x128xf32, #tpu.memory_space<vmem>>
      tpu.vector_store_idx %scatter3A_819[%iota3A, %add3A_815], %gather3A_812 masked %ge3A_134 : memref<16x128xf32, #tpu.memory_space<vmem>>[vector<16xi32>, vector<16xi32>], vector<16xf32>, vector<16xi1>
      %add3A_820 = arith.constant 61 : i32
      %add3A_821 = vector.broadcast %add3A_820 : i32 to vector<16xi32>
      %add3A_822 = arith.addi %shift_left3A_148, %add3A_821 : vector<16xi32>
      %gather3A_823 = tpu.vector_load_idx %arg11[%shift_right_arithmetic3A_143, %add3A_822] masked %ge3A_134 : memref<48x128xf32, #tpu.memory_space<vmem>>[vector<16xi32>, vector<16xi32>], vector<16xf32>, vector<16xi1>
      %add3A_824 = arith.constant 61 : i32
      %add3A_825 = vector.broadcast %add3A_824 : i32 to vector<16xi32>
      %add3A_826 = arith.addi %add3A_825, %broadcast_in_dim3A_3 : vector<16xi32>
      %scatter3A_827 = arith.constant 0 : i32
      %scatter3A_828 = arith.constant 0 : i32
      %scatter3A_829 = tpu.memref_slice %arg10[%and3A_150, %scatter3A_827, %scatter3A_828] : memref<4x16x128xf32, #tpu.memory_space<vmem>> -> memref<1x16x128xf32, #tpu.memory_space<vmem>>
      %scatter3A_830 = tpu.memref_squeeze %scatter3A_829 : memref<1x16x128xf32, #tpu.memory_space<vmem>> -> memref<16x128xf32, #tpu.memory_space<vmem>>
      tpu.vector_store_idx %scatter3A_830[%iota3A, %add3A_826], %gather3A_823 masked %ge3A_134 : memref<16x128xf32, #tpu.memory_space<vmem>>[vector<16xi32>, vector<16xi32>], vector<16xf32>, vector<16xi1>
      %add3A_831 = arith.constant 62 : i32
      %add3A_832 = vector.broadcast %add3A_831 : i32 to vector<16xi32>
      %add3A_833 = arith.addi %shift_left3A_148, %add3A_832 : vector<16xi32>
      %gather3A_834 = tpu.vector_load_idx %arg11[%shift_right_arithmetic3A_143, %add3A_833] masked %ge3A_134 : memref<48x128xf32, #tpu.memory_space<vmem>>[vector<16xi32>, vector<16xi32>], vector<16xf32>, vector<16xi1>
      %add3A_835 = arith.constant 62 : i32
      %add3A_836 = vector.broadcast %add3A_835 : i32 to vector<16xi32>
      %add3A_837 = arith.addi %add3A_836, %broadcast_in_dim3A_3 : vector<16xi32>
      %scatter3A_838 = arith.constant 0 : i32
      %scatter3A_839 = arith.constant 0 : i32
      %scatter3A_840 = tpu.memref_slice %arg10[%and3A_150, %scatter3A_838, %scatter3A_839] : memref<4x16x128xf32, #tpu.memory_space<vmem>> -> memref<1x16x128xf32, #tpu.memory_space<vmem>>
      %scatter3A_841 = tpu.memref_squeeze %scatter3A_840 : memref<1x16x128xf32, #tpu.memory_space<vmem>> -> memref<16x128xf32, #tpu.memory_space<vmem>>
      tpu.vector_store_idx %scatter3A_841[%iota3A, %add3A_837], %gather3A_834 masked %ge3A_134 : memref<16x128xf32, #tpu.memory_space<vmem>>[vector<16xi32>, vector<16xi32>], vector<16xf32>, vector<16xi1>
      %add3A_842 = arith.constant 63 : i32
      %add3A_843 = vector.broadcast %add3A_842 : i32 to vector<16xi32>
      %add3A_844 = arith.addi %shift_left3A_148, %add3A_843 : vector<16xi32>
      %gather3A_845 = tpu.vector_load_idx %arg11[%shift_right_arithmetic3A_143, %add3A_844] masked %ge3A_134 : memref<48x128xf32, #tpu.memory_space<vmem>>[vector<16xi32>, vector<16xi32>], vector<16xf32>, vector<16xi1>
      %add3A_846 = arith.constant 63 : i32
      %add3A_847 = vector.broadcast %add3A_846 : i32 to vector<16xi32>
      %add3A_848 = arith.addi %add3A_847, %broadcast_in_dim3A_3 : vector<16xi32>
      %scatter3A_849 = arith.constant 0 : i32
      %scatter3A_850 = arith.constant 0 : i32
      %scatter3A_851 = tpu.memref_slice %arg10[%and3A_150, %scatter3A_849, %scatter3A_850] : memref<4x16x128xf32, #tpu.memory_space<vmem>> -> memref<1x16x128xf32, #tpu.memory_space<vmem>>
      %scatter3A_852 = tpu.memref_squeeze %scatter3A_851 : memref<1x16x128xf32, #tpu.memory_space<vmem>> -> memref<16x128xf32, #tpu.memory_space<vmem>>
      tpu.vector_store_idx %scatter3A_852[%iota3A, %add3A_848], %gather3A_845 masked %ge3A_134 : memref<16x128xf32, #tpu.memory_space<vmem>>[vector<16xi32>, vector<16xi32>], vector<16xf32>, vector<16xi1>
      %ge3A_853 = arith.constant 3 : i32
      %ge3A_854 = arith.cmpi sge, %min3A_124, %ge3A_853 : i32
      %convert_element_type3A = arith.extui %ge3A_854 : i1 to i32
      %cond3A = arith.constant 0 : i32
      %cond3A_855 = arith.cmpi ne, %convert_element_type3A, %cond3A : i32
      scf.if %cond3A_855 {
        %dma_wait3A_867 = arith.constant 0 : i32
        %dma_wait3A_868 = arith.constant 0 : i32
        %dma_wait3A_869 = arith.constant 0 : i32
        %dma_wait3A_870 = tpu.memref_slice %arg10[%dma_wait3A_867, %dma_wait3A_868, %dma_wait3A_869] : memref<4x16x128xf32, #tpu.memory_space<vmem>> -> memref<1x16x128xf32, #tpu.memory_space<vmem>>
        %dma_wait3A_871 = tpu.memref_squeeze %dma_wait3A_870 : memref<1x16x128xf32, #tpu.memory_space<vmem>> -> memref<16x128xf32, #tpu.memory_space<vmem>>
        %dma_wait3A_872 = arith.constant 0 : i32
        %dma_wait3A_873 = arith.constant 0 : i32
        %dma_wait3A_874 = tpu.memref_slice %arg6[%dma_wait3A_872, %dma_wait3A_873] : memref<32768x128xf32, #tpu.memory_space<hbm>> -> memref<16x128xf32, #tpu.memory_space<hbm>>
        %dma_wait3A_875 = arith.constant 0 : i32
        %dma_wait3A_876 = arith.constant 0 : i32
        %dma_wait3A_877 = tpu.memref_slice %arg10[%dma_wait3A_867, %dma_wait3A_875, %dma_wait3A_876] : memref<4x16x128xf32, #tpu.memory_space<vmem>> -> memref<1x16x128xf32, #tpu.memory_space<vmem>>
        %dma_wait3A_878 = tpu.memref_squeeze %dma_wait3A_877 : memref<1x16x128xf32, #tpu.memory_space<vmem>> -> memref<16x128xf32, #tpu.memory_space<vmem>>
        %dma_wait3A_879 = arith.constant 0 : i32
        %dma_wait3A_880 = arith.constant 0 : i32
        %dma_wait3A_881 = tpu.memref_slice %arg6[%dma_wait3A_879, %dma_wait3A_880] : memref<32768x128xf32, #tpu.memory_space<hbm>> -> memref<16x128xf32, #tpu.memory_space<hbm>>
        tpu.wait_dma2 semaphore(%arg13 : memref<!tpu.dma_semaphore, #tpu.memory_space<semaphore_mem>>) src(%dma_wait3A_881 : memref<16x128xf32, #tpu.memory_space<hbm>>) dst(%dma_wait3A_878 : memref<16x128xf32, #tpu.memory_space<vmem>>)
      } else {
      }
      %and3A_856 = arith.constant 3 : i32
      %and3A_857 = arith.andi %min3A_124, %and3A_856 : i32
      %dma_start3A_858 = arith.constant 0 : i32
      %dma_start3A_859 = arith.constant 0 : i32
      %dma_start3A_860 = tpu.memref_slice %arg10[%and3A_857, %dma_start3A_858, %dma_start3A_859] : memref<4x16x128xf32, #tpu.memory_space<vmem>> -> memref<1x16x128xf32, #tpu.memory_space<vmem>>
      %dma_start3A_861 = tpu.memref_squeeze %dma_start3A_860 : memref<1x16x128xf32, #tpu.memory_space<vmem>> -> memref<16x128xf32, #tpu.memory_space<vmem>>
      %dma_start3A_862 = arith.constant 0 : i32
      %dma_start3A_863 = arith.constant 0 : i32
      %dma_start3A_864 = tpu.memref_slice %arg6[%dma_start3A_862, %dma_start3A_863] : memref<32768x128xf32, #tpu.memory_space<hbm>> -> memref<32768x128xf32, #tpu.memory_space<hbm>>
      tpu.enqueue_indirect_dma source(%dma_start3A_861 : memref<16x128xf32, #tpu.memory_space<vmem>>) target(%dma_start3A_864 : memref<32768x128xf32, #tpu.memory_space<hbm>>) offsets(%get3A_132 : vector<16xi32>) semaphore(%arg13 : memref<!tpu.dma_semaphore, #tpu.memory_space<semaphore_mem>>)
      %add3A_865 = arith.constant 1 : i32
      %add3A_866 = arith.addi %while3A_122, %add3A_865 : i32
      scf.yield %add3A_866 : i32
    }
    %dma_wait3A = arith.constant 0 : i32
    %dma_wait3A_48 = arith.constant 0 : i32
    %dma_wait3A_49 = arith.constant 0 : i32
    %dma_wait3A_50 = tpu.memref_slice %arg9[%dma_wait3A, %dma_wait3A_48, %dma_wait3A_49] : memref<2x64x768xf32, #tpu.memory_space<vmem>> -> memref<1x64x768xf32, #tpu.memory_space<vmem>>
    %dma_wait3A_51 = tpu.memref_squeeze %dma_wait3A_50 : memref<1x64x768xf32, #tpu.memory_space<vmem>> -> memref<64x768xf32, #tpu.memory_space<vmem>>
    %dma_wait3A_52 = arith.constant 0 : i32
    %dma_wait3A_53 = arith.constant 0 : i32
    %dma_wait3A_54 = tpu.memref_slice %arg4[%dma_wait3A_52, %dma_wait3A_53] : memref<64x1100000xf32, #tpu.memory_space<hbm>> -> memref<64x768xf32, #tpu.memory_space<hbm>>
    %dma_wait3A_55 = arith.constant 0 : i32
    %dma_wait3A_56 = arith.constant 0 : i32
    %dma_wait3A_57 = tpu.memref_slice %arg9[%dma_wait3A, %dma_wait3A_55, %dma_wait3A_56] : memref<2x64x768xf32, #tpu.memory_space<vmem>> -> memref<1x64x768xf32, #tpu.memory_space<vmem>>
    %dma_wait3A_58 = tpu.memref_squeeze %dma_wait3A_57 : memref<1x64x768xf32, #tpu.memory_space<vmem>> -> memref<64x768xf32, #tpu.memory_space<vmem>>
    %dma_wait3A_59 = arith.constant 0 : i32
    %dma_wait3A_60 = arith.constant 0 : i32
    %dma_wait3A_61 = tpu.memref_slice %arg4[%dma_wait3A_59, %dma_wait3A_60] : memref<64x1100000xf32, #tpu.memory_space<hbm>> -> memref<64x768xf32, #tpu.memory_space<hbm>>
    tpu.wait_dma2 semaphore(%arg12 : memref<!tpu.dma_semaphore, #tpu.memory_space<semaphore_mem>>) src(%dma_wait3A_61 : memref<64x768xf32, #tpu.memory_space<hbm>>) dst(%dma_wait3A_58 : memref<64x768xf32, #tpu.memory_space<vmem>>)
    %dma_wait3A_62 = arith.constant 0 : i32
    %dma_wait3A_63 = arith.constant 0 : i32
    %dma_wait3A_64 = arith.constant 0 : i32
    %dma_wait3A_65 = tpu.memref_slice %arg9[%dma_wait3A_62, %dma_wait3A_63, %dma_wait3A_64] : memref<2x64x768xf32, #tpu.memory_space<vmem>> -> memref<1x64x768xf32, #tpu.memory_space<vmem>>
    %dma_wait3A_66 = tpu.memref_squeeze %dma_wait3A_65 : memref<1x64x768xf32, #tpu.memory_space<vmem>> -> memref<64x768xf32, #tpu.memory_space<vmem>>
    %dma_wait3A_67 = arith.constant 0 : i32
    %dma_wait3A_68 = arith.constant 0 : i32
    %dma_wait3A_69 = tpu.memref_slice %arg4[%dma_wait3A_67, %dma_wait3A_68] : memref<64x1100000xf32, #tpu.memory_space<hbm>> -> memref<64x768xf32, #tpu.memory_space<hbm>>
    %dma_wait3A_70 = arith.constant 0 : i32
    %dma_wait3A_71 = arith.constant 0 : i32
    %dma_wait3A_72 = tpu.memref_slice %arg9[%dma_wait3A_62, %dma_wait3A_70, %dma_wait3A_71] : memref<2x64x768xf32, #tpu.memory_space<vmem>> -> memref<1x64x768xf32, #tpu.memory_space<vmem>>
    %dma_wait3A_73 = tpu.memref_squeeze %dma_wait3A_72 : memref<1x64x768xf32, #tpu.memory_space<vmem>> -> memref<64x768xf32, #tpu.memory_space<vmem>>
    %dma_wait3A_74 = arith.constant 0 : i32
    %dma_wait3A_75 = arith.constant 0 : i32
    %dma_wait3A_76 = tpu.memref_slice %arg4[%dma_wait3A_74, %dma_wait3A_75] : memref<64x1100000xf32, #tpu.memory_space<hbm>> -> memref<64x768xf32, #tpu.memory_space<hbm>>
    tpu.wait_dma2 semaphore(%arg12 : memref<!tpu.dma_semaphore, #tpu.memory_space<semaphore_mem>>) src(%dma_wait3A_76 : memref<64x768xf32, #tpu.memory_space<hbm>>) dst(%dma_wait3A_73 : memref<64x768xf32, #tpu.memory_space<vmem>>)
    %dma_wait3A_77 = arith.constant 0 : i32
    %dma_wait3A_78 = arith.constant 0 : i32
    %dma_wait3A_79 = arith.constant 0 : i32
    %dma_wait3A_80 = tpu.memref_slice %arg10[%dma_wait3A_77, %dma_wait3A_78, %dma_wait3A_79] : memref<4x16x128xf32, #tpu.memory_space<vmem>> -> memref<1x16x128xf32, #tpu.memory_space<vmem>>
    %dma_wait3A_81 = tpu.memref_squeeze %dma_wait3A_80 : memref<1x16x128xf32, #tpu.memory_space<vmem>> -> memref<16x128xf32, #tpu.memory_space<vmem>>
    %dma_wait3A_82 = arith.constant 0 : i32
    %dma_wait3A_83 = arith.constant 0 : i32
    %dma_wait3A_84 = tpu.memref_slice %arg6[%dma_wait3A_82, %dma_wait3A_83] : memref<32768x128xf32, #tpu.memory_space<hbm>> -> memref<16x128xf32, #tpu.memory_space<hbm>>
    %dma_wait3A_85 = arith.constant 0 : i32
    %dma_wait3A_86 = arith.constant 0 : i32
    %dma_wait3A_87 = tpu.memref_slice %arg10[%dma_wait3A_77, %dma_wait3A_85, %dma_wait3A_86] : memref<4x16x128xf32, #tpu.memory_space<vmem>> -> memref<1x16x128xf32, #tpu.memory_space<vmem>>
    %dma_wait3A_88 = tpu.memref_squeeze %dma_wait3A_87 : memref<1x16x128xf32, #tpu.memory_space<vmem>> -> memref<16x128xf32, #tpu.memory_space<vmem>>
    %dma_wait3A_89 = arith.constant 0 : i32
    %dma_wait3A_90 = arith.constant 0 : i32
    %dma_wait3A_91 = tpu.memref_slice %arg6[%dma_wait3A_89, %dma_wait3A_90] : memref<32768x128xf32, #tpu.memory_space<hbm>> -> memref<16x128xf32, #tpu.memory_space<hbm>>
    tpu.wait_dma2 semaphore(%arg13 : memref<!tpu.dma_semaphore, #tpu.memory_space<semaphore_mem>>) src(%dma_wait3A_91 : memref<16x128xf32, #tpu.memory_space<hbm>>) dst(%dma_wait3A_88 : memref<16x128xf32, #tpu.memory_space<vmem>>)
    %dma_wait3A_92 = arith.constant 0 : i32
    %dma_wait3A_93 = arith.constant 0 : i32
    %dma_wait3A_94 = arith.constant 0 : i32
    %dma_wait3A_95 = tpu.memref_slice %arg10[%dma_wait3A_92, %dma_wait3A_93, %dma_wait3A_94] : memref<4x16x128xf32, #tpu.memory_space<vmem>> -> memref<1x16x128xf32, #tpu.memory_space<vmem>>
    %dma_wait3A_96 = tpu.memref_squeeze %dma_wait3A_95 : memref<1x16x128xf32, #tpu.memory_space<vmem>> -> memref<16x128xf32, #tpu.memory_space<vmem>>
    %dma_wait3A_97 = arith.constant 0 : i32
    %dma_wait3A_98 = arith.constant 0 : i32
    %dma_wait3A_99 = tpu.memref_slice %arg6[%dma_wait3A_97, %dma_wait3A_98] : memref<32768x128xf32, #tpu.memory_space<hbm>> -> memref<16x128xf32, #tpu.memory_space<hbm>>
    %dma_wait3A_100 = arith.constant 0 : i32
    %dma_wait3A_101 = arith.constant 0 : i32
    %dma_wait3A_102 = tpu.memref_slice %arg10[%dma_wait3A_92, %dma_wait3A_100, %dma_wait3A_101] : memref<4x16x128xf32, #tpu.memory_space<vmem>> -> memref<1x16x128xf32, #tpu.memory_space<vmem>>
    %dma_wait3A_103 = tpu.memref_squeeze %dma_wait3A_102 : memref<1x16x128xf32, #tpu.memory_space<vmem>> -> memref<16x128xf32, #tpu.memory_space<vmem>>
    %dma_wait3A_104 = arith.constant 0 : i32
    %dma_wait3A_105 = arith.constant 0 : i32
    %dma_wait3A_106 = tpu.memref_slice %arg6[%dma_wait3A_104, %dma_wait3A_105] : memref<32768x128xf32, #tpu.memory_space<hbm>> -> memref<16x128xf32, #tpu.memory_space<hbm>>
    tpu.wait_dma2 semaphore(%arg13 : memref<!tpu.dma_semaphore, #tpu.memory_space<semaphore_mem>>) src(%dma_wait3A_106 : memref<16x128xf32, #tpu.memory_space<hbm>>) dst(%dma_wait3A_103 : memref<16x128xf32, #tpu.memory_space<vmem>>)
    %dma_wait3A_107 = arith.constant 0 : i32
    %dma_wait3A_108 = arith.constant 0 : i32
    %dma_wait3A_109 = arith.constant 0 : i32
    %dma_wait3A_110 = tpu.memref_slice %arg10[%dma_wait3A_107, %dma_wait3A_108, %dma_wait3A_109] : memref<4x16x128xf32, #tpu.memory_space<vmem>> -> memref<1x16x128xf32, #tpu.memory_space<vmem>>
    %dma_wait3A_111 = tpu.memref_squeeze %dma_wait3A_110 : memref<1x16x128xf32, #tpu.memory_space<vmem>> -> memref<16x128xf32, #tpu.memory_space<vmem>>
    %dma_wait3A_112 = arith.constant 0 : i32
    %dma_wait3A_113 = arith.constant 0 : i32
    %dma_wait3A_114 = tpu.memref_slice %arg6[%dma_wait3A_112, %dma_wait3A_113] : memref<32768x128xf32, #tpu.memory_space<hbm>> -> memref<16x128xf32, #tpu.memory_space<hbm>>
    %dma_wait3A_115 = arith.constant 0 : i32
    %dma_wait3A_116 = arith.constant 0 : i32
    %dma_wait3A_117 = tpu.memref_slice %arg10[%dma_wait3A_107, %dma_wait3A_115, %dma_wait3A_116] : memref<4x16x128xf32, #tpu.memory_space<vmem>> -> memref<1x16x128xf32, #tpu.memory_space<vmem>>
    %dma_wait3A_118 = tpu.memref_squeeze %dma_wait3A_117 : memref<1x16x128xf32, #tpu.memory_space<vmem>> -> memref<16x128xf32, #tpu.memory_space<vmem>>
    %dma_wait3A_119 = arith.constant 0 : i32
    %dma_wait3A_120 = arith.constant 0 : i32
    %dma_wait3A_121 = tpu.memref_slice %arg6[%dma_wait3A_119, %dma_wait3A_120] : memref<32768x128xf32, #tpu.memory_space<hbm>> -> memref<16x128xf32, #tpu.memory_space<hbm>>
    tpu.wait_dma2 semaphore(%arg13 : memref<!tpu.dma_semaphore, #tpu.memory_space<semaphore_mem>>) src(%dma_wait3A_121 : memref<16x128xf32, #tpu.memory_space<hbm>>) dst(%dma_wait3A_118 : memref<16x128xf32, #tpu.memory_space<vmem>>)
    return
  }
}

</mosaic_0001>

<sc_bundles>
// kernel: kernel.3.cloned.1.call-start
scs
__scs_entry_jumppad:
0x0: {  	(pc) =	sbr.rel $0x88, $3  }
0x1: {  	(tag) =	ssettag $0x0;
	lr =	simm.s32 $0x1  }
0x2: {  	[smem:$0x3F9E] =	sst lr;
	_ =	strace $0xD0000000  }
0x3: {  	_ = 	snop  }
0x4: {  	_ = 	snop  }
0x5: {  	_ = 	snop  }
0x6: {  	_ = 	snop  }
0x7: {  	_ = 	snop  }
__scs_overlays_trampoline_lowered:
0x8: {  	[smem:$0x3FAD] =	sst s0  }
0x9: {  	[smem:$0x3FAE] =	sst s1  }
0xa: {  	[smem:$0x3FAF] =	sst s2  }
0xb: {  	[smem:$0x3FB0] =	sst s3  }
0xc: {  	[smem:$0x3FB1] =	sst s4  }
0xd: {  	[smem:$0x3FB2] =	sst s5  }
0xe: {  	[smem:$0x3FB3] =	sst s6  }
0xf: {  	[smem:$0x3FB4] =	sst s7  }
0x10: {  	[smem:$0x3FB5] =	sst s8  }
0x11: {  	[smem:$0x3FB6] =	sst s9;
	s0 =	simm.s32 @!p0 $0x0  }
0x12: {  	s1 =	sld [smem:$0x3F9C];
	s0 =	simm.s32 @p0 $0x1  }
0x13: {  	[smem:$0x3FB7] =	sst s0;
	s0 =	simm.s32 @!p1 $0x0  }
0x14: {  	s2 =	sld [smem:$0x3F9B];
	s0 =	simm.s32 @p1 $0x1  }
0x15: {  	[smem:$0x3FB8] =	sst s0;
	s0 =	simm.s32 @!p2 $0x0  }
0x16: {  	s3 =	sld [smem:$0x3FDB];
	s0 =	simm.s32 @p2 $0x1  }
0x17: {  	s4 =	simm.s32 $0x1BF5;
	[smem:$0x3FBA] =	sst s0  }
0x18: {  	s0 =	sld [smem:$0x3F9D];
	_ =	swait.ge [sflag:s4], $0x0  }
0x19: {  	s7 =	sld [smem:$0x3F9E]  }
0x1a: {  	s8 =	sadd.s32 $0xFFFFE003, lr  }
0x1b: {  	s9 =	sadd.s32 $0xFFFFFEF7, lr;
	s5 =	simm.s32 $0xFFFFFFFF;
	p2 =	slt.u32 s8, $0xFFFFF086  }
0x1c: {  	p1 =	slt.u32 s9, $0xF7A;
	s5 =	simm.s32 @!p2 $0x0  }
0x1d: {  	s5 =	simm.s32 @p1 $0x1;
	p0 =	seq.s32 s7, s2  }
0x1e: {  	s7 =	smul.u32 @!p0 $0xF7A, s2;
	p2 =	seq.s32 @!p0 s5, $0x0  }
0x1f: {  	s9 =	smul.u32 $0xF7A, s1;
	s8 =	simm.s32 @!p0 $0x1BF5;
	p2 =	por !p2, p0  }
0x20: {  	[sflag:s8] =	ssyncset.s32 @!p0 $0xFFFFF086;
	s6 =	sadd.s32 @!p0 s3, s7;
	s7 =	simm.s32 @!p0 $0x108  }
0x21: {  	s3 =	sadd.s32 s3, s9;
	s6 =	sadd.s32 @!p0 $0x88, s6;
	s7 =	simm.s32 @p2 $0x1082  }
0x22: {  	[simem:s7], [sflag:s8] =	dma.local @!p0 [hbm:s6], $0xF7A  }
0x23: {  	s9 =	sor.u32 $0xD0000000, s2;
	s6 =	simm.s32 $0x108;
	_ =	swait.ge @!p0 [sflag:s8], $0x0  }
0x24: {  	s3 =	sadd.s32 $0x88, s3;
	s6 =	simm.s32 @!p1 $0x1082;
	[sflag:s4] =	ssyncset.s32 $0xFFFFF086  }
0x25: {  	[simem:s6], [sflag:s4] =	dma.local [hbm:s3], $0xF7A  }
0x26: {  	[smem:$0x3F9E] =	sst s1;
	(tag) =	ssettag s2;
	_ =	strace s9  }
0x27: {  	s1 =	sld [smem:$0x3FAE]  }
0x28: {  	s2 =	sld [smem:$0x3FAF]  }
0x29: {  	s4 =	sld [smem:$0x3FB1]  }
0x2a: {  	p0 =	seq.s32 s5, $0x0;
	s5 =	sld [smem:$0x3FB2]  }
0x2b: {  	s6 =	sld [smem:$0x3FB3]  }
0x2c: {  	s7 =	sld [smem:$0x3FB4]  }
0x2d: {  	s3 =	simm.s32 $0x108;
	s8 =	sld [smem:$0x3FB5]  }
0x2e: {  	s3 =	simm.s32 @!p0 $0x1082;
	s9 =	sld [smem:$0x3FB6]  }
0x2f: {  	lr =	sadd.s32 s0, s3;
	s0 =	sld [smem:$0x3FAD]  }
0x30: {  	s3 =	sld [smem:$0x3FB0]  }
0x31: {  	[smem:$0x3FB9] =	sst s10  }
0x32: {  	s10 =	sld [smem:$0x3FB7];
	_ =	sdelay $0x3  }
0x33: {  	p0 =	seq.s32 s10, $0x1;
	s10 =	sld [smem:$0x3FB9];
	_ =	sdelay $0x3  }
0x34: {  	[smem:$0x3FB9] =	sst s10  }
0x35: {  	s10 =	sld [smem:$0x3FB8];
	_ =	sdelay $0x3  }
0x36: {  	p1 =	seq.s32 s10, $0x1;
	s10 =	sld [smem:$0x3FB9];
	_ =	sdelay $0x3  }
0x37: {  	[smem:$0x3FB9] =	sst s10  }
0x38: {  	s10 =	sld [smem:$0x3FBA]  }
0x39: {  	_ = 	snop;
	(pc) =	sbr.ind lr, $3  }
0x3a: {  	_ = 	snop  }
0x3b: {  	_ = 	snop  }
0x3c: {  	p2 =	seq.s32 s10, $0x1;
	s10 =	sld [smem:$0x3FB9]  }
0x3d: {  	_ =	shalt  }
0x3e: {  	_ =	shalt  }
0x3f: {  	_ =	shalt  }
0x40: {  	_ =	shalt  }
0x41: {  	_ =	shalt  }
0x42: {  	_ =	shalt  }
0x43: {  	_ =	shalt  }
0x44: {  	_ =	shalt  }
0x45: {  	_ =	shalt  }
0x46: {  	_ =	shalt  }
0x47: {  	_ =	shalt  }
0x48: {  	_ =	shalt  }
0x49: {  	_ =	shalt  }
0x4a: {  	_ =	shalt  }
0x4b: {  	_ =	shalt  }
0x4c: {  	_ =	shalt  }
0x4d: {  	_ =	shalt  }
0x4e: {  	_ =	shalt  }
0x4f: {  	_ =	shalt  }
0x50: {  	_ =	shalt  }
0x51: {  	_ =	shalt  }
0x52: {  	_ =	shalt  }
0x53: {  	_ =	shalt  }
0x54: {  	_ =	shalt  }
0x55: {  	_ =	shalt  }
0x56: {  	_ =	shalt  }
0x57: {  	_ =	shalt  }
0x58: {  	_ =	shalt  }
0x59: {  	_ =	shalt  }
0x5a: {  	_ =	shalt  }
0x5b: {  	_ =	shalt  }
0x5c: {  	_ =	shalt  }
0x5d: {  	_ =	shalt  }
0x5e: {  	_ =	shalt  }
0x5f: {  	_ =	shalt  }
0x60: {  	_ =	shalt  }
0x61: {  	_ =	shalt  }
0x62: {  	_ =	shalt  }
0x63: {  	_ =	shalt  }
0x64: {  	_ =	shalt  }
0x65: {  	_ =	shalt  }
0x66: {  	_ =	shalt  }
0x67: {  	_ =	shalt  }
0x68: {  	_ =	shalt  }
0x69: {  	_ =	shalt  }
0x6a: {  	_ =	shalt  }
0x6b: {  	_ =	shalt  }
0x6c: {  	_ =	shalt  }
0x6d: {  	_ =	shalt  }
0x6e: {  	_ =	shalt  }
0x6f: {  	_ =	shalt  }
0x70: {  	_ =	shalt  }
0x71: {  	_ =	shalt  }
0x72: {  	_ =	shalt  }
0x73: {  	_ =	shalt  }
0x74: {  	_ =	shalt  }
0x75: {  	_ =	shalt  }
0x76: {  	_ =	shalt  }
0x77: {  	_ =	shalt  }
0x78: {  	_ =	shalt  }
0x79: {  	_ =	shalt  }
0x7a: {  	_ =	shalt  }
0x7b: {  	_ =	shalt  }
0x7c: {  	_ =	shalt  }
0x7d: {  	_ =	shalt  }
0x7e: {  	_ =	shalt  }
0x7f: {  	_ =	shalt  }
0x80: {  	_ =	shalt  }
0x81: {  	_ =	shalt  }
0x82: {  	_ =	shalt  }
0x83: {  	_ =	shalt  }
0x84: {  	_ =	shalt  }
0x85: {  	_ =	shalt  }
0x86: {  	_ =	shalt  }
0x87: {  	_ =	shalt  }
.Lfunc_end0:
.L_simem_size_0:
called_computation_lowered:
.L_overlay_start_0:
0x88: {  	s2 =	sld [smem:$0x3FD9]  }
0x89: {  	s3 =	sld [smem:$0x3FFE];
	_ =	sdelay $0x1  }
0x8a: {  	s1 =	srdreg.scid  }
0x8b: {  	s0 =	sand.u32 $0x1, s1  }
0x8c: {  	s14 =	sshll.u32 s0, $0xA;
	s2 =	sadd.s32 s3, s2  }
0x8d: {  	s2 =	sadd.s32 s2, s14  }
0x8e: {  	[smem:$0x3FC5] =	sst s2  }
0x8f: {  	_ = 	snop  }
0x90: {  	s2 =	sld [smem:$0x3FD0];
	_ =	sdelay $0x2  }
0x91: {  	s4 =	simm.s32 $0xA;
	s5 =	simm.s32 $0x10;
	s15 =	sld [smem:$0x3FC7]  }
0x92: {  	[smem:s5], [sflag:s4] =	dma.local [hbm:s2], $0x1  }
0x93: {  	_ =	swait.eq [sflag:s4], $0x1  }
0x94: {  	[sflag:s4] =	ssyncset.done $0x0  }
0x95: {  	s16 =	sld [smem:$0x10];
	[sflag:s4] =	ssyncadd.s32 $0xFFFFFFFF  }
0x96: {  	s17 =	sld [smem:$0x11];
	(tm) =	ssettm $0x1  }
0x97: {  	s18 =	sld [smem:$0x3FFB];
	_ =	sdelay $0x3  }
0x98: {  	_ =	strace s18  }
0x99: {  	s5 =	sld [smem:$0x3FFC];
	_ =	sdelay $0x3  }
0x9a: {  	_ =	strace s5  }
0x9b: {  	s5 =	sld [smem:$0x3FFD];
	_ =	sdelay $0x3  }
0x9c: {  	_ =	strace s5  }
0x9d: {  	_ =	strace $0x8FFFFFFF  }
0x9e: {  	s19 =	sld [smem:$0x3FDB];
	_ =	sdelay $0x1  }
0x9f: {  	s6 =	simm.s32 $_scs_section_size  }
0xa0: {  	s7 =	simm.s32 $_size__tile_overlayer_lowered;
	s8 =	simm.s32 $_tile_overlayer_lowered  }
0xa1: {  	s22 =	simm.s32 $0x1BFF;
	s21 =	sshll.u32 s8, $0x1;
	s5 =	sadd.s32 s6, s19  }
0xa2: {  	s9 =	simm.s32 $0x0;
	s20 =	sshll.u32 s7, $0x1;
	s7 =	sadd.s32 s21, s5  }
0xa3: {  	[timem:s9], [sflag:s22] =	dma.local [hbm:s7], s20  }
0xa4: {  	_ =	swait.ge [sflag:s22], s20  }
0xa5: {  	s6 =	ssub.s32 $0x0, s20;
	[sflag:s22] =	ssyncset.done $0x0  }
0xa6: {  	[sflag:s22] =	ssyncadd.s32 s6;
	_ =	sdelay $0x1  }
0xa7: {  	s23 =	simm.s32 $0x1B8B  }
0xa8: {  	_ =	swait.ge [sflag:s23], $0x1  }
0xa9: {  	[sflag:s23] =	ssyncset.done $0x0  }
0xaa: {  	s25 =	simm.s32 $0x1B8E;
	s24 =	sld [smem:$0x3FFE];
	[sflag:s23] =	ssyncadd.s32 $0xFFFFFFFF  }
0xab: {  	s26 =	simm.s32 $execute0_lowered;
	[smem:$0x3FD2] =	sst s25  }
0xac: {  	s7 =	sshll.u32 s26, $0x1;
	_ =	strace $0x80000046;
	[dreg:$0x1] =	wrdreg $0xFFFFFFFF  }
0xad: {  	s28 =	simm.s32 $_size_execute0_lowered;
	s5 =	sadd.s32 s5, s7;
	[dreg:$0x0] =	wrdreg $0x0  }
0xae: {  	s7 =	sshll.u32 s28, $0x1;
	[dreg:$0x2] =	wrdreg s5  }
0xaf: {  	[dreg:$0x3] =	wrdreg s7  }
0xb0: {  	[dreg:$0x4] =	wrdreg $0xC0  }
0xb1: {  	_ =	task [dreg:s9], $0x5FFFF  }
0xb2: {  	[dreg:$0x1] =	wrdreg $0xFFFFFFFF  }
0xb3: {  	[dreg:$0x0] =	wrdreg $0x60  }
0xb4: {  	[dreg:$0x2] =	wrdreg s17  }
0xb5: {  	[dreg:$0x3] =	wrdreg s16  }
0xb6: {  	[dreg:$0x4] =	wrdreg s15  }
0xb7: {  	[dreg:$0x5] =	wrdreg s24  }
0xb8: {  	[dreg:$0x6] =	wrdreg $0x9  }
0xb9: {  	_ =	task.clear_ibuf [dreg:s9], $0x7FFFF;
	_ =	strace $0x90000046  }
0xba: {  	s29 =	simm.s32 $0x9;
	_ =	strace $0x80000048  }
0xbb: {  	_ =	swait.ge [sflag:s29], $0x1  }
0xbc: {  	[sflag:s29] =	ssyncadd.s32 $0xFFFFFFFF  }
0xbd: {  	_ =	strace $0x90000048  }
0xbe: {  	_ =	sfence  }
0xbf: {  	s30 =	sld [smem:$0x0];
	_ =	sdelay $0x2  }
0xc0: {  	s31 =	sshll.u32 s1, $0xD;
	s1 =	sshrl.u32 s1, $0x2  }
0xc1: {  	s3 =	sand.u32 $0x4000, s31;
	s1 =	sadd.s32 s1, s30  }
0xc2: {  	s0 =	sor.u32 s3, s0;
	s1 =	sshll.u32 s1, $0x11  }
0xc3: {  	s0 =	sor.u32 s1, s0  }
0xc4: {  	s0 =	sadd.s32 $0x8F2B, s0  }
0xc5: {  	[sflag:s0] =	ssyncadd.remote.s32 $0x1  }
0xc6: {  	_ =	sfence.sel $0xFFFF  }
0xc7: {  	[dreg:$0x0] =	wrdreg $0xFFFFFFFF;
	(pc) =	sbr.abs _section_cstart, $3  }
0xc8: {  	[dreg:$0x1] =	wrdreg $0xFFFFFFFF  }
0xc9: {  	_ =	task.clear_ibuf [dreg:s9], $0x2FFFF;
	_ =	strace $0x9FFFFFFF  }
0xca: {  	(tm) =	ssettm $0x7FFFFFFF  }
0xcb: {  	_ =	shalt  }
tec
execute0_lowered:
.L_overlay_start_1:
0x0: {  	(tag) =	ssettag $0x1  }
0x1: {  	v0 =	vlaneseq.u32  }
0x2: {  	v4 =	vmul.u32 $0x80, v0  }
0x3: {  	vm0 =	vmmov $0x7fff;
	vm1 =	vmmov $0xffff  }
0x4: {  	v1 =	vor.u32 $0x1, v4;
	v6 =	vor.u32 $0x2, v4;
	v7 =	vor.u32 $0x3, v4  }
0x5: {  	v8 =	vor.u32 $0x4, v4;
	v9 =	vor.u32 $0x5, v4;
	v10 =	vor.u32 $0x6, v4  }
0x6: {  	v11 =	vor.u32 $0x7, v4;
	v12 =	vor.u32 $0x8, v4;
	v13 =	vor.u32 $0x9, v4  }
0x7: {  	s6 =	rddreg [dreg:$0x0];
	v14 =	vor.u32 $0xA, v4;
	v15 =	vor.u32 $0xB, v4;
	v16 =	vor.u32 $0xC, v4  }
0x8: {  	s7 =	rddreg [dreg:$0x1];
	v17 =	vor.u32 $0xD, v4;
	v18 =	vor.u32 $0xE, v4;
	v19 =	vor.u32 $0xF, v4  }
0x9: {  	s0 =	rddreg [dreg:$0x2];
	v20 =	vor.u32 $0x10, v4;
	v21 =	vor.u32 $0x11, v4;
	v22 =	vor.u32 $0x12, v4  }
0xa: {  	s2 =	rddreg [dreg:$0x3];
	s3 =	simm.s32 $0x0;
	v23 =	vor.u32 $0x13, v4;
	v24 =	vor.u32 $0x14, v4;
	v25 =	vor.u32 $0x15, v4  }
0xb: {  	[smem:$0x7FF] =	sst s3;
	v26 =	vor.u32 $0x16, v4;
	v27 =	vor.u32 $0x17, v4;
	v0 =	vor.u32 $0x36, v4  }
0xc: {  	s1 =	rddreg [dreg:$0x4];
	_ =	strace $0x80000047;
	v28 =	vor.u32 $0x18, v4;
	v29 =	vor.u32 $0x19, v4;
	v54 =	vor.u32 $0x32, v4;
	[tilespmem:$0x1FF30] =	vst v0  }
0xd: {  	v30 =	vor.u32 $0x1A, v4;
	v31 =	vor.u32 $0x1B, v4;
	v58 =	vor.u32 $0x33, v4;
	[tilespmem:$0x1FF70] =	vst v54  }
0xe: {  	v32 =	vor.u32 $0x1C, v4;
	v33 =	vor.u32 $0x1D, v4;
	v55 =	vor.u32 $0x34, v4;
	[tilespmem:$0x1FF80] =	vst v58  }
0xf: {  	v34 =	vor.u32 $0x1E, v4;
	v35 =	vor.u32 $0x1F, v4;
	v61 =	vor.u32 $0x35, v4;
	[tilespmem:$0x1FF90] =	vst v55  }
0x10: {  	s11 =	simm.s32 $0x1A800;
	v36 =	vor.u32 $0x20, v4;
	v37 =	vor.u32 $0x21, v4;
	v38 =	vor.u32 $0x22, v4;
	[tilespmem:$0x1FFA0] =	vst v61  }
0x11: {  	s5 =	srdreg.scid;
	s13 =	simm.s32 $0x864800;
	v39 =	vor.u32 $0x23, v4;
	v40 =	vor.u32 $0x24, v4;
	v53 =	vor.u32 $0x39, v4;
	[tilespmem:$0x1FFB0] =	vst v1  }
0x12: {  	s4 =	stileid.u32;
	s12 =	simm.s32 $0x1800;
	s14 =	simm.s32 $0x800;
	v41 =	vor.u32 $0x25, v4;
	v42 =	vor.u32 $0x26, v4;
	v52 =	vor.u32 $0x30, v4;
	[tilespmem:$0x1FFC0] =	vst v53  }
0x13: {  	s15 =	simm.s32 $0xC800;
	s16 =	simm.s32 $0x1;
	s17 =	simm.s32 $0x2;
	v43 =	vor.u32 $0x27, v4;
	v44 =	vor.u32 $0x28, v4;
	v56 =	vor.u32 $0x3C, v4;
	[tilespmem:$0x1FFD0] =	vst v52  }
.Ltmp0:
0x14: {  	s18 =	simm.s32 $0x0;
	s5 =	sand.u32 $0x1, s5;
	v45 =	vor.u32 $0x29, v4;
	v46 =	vor.u32 $0x2A, v4;
	v5 =	vor.u32 $0x3E, v4;
	[tilespmem:$0x1FFE0] =	vst v56;
	(pc) =	sbr.rel .LBB2_1-.Ltmp0, $4  }
0x15: {  	s9 =	sshll.u32 s4, $0x8;
	s8 =	ssub.s32 $0x2, s5;
	s5 =	sshll.u32 s5, $0x7;
	v47 =	vor.u32 $0x2B, v4;
	v48 =	vor.u32 $0x2C, v4;
	v0 =	vor.u32 $0x37, v4;
	[tilespmem:$0x1FFF0] =	vst v5  }
0x16: {  	v49 =	vor.u32 $0x2D, v4;
	v50 =	vor.u32 $0x2E, v4;
	s10 =	sshrl.u32 s8, $0x1;
	s9 =	sor.u32 s5, s9;
	s5 =	sadd.s32 $0x400, s2;
	[tilespmem:$0x1FF40] =	vst v0;
	v0 =	vor.u32 $0x38, v4  }
0x17: {  	v51 =	vor.u32 $0x2F, v4;
	v57 =	vor.u32 $0x31, v4;
	s8 =	ssub.s32 s8, s10;
	s6 =	sadd.s32 s6, s9;
	s7 =	sadd.s32 s7, s9;
	[tilespmem:$0x1FF50] =	vst v0;
	v0 =	vor.u32 $0x3F, v4  }
0x18: {  	v59 =	vor.u32 $0x3A, v4;
	v60 =	vor.u32 $0x3B, v4;
	v62 =	vor.u32 $0x3D, v4;
	s9 =	simm.s32 $0x3;
	s10 =	simm.s32 $0x400;
	s8 =	smax.u32 s8, $0x1;
	[tilespmem:$0x1FF60] =	vst v0  }
.LBB2_7:
0x19: {  	_ =	swait.ge [sflag:s16], $0xC000  }
0x1a: {  	[sflag:s16] =	ssyncset.done $0x0  }
0x1b: {  	[sflag:s16] =	ssyncadd.s32 $0xFFFF4000  }
0x1c: {  	_ =	swait.ge [sflag:s16], $0xC000  }
0x1d: {  	[sflag:s16] =	ssyncset.done $0x0  }
0x1e: {  	[sflag:s16] =	ssyncadd.s32 $0xFFFF4000  }
0x1f: {  	_ =	swait.ge [sflag:s17], $0x800  }
0x20: {  	[sflag:s17] =	ssyncset.done $0x0  }
0x21: {  	s18 =	sadd.s32 $0x1, s18;
	[sflag:s17] =	ssyncadd.s32 $0xFFFFF800  }
0x22: {  	p0 =	sne.s32 s18, s8;
	_ =	swait.ge [sflag:s17], $0x800  }
.Ltmp1:
0x23: {  	[sflag:s17] =	ssyncset.done $0x0;
	(pc) =	sbr.rel @!p0 .LBB2_8-.Ltmp1, $4  }
0x24: {  	[sflag:s17] =	ssyncadd.s32 $0xFFFFF800  }
0x25: {  	_ =	swait.ge [sflag:s17], $0x800  }
0x26: {  	[sflag:s17] =	ssyncset.done $0x0  }
0x27: {  	[sflag:s17] =	ssyncadd.s32 $0xFFFFF800  }
.LBB2_1:
0x28: {  	[tilespmem:s3], [sflag:$0x3] =	stream.linear.gather [hbm4b:s6+s3], $0x400, $0x38;
	[tilespmem:$0x1C000] =	vst v63  }
0x29: {  	_ =	swait.ge [sflag:s9], $0x400  }
0x2a: {  	[sflag:s9] =	ssyncset.done $0x0  }
0x2b: {  	[sflag:s9] =	ssyncadd.s32 $0xFFFFFC00  }
0x2c: {  	[tilespmem:s10], [sflag:$0x3] =	stream.linear.gather [hbm4b:s7+s3], $0x400, $0x38;
	[tilespmem:$0x1C000] =	vst v63  }
0x2d: {  	_ =	swait.ge [sflag:s9], $0x400  }
0x2e: {  	[sflag:s9] =	ssyncset.done $0x0  }
0x2f: {  	[sflag:s9] =	ssyncadd.s32 $0xFFFFFC00  }
0x30: {  	[tilespmem:s11], [sflag:$0x3] =	stream.linear.gather [hbm4b:s2+s3], $0x1800, $0x38;
	[tilespmem:$0x1C000] =	vst v63  }
0x31: {  	_ =	swait.ge [sflag:s9], $0x1800  }
0x32: {  	[sflag:s9] =	ssyncset.done $0x0  }
0x33: {  	[sflag:s9] =	ssyncadd.s32 $0xFFFFE800  }
0x34: {  	v0 =	vld [tilespmem:$0x0];
	_ =	sdelay $0x4  }
0x35: {  	v0 =	vxor.u32 $0x80000000, v0  }
0x36: {  	(xrf0) =	vmin.scan.msk.u32 $0xffff, v0;
	_ =	sdelay $0x5  }
0x37: {  	v0, _, _ =	vpop (xrf0)  }
0x38: {  	(v2sf) =	vpush v0, $0xF;
	_ =	sdelay $0xe  }
0x39: {  	s19 =	spop (v2sf)  }
0x3a: {  	s25 =	sxor.u32 $0x80000000, s19  }
0x3b: {  	s19 =	sand.u32 $0xFFFFFF80, s25  }
0x3c: {  	p0 =	slt.s32 s19, $0x10C580;
	s24 =	smov.u32 s19  }
0x3d: {  	s24 =	simm.s32 @!p0 $0x10C580;
	p0 =	slt.s32 s19, $0x10C280  }
0x3e: {  	s20 =	sadd.s32 s0, s24;
	s19 =	simm.s32 @!p0 $0x10C280;
	p0 =	slt.s32 s25, $0x10C880  }
0x3f: {  	[tilespmem:s14], [sflag:$0x1] =	stream.strided.gather [hbm4b:s20+s12], $0xC000, s13, s12, $0x38;
	[tilespmem:$0x1C000] =	vst v63  }
.Ltmp2:
0x40: {  	s19 =	sadd.s32 $0x300, s19;
	(pc) =	sbr.rel @!p0 .LBB2_5-.Ltmp2, $4  }
.Ltmp3:
0x41: {  	s19 =	sand.u32 $0x1FFFFF80, s19;
	(pc) =	sbr.rel @p0 .LBB2_2-.Ltmp3, $4  }
0x42: {  	s19 =	sadd.s32 s0, s19  }
0x43: {  	[tilespmem:s15], [sflag:$0x1] =	stream.strided.gather [hbm4b:s19+s12], $0xC000, s13, s12, $0x38;
	[tilespmem:$0x1C000] =	vst v63  }
0x44: {  	s21 =	simm.s32 $0x0;
	s20 =	simm.s32 $0x0;
	s19 =	simm.s32 $0x0  }
0x45: {  	_ = 	snop  }
.LBB2_3:
0x46: {  	v63 =	vmov v3  }
.LBB2_11:
0x47: {  	s26 =	sand.u32 $0xFFFFFF80, s25  }
0x48: {  	p1 =	slt.s32 s23, $0x10C580;
	p0 =	slt.s32 s26, $0x10C580;
	s24 =	smov.u32 s26  }
0x49: {  	s23 =	simm.s32 @!p1 $0x10C580;
	s24 =	simm.s32 @!p0 $0x10C580  }
0x4a: {  	p0 =	seq.s32 s24, s23  }
0x4b: {  	s22 =	sxor.u32 @!p0 $0x1, s22  }
0x4c: {  	s23 =	simm.s32 @!p0 $0x1;
	s22 =	smul.u32 @!p0 $0x30000, s22  }
0x4d: {  	s28 =	simm.s32 @!p0 $0x1800;
	_ =	swait.ge @!p0 [sflag:s23], $0xC000  }
0x4e: {  	s29 =	simm.s32 @!p0 $0x864800;
	[sflag:s23] =	ssyncset.done @!p0 $0x0;
	s22 =	sshrl.u32 @!p0 s22, $0x2  }
0x4f: {  	[sflag:s23] =	ssyncadd.s32 @!p0 $0xFFFF4000;
	s23 =	sadd.s32 @!p0 s0, s24;
	s22 =	sor.u32 @!p0 $0x800, s22  }
0x50: {  	[tilespmem:s22], [sflag:$0x1] =	stream.strided.gather @!p0 [hbm4b:s23+s28], $0xC000, s29, s28, $0x38;
	[tilespmem:$0x1C000] =	vst v63  }
0x51: {  	p0 =	slt.s32 s26, $0x10C280  }
0x52: {  	v7 =	vmov v52;
	v52 =	vld [tilespmem:$0x1FFD0];
	s26 =	simm.s32 @!p0 $0x10C280;
	p0 =	sgt.s32 s19, $0x3F  }
0x53: {  	v8 =	vmov v53;
	v53 =	vld [tilespmem:$0x1FFC0];
	p1 =	slt.s32 @!p0 s25, $0x10C880  }
0x54: {  	v6 =	vmov v11;
	v11 =	vmov v56;
	v56 =	vld [tilespmem:$0x1FFE0];
	p1 =	por p0, !p1  }
.Ltmp4:
0x55: {  	v5 =	vld [tilespmem:$0x1FFF0];
	(pc) =	sbr.rel @p1 .LBB2_4-.Ltmp4, $4  }
0x56: {  	v4 =	vmov v54;
	v54 =	vld [tilespmem:$0x1FF70];
	s31 =	sadd.s32 $0x300, s26  }
0x57: {  	v58 =	vld [tilespmem:$0x1FF80];
	s22 =	sand.u32 $0x1FFFFF80, s31  }
0x58: {  	s21 =	sor.u32 $0x800, s21;
	s20 =	sadd.s32 $0x1, s20;
	v1 =	vmov v55;
	v55 =	vld [tilespmem:$0x1FF90];
	s22 =	sadd.s32 s0, s22  }
0x59: {  	v57 =	vmov v63;
	v61 =	vld [tilespmem:$0x1FFA0];
	[tilespmem:s21], [sflag:$0x1] =	stream.strided.gather [hbm4b:s22+s12], $0xC000, s13, s12, $0x38  }
.LBB2_2:
0x5a: {  	s23 =	sadd.s32 $0x300, s24  }
0x5b: {  	p0 =	sge.s32 s25, s23  }
.Ltmp5:
0x5c: {  	_ = 	snop;
	(pc) =	sbr.rel @p0 .LBB2_3-.Ltmp5, $4  }
0x5d: {  	s22 =	sand.u32 $0x1, s20  }
0x5e: {  	_ =	swait.ge [sflag:s16], $0xC000;
	s21 =	smul.u32 $0x30000, s22  }
0x5f: {  	v3 =	vmov v57;
	v56 =	vmov v11;
	[sflag:s16] =	ssyncset.done $0x0  }
0x60: {  	v53 =	vmovc v8;
	v52 =	vmovc v7;
	v11 =	vmov v6;
	v55 =	vmov v1;
	v54 =	vmov v4;
	[sflag:s16] =	ssyncadd.s32 $0xFFFF4000;
	s21 =	sshrl.u32 s21, $0x2  }
0x61: {  	v57 =	vld [tilespmem:$0x1FF30]  }
0x62: {  	v58 =	vld [tilespmem:$0x1FF40]  }
0x63: {  	v1 =	vmov s24;
	v2 =	vmov s23;
	s24 =	sor.u32 $0x800, s21;
	v63 =	vmov v3;
	v61 =	vld [tilespmem:$0x1FF50]  }
.LBB2_10:
0x64: {  	p0 =	slt.s32 s19, $0x3F;
	s25 =	smov.u32 s19  }
0x65: {  	s25 =	simm.s32 @!p0 $0x3F  }
0x66: {  	s26 =	sshll.u32 s25, $0x4  }
0x67: {  	v4 =	vld [tilespmem:s26+$0x0];
	_ =	sdelay $0x4  }
0x68: {  	v0 =	vsub.s32 v4, v1  }
0x69: {  	vm2 =	vgt.s32 v0, $0x0  }
0x6a: {  	v0 =	vnsel vm2, $0x0, v0  }
0x6b: {  	v5 =	vmin.u32 v0, $0x2FF  }
0x6c: {  	vm3 =	vlt.s32 v4, v2;
	vm2 =	vge.s32 v4, v1;
	v0 =	vshll.u32 v5, $0x3  }
0x6d: {  	vm2 =	vmand vm2, vm3;
	v3 =	vand.u32 $0x7F, v5;
	v6 =	vand.u32 $0x1C00, v0  }
0x6e: {  	v3 =	vor.u32 v3, v6;
	_ =	sdelay $0x4  }
0x6f: {  	v7 =	vld.idx.msk [tilespmem:v3+s24+$0x0], vm2  }
0x70: {  	v8 =	vor.u32 $0x80, v3;
	_ =	sdelay $0x1  }
0x71: {  	s25 =	sshll.u32 s25, $0xB  }
0x72: {  	s25 =	sand.u32 $0x1800, s25  }
0x73: {  	v0 =	vld [tilespmem:s26+$0x400];
	[tilespmem:v54+s25+$0x18800] =	vst.idx.msk vm2, v7  }
0x74: {  	v7 =	vld.idx.msk [tilespmem:v8+s24+$0x0], vm2  }
0x75: {  	v8 =	vor.u32 $0x100, v3;
	_ =	sdelay $0x3  }
0x76: {  	[tilespmem:v55+s25+$0x18800] =	vst.idx.msk vm2, v7  }
0x77: {  	v7 =	vld.idx.msk [tilespmem:v8+s24+$0x0], vm2  }
0x78: {  	v8 =	vor.u32 $0x180, v3;
	_ =	sdelay $0x3  }
0x79: {  	[tilespmem:v11+s25+$0x18800] =	vst.idx.msk vm2, v7  }
0x7a: {  	v7 =	vld.idx.msk [tilespmem:v8+s24+$0x0], vm2  }
0x7b: {  	v8 =	vor.u32 $0x200, v3;
	_ =	sdelay $0x3  }
0x7c: {  	[tilespmem:v52+s25+$0x18800] =	vst.idx.msk vm2, v7  }
0x7d: {  	v7 =	vld.idx.msk [tilespmem:v8+s24+$0x0], vm2  }
0x7e: {  	v8 =	vor.u32 $0x280, v3;
	_ =	sdelay $0x3  }
0x7f: {  	[tilespmem:v53+s25+$0x18800] =	vst.idx.msk vm2, v7  }
0x80: {  	v7 =	vld.idx.msk [tilespmem:v8+s24+$0x0], vm2  }
0x81: {  	v8 =	vor.u32 $0x300, v3;
	_ =	sdelay $0x3  }
0x82: {  	[tilespmem:v9+s25+$0x18800] =	vst.idx.msk vm2, v7  }
0x83: {  	v5 =	vor.u32 v5, v6;
	v7 =	vld.idx.msk [tilespmem:v8+s24+$0x0], vm2  }
0x84: {  	v6 =	vor.u32 $0x380, v5;
	_ =	sdelay $0x3  }
0x85: {  	[tilespmem:v10+s25+$0x18800] =	vst.idx.msk vm2, v7  }
0x86: {  	v6 =	vld.idx.msk [tilespmem:v6+s24+$0x0], vm2  }
0x87: {  	v7 =	vadd.s32 $0x1800, v3;
	_ =	sdelay $0x3  }
0x88: {  	[tilespmem:v56+s25+$0x18800] =	vst.idx.msk vm2, v6  }
0x89: {  	v6 =	vld.idx.msk [tilespmem:v7+s24+$0x0], vm2  }
0x8a: {  	v7 =	vadd.s32 $0x1880, v3;
	_ =	sdelay $0x3  }
0x8b: {  	[tilespmem:v12+s25+$0x18800] =	vst.idx.msk vm2, v6  }
0x8c: {  	v6 =	vld.idx.msk [tilespmem:v7+s24+$0x0], vm2  }
0x8d: {  	v7 =	vadd.s32 $0x1900, v3;
	_ =	sdelay $0x3  }
0x8e: {  	[tilespmem:v13+s25+$0x18800] =	vst.idx.msk vm2, v6  }
0x8f: {  	v6 =	vld.idx.msk [tilespmem:v7+s24+$0x0], vm2  }
0x90: {  	v7 =	vadd.s32 $0x1980, v3;
	_ =	sdelay $0x3  }
0x91: {  	[tilespmem:v14+s25+$0x18800] =	vst.idx.msk vm2, v6  }
0x92: {  	v6 =	vld.idx.msk [tilespmem:v7+s24+$0x0], vm2  }
0x93: {  	v7 =	vadd.s32 $0x1A00, v3;
	_ =	sdelay $0x3  }
0x94: {  	[tilespmem:v15+s25+$0x18800] =	vst.idx.msk vm2, v6  }
0x95: {  	v6 =	vld.idx.msk [tilespmem:v7+s24+$0x0], vm2  }
0x96: {  	v7 =	vadd.s32 $0x1A80, v3;
	_ =	sdelay $0x3  }
0x97: {  	[tilespmem:v16+s25+$0x18800] =	vst.idx.msk vm2, v6  }
0x98: {  	v6 =	vld.idx.msk [tilespmem:v7+s24+$0x0], vm2  }
0x99: {  	v7 =	vadd.s32 $0x1B00, v3;
	_ =	sdelay $0x3  }
0x9a: {  	[tilespmem:v17+s25+$0x18800] =	vst.idx.msk vm2, v6  }
0x9b: {  	v6 =	vld.idx.msk [tilespmem:v7+s24+$0x0], vm2  }
0x9c: {  	v7 =	vadd.s32 $0x1B80, v3;
	_ =	sdelay $0x3  }
0x9d: {  	[tilespmem:v18+s25+$0x18800] =	vst.idx.msk vm2, v6  }
0x9e: {  	v6 =	vld.idx.msk [tilespmem:v7+s24+$0x0], vm2  }
0x9f: {  	v7 =	vadd.s32 $0x3000, v3;
	_ =	sdelay $0x3  }
0xa0: {  	[tilespmem:v19+s25+$0x18800] =	vst.idx.msk vm2, v6  }
0xa1: {  	v6 =	vld.idx.msk [tilespmem:v7+s24+$0x0], vm2  }
0xa2: {  	v7 =	vadd.s32 $0x3080, v3;
	_ =	sdelay $0x3  }
0xa3: {  	[tilespmem:v20+s25+$0x18800] =	vst.idx.msk vm2, v6  }
0xa4: {  	v6 =	vld.idx.msk [tilespmem:v7+s24+$0x0], vm2  }
0xa5: {  	v7 =	vadd.s32 $0x3100, v3;
	_ =	sdelay $0x3  }
0xa6: {  	[tilespmem:v21+s25+$0x18800] =	vst.idx.msk vm2, v6  }
0xa7: {  	v6 =	vld.idx.msk [tilespmem:v7+s24+$0x0], vm2  }
0xa8: {  	v7 =	vadd.s32 $0x3180, v3;
	_ =	sdelay $0x3  }
0xa9: {  	[tilespmem:v22+s25+$0x18800] =	vst.idx.msk vm2, v6  }
0xaa: {  	v6 =	vld.idx.msk [tilespmem:v7+s24+$0x0], vm2  }
0xab: {  	v7 =	vadd.s32 $0x3200, v3;
	_ =	sdelay $0x3  }
0xac: {  	[tilespmem:v23+s25+$0x18800] =	vst.idx.msk vm2, v6  }
0xad: {  	v6 =	vld.idx.msk [tilespmem:v7+s24+$0x0], vm2  }
0xae: {  	v7 =	vadd.s32 $0x3280, v3;
	_ =	sdelay $0x3  }
0xaf: {  	[tilespmem:v24+s25+$0x18800] =	vst.idx.msk vm2, v6  }
0xb0: {  	v6 =	vld.idx.msk [tilespmem:v7+s24+$0x0], vm2  }
0xb1: {  	v7 =	vadd.s32 $0x3300, v3;
	_ =	sdelay $0x3  }
0xb2: {  	[tilespmem:v25+s25+$0x18800] =	vst.idx.msk vm2, v6  }
0xb3: {  	v6 =	vld.idx.msk [tilespmem:v7+s24+$0x0], vm2  }
0xb4: {  	v7 =	vadd.s32 $0x3380, v3;
	_ =	sdelay $0x3  }
0xb5: {  	[tilespmem:v26+s25+$0x18800] =	vst.idx.msk vm2, v6  }
0xb6: {  	v6 =	vld.idx.msk [tilespmem:v7+s24+$0x0], vm2  }
0xb7: {  	v7 =	vadd.s32 $0x4800, v3;
	_ =	sdelay $0x3  }
0xb8: {  	[tilespmem:v27+s25+$0x18800] =	vst.idx.msk vm2, v6  }
0xb9: {  	v6 =	vld.idx.msk [tilespmem:v7+s24+$0x0], vm2  }
0xba: {  	v7 =	vadd.s32 $0x4880, v3;
	_ =	sdelay $0x3  }
0xbb: {  	[tilespmem:v28+s25+$0x18800] =	vst.idx.msk vm2, v6  }
0xbc: {  	v6 =	vld.idx.msk [tilespmem:v7+s24+$0x0], vm2  }
0xbd: {  	v7 =	vadd.s32 $0x4900, v3;
	_ =	sdelay $0x3  }
0xbe: {  	[tilespmem:v29+s25+$0x18800] =	vst.idx.msk vm2, v6  }
0xbf: {  	v6 =	vld.idx.msk [tilespmem:v7+s24+$0x0], vm2  }
0xc0: {  	v7 =	vadd.s32 $0x4980, v3;
	_ =	sdelay $0x3  }
0xc1: {  	[tilespmem:v30+s25+$0x18800] =	vst.idx.msk vm2, v6  }
0xc2: {  	v6 =	vld.idx.msk [tilespmem:v7+s24+$0x0], vm2  }
0xc3: {  	v7 =	vadd.s32 $0x4A00, v3;
	_ =	sdelay $0x3  }
0xc4: {  	[tilespmem:v31+s25+$0x18800] =	vst.idx.msk vm2, v6  }
0xc5: {  	v6 =	vld.idx.msk [tilespmem:v7+s24+$0x0], vm2  }
0xc6: {  	v7 =	vadd.s32 $0x4A80, v3;
	_ =	sdelay $0x3  }
0xc7: {  	[tilespmem:v32+s25+$0x18800] =	vst.idx.msk vm2, v6  }
0xc8: {  	v6 =	vld.idx.msk [tilespmem:v7+s24+$0x0], vm2  }
0xc9: {  	v7 =	vadd.s32 $0x4B00, v3;
	_ =	sdelay $0x3  }
0xca: {  	[tilespmem:v33+s25+$0x18800] =	vst.idx.msk vm2, v6  }
0xcb: {  	v6 =	vld.idx.msk [tilespmem:v7+s24+$0x0], vm2  }
0xcc: {  	v7 =	vadd.s32 $0x4B80, v3;
	_ =	sdelay $0x3  }
0xcd: {  	[tilespmem:v34+s25+$0x18800] =	vst.idx.msk vm2, v6  }
0xce: {  	v6 =	vld.idx.msk [tilespmem:v7+s24+$0x0], vm2  }
0xcf: {  	v7 =	vor.u32 $0x6000, v3;
	_ =	sdelay $0x3  }
0xd0: {  	[tilespmem:v35+s25+$0x18800] =	vst.idx.msk vm2, v6  }
0xd1: {  	v6 =	vld.idx.msk [tilespmem:v7+s24+$0x0], vm2  }
0xd2: {  	v7 =	vor.u32 $0x6080, v3;
	_ =	sdelay $0x3  }
0xd3: {  	[tilespmem:v36+s25+$0x18800] =	vst.idx.msk vm2, v6  }
0xd4: {  	v6 =	vld.idx.msk [tilespmem:v7+s24+$0x0], vm2  }
0xd5: {  	v7 =	vor.u32 $0x6100, v3;
	_ =	sdelay $0x3  }
0xd6: {  	[tilespmem:v37+s25+$0x18800] =	vst.idx.msk vm2, v6  }
0xd7: {  	v6 =	vld.idx.msk [tilespmem:v7+s24+$0x0], vm2  }
0xd8: {  	v7 =	vor.u32 $0x6180, v3;
	_ =	sdelay $0x3  }
0xd9: {  	[tilespmem:v38+s25+$0x18800] =	vst.idx.msk vm2, v6  }
0xda: {  	v6 =	vld.idx.msk [tilespmem:v7+s24+$0x0], vm2  }
0xdb: {  	v7 =	vor.u32 $0x6200, v3;
	_ =	sdelay $0x3  }
0xdc: {  	[tilespmem:v39+s25+$0x18800] =	vst.idx.msk vm2, v6  }
0xdd: {  	v6 =	vld.idx.msk [tilespmem:v7+s24+$0x0], vm2  }
0xde: {  	v7 =	vor.u32 $0x6280, v3;
	_ =	sdelay $0x3  }
0xdf: {  	[tilespmem:v40+s25+$0x18800] =	vst.idx.msk vm2, v6  }
0xe0: {  	v6 =	vld.idx.msk [tilespmem:v7+s24+$0x0], vm2  }
0xe1: {  	v7 =	vor.u32 $0x6300, v3;
	_ =	sdelay $0x3  }
0xe2: {  	[tilespmem:v41+s25+$0x18800] =	vst.idx.msk vm2, v6  }
0xe3: {  	v6 =	vld.idx.msk [tilespmem:v7+s24+$0x0], vm2  }
0xe4: {  	v5 =	vor.u32 $0x6380, v5;
	_ =	sdelay $0x3  }
0xe5: {  	[tilespmem:v42+s25+$0x18800] =	vst.idx.msk vm2, v6  }
0xe6: {  	v5 =	vld.idx.msk [tilespmem:v5+s24+$0x0], vm2  }
0xe7: {  	v6 =	vadd.s32 $0x7800, v3;
	_ =	sdelay $0x3  }
0xe8: {  	[tilespmem:v43+s25+$0x18800] =	vst.idx.msk vm2, v5  }
0xe9: {  	v5 =	vld.idx.msk [tilespmem:v6+s24+$0x0], vm2  }
0xea: {  	v6 =	vadd.s32 $0x7880, v3;
	_ =	sdelay $0x3  }
0xeb: {  	[tilespmem:v44+s25+$0x18800] =	vst.idx.msk vm2, v5  }
0xec: {  	v5 =	vld.idx.msk [tilespmem:v6+s24+$0x0], vm2  }
0xed: {  	v6 =	vadd.s32 $0x7900, v3;
	_ =	sdelay $0x3  }
0xee: {  	[tilespmem:v45+s25+$0x18800] =	vst.idx.msk vm2, v5  }
0xef: {  	v5 =	vld.idx.msk [tilespmem:v6+s24+$0x0], vm2  }
0xf0: {  	v6 =	vadd.s32 $0x7980, v3;
	_ =	sdelay $0x3  }
0xf1: {  	[tilespmem:v46+s25+$0x18800] =	vst.idx.msk vm2, v5  }
0xf2: {  	v5 =	vld.idx.msk [tilespmem:v6+s24+$0x0], vm2  }
0xf3: {  	v6 =	vadd.s32 $0x7A00, v3;
	_ =	sdelay $0x3  }
0xf4: {  	[tilespmem:v47+s25+$0x18800] =	vst.idx.msk vm2, v5  }
0xf5: {  	v5 =	vld.idx.msk [tilespmem:v6+s24+$0x0], vm2  }
0xf6: {  	v6 =	vadd.s32 $0x7A80, v3;
	_ =	sdelay $0x3  }
0xf7: {  	[tilespmem:v48+s25+$0x18800] =	vst.idx.msk vm2, v5  }
0xf8: {  	v5 =	vld.idx.msk [tilespmem:v6+s24+$0x0], vm2  }
0xf9: {  	v6 =	vadd.s32 $0x7B00, v3;
	_ =	sdelay $0x3  }
0xfa: {  	[tilespmem:v49+s25+$0x18800] =	vst.idx.msk vm2, v5  }
0xfb: {  	v5 =	vld.idx.msk [tilespmem:v6+s24+$0x0], vm2  }
0xfc: {  	v6 =	vadd.s32 $0x7B80, v3;
	_ =	sdelay $0x3  }
0xfd: {  	[tilespmem:v50+s25+$0x18800] =	vst.idx.msk vm2, v5  }
0xfe: {  	v5 =	vld.idx.msk [tilespmem:v6+s24+$0x0], vm2  }
0xff: {  	v6 =	vadd.s32 $0x9000, v3;
	_ =	sdelay $0x1  }
0x100: {  	v7 =	vld [tilespmem:$0x1FFD0];
	_ =	sdelay $0x1  }
0x101: {  	[tilespmem:v51+s25+$0x18800] =	vst.idx.msk vm2, v5  }
0x102: {  	v5 =	vld.idx.msk [tilespmem:v6+s24+$0x0], vm2  }
0x103: {  	v6 =	vadd.s32 $0x9080, v3;
	_ =	sdelay $0x3  }
0x104: {  	[tilespmem:v7+s25+$0x18800] =	vst.idx.msk vm2, v5  }
0x105: {  	v5 =	vld.idx.msk [tilespmem:v6+s24+$0x0], vm2  }
0x106: {  	v6 =	vadd.s32 $0x9100, v3;
	_ =	sdelay $0x1  }
0x107: {  	v7 =	vld [tilespmem:$0x1FF70];
	_ =	sdelay $0x1  }
0x108: {  	[tilespmem:v63+s25+$0x18800] =	vst.idx.msk vm2, v5  }
0x109: {  	v5 =	vld.idx.msk [tilespmem:v6+s24+$0x0], vm2;
	_ =	sdelay $0x2  }
0x10a: {  	v6 =	vadd.s32 $0x9180, v3;
	_ =	sdelay $0x1  }
0x10b: {  	[tilespmem:v7+s25+$0x18800] =	vst.idx.msk vm2, v5;
	v7 =	vld [tilespmem:$0x1FF80];
	_ =	sdelay $0x2  }
0x10c: {  	v5 =	vld.idx.msk [tilespmem:v6+s24+$0x0], vm2;
	_ =	sdelay $0x2  }
0x10d: {  	v6 =	vadd.s32 $0x9200, v3;
	_ =	sdelay $0x1  }
0x10e: {  	[tilespmem:v7+s25+$0x18800] =	vst.idx.msk vm2, v5;
	v7 =	vld [tilespmem:$0x1FF90];
	_ =	sdelay $0x2  }
0x10f: {  	v5 =	vld.idx.msk [tilespmem:v6+s24+$0x0], vm2;
	_ =	sdelay $0x2  }
0x110: {  	v6 =	vadd.s32 $0x9280, v3;
	_ =	sdelay $0x1  }
0x111: {  	[tilespmem:v7+s25+$0x18800] =	vst.idx.msk vm2, v5;
	v7 =	vld [tilespmem:$0x1FFA0];
	_ =	sdelay $0x2  }
0x112: {  	v5 =	vld.idx.msk [tilespmem:v6+s24+$0x0], vm2  }
0x113: {  	v6 =	vadd.s32 $0x9300, v3;
	_ =	sdelay $0x3  }
0x114: {  	[tilespmem:v7+s25+$0x18800] =	vst.idx.msk vm2, v5  }
0x115: {  	v5 =	vld.idx.msk [tilespmem:v6+s24+$0x0], vm2  }
0x116: {  	v6 =	vadd.s32 $0x9380, v3;
	_ =	sdelay $0x3  }
0x117: {  	[tilespmem:v57+s25+$0x18800] =	vst.idx.msk vm2, v5  }
0x118: {  	v5 =	vld.idx.msk [tilespmem:v6+s24+$0x0], vm2  }
0x119: {  	v6 =	vadd.s32 $0xA800, v3;
	_ =	sdelay $0x3  }
0x11a: {  	[tilespmem:v58+s25+$0x18800] =	vst.idx.msk vm2, v5  }
0x11b: {  	v5 =	vld.idx.msk [tilespmem:v6+s24+$0x0], vm2  }
0x11c: {  	v6 =	vadd.s32 $0xA880, v3;
	_ =	sdelay $0x1  }
0x11d: {  	v7 =	vld [tilespmem:$0x1FFC0];
	_ =	sdelay $0x1  }
0x11e: {  	[tilespmem:v61+s25+$0x18800] =	vst.idx.msk vm2, v5  }
0x11f: {  	v5 =	vld.idx.msk [tilespmem:v6+s24+$0x0], vm2  }
0x120: {  	v6 =	vadd.s32 $0xA900, v3;
	_ =	sdelay $0x3  }
0x121: {  	[tilespmem:v7+s25+$0x18800] =	vst.idx.msk vm2, v5  }
0x122: {  	v5 =	vld.idx.msk [tilespmem:v6+s24+$0x0], vm2  }
0x123: {  	v6 =	vadd.s32 $0xA980, v3;
	_ =	sdelay $0x3  }
0x124: {  	v4 =	vsel vm0, $0x0, v4;
	[tilespmem:v59+s25+$0x18800] =	vst.idx.msk vm2, v5  }
0x125: {  	(xrf0) =	vadd.scan.msk.s32 $0xffff, v4;
	v5 =	vld.idx.msk [tilespmem:v6+s24+$0x0], vm2  }
0x126: {  	v6 =	vadd.s32 $0xAA00, v3;
	_ =	sdelay $0x3  }
0x127: {  	[tilespmem:v60+s25+$0x18800] =	vst.idx.msk vm2, v5  }
0x128: {  	v4 =	vld.idx.msk [tilespmem:v6+s24+$0x0], vm2;
	v6, _, _ =	vpop (xrf0)  }
0x129: {  	(v2sf) =	vpush v6, $0xF;
	v6 =	vld [tilespmem:$0x1FFE0];
	_ =	sdelay $0x3  }
0x12a: {  	v5 =	vadd.s32 $0xAA80, v3;
	_ =	sdelay $0x3  }
0x12b: {  	[tilespmem:v6+s25+$0x18800] =	vst.idx.msk vm2, v4  }
0x12c: {  	v4 =	vld.idx.msk [tilespmem:v5+s24+$0x0], vm2  }
0x12d: {  	v5 =	vadd.s32 $0xAB00, v3;
	_ =	sdelay $0x3  }
0x12e: {  	[tilespmem:v62+s25+$0x18800] =	vst.idx.msk vm2, v4  }
0x12f: {  	v4 =	vld.idx.msk [tilespmem:v5+s24+$0x0], vm2  }
0x130: {  	v5 =	vld [tilespmem:$0x1FFF0];
	_ =	sdelay $0x5  }
0x131: {  	v3 =	vadd.s32 $0xAB80, v3;
	_ =	sdelay $0x1  }
0x132: {  	[tilespmem:v5+s25+$0x18800] =	vst.idx.msk vm2, v4;
	v4 =	vld [tilespmem:$0x1FF60];
	_ =	sdelay $0x2  }
0x133: {  	v3 =	vld.idx.msk [tilespmem:v3+s24+$0x0], vm2  }
0x134: {  	s30 =	spop (v2sf)  }
0x135: {  	p0 =	sge.s32 s30, s23  }
0x136: {  	p1 =	slt.s32 @!p0 s19, $0x3  }
0x137: {  	p1 =	por p1, p0  }
0x138: {  	s28 =	simm.s32 @!p1 $0x2;
	[tilespmem:v4+s25+$0x18800] =	vst.idx.msk vm2, v3  }
0x139: {  	_ =	swait.ge @!p1 [sflag:s28], $0x800  }
0x13a: {  	[sflag:s28] =	ssyncset.done @!p1 $0x0  }
0x13b: {  	s25 =	sadd.s32 $0x18800, s25;
	vm2 =	vmmov @!p0 $0xffff;
	[sflag:s28] =	ssyncadd.s32 @!p1 $0xFFFFF800;
	s28 =	simm.s32 @!p0 $0x0  }
0x13c: {  	[hbm4b:s5+s28] =	stream.indirect_vreg.scatter @!p0 [tilespmem:s25], [sflag:$0x2], $0x80, v0, vm2, $0xb8;
	[tilespmem:$0x1C000] =	vst v63  }
0x13d: {  	p1 =	slt.s32 s30, s23;
	s25 =	simm.s32 $0x1  }
0x13e: {  	s25 =	simm.s32 @!p1 $0x0  }
0x13f: {  	s19 =	sadd.s32 s25, s19  }
0x140: {  	p1 =	slt.s32 s19, $0x3F;
	s25 =	smov.u32 s19  }
0x141: {  	s25 =	simm.s32 @!p1 $0x3F  }
0x142: {  	s25 =	sshll.u32 s25, $0x6  }
0x143: {  	s25 =	sshra.s32 s25, $0x2  }
0x144: {  	v0 =	vld [tilespmem:s25+$0x0];
	_ =	sdelay $0x2  }
0x145: {  	s25 =	smov.u32 s23  }
0x146: {  	s25 =	simm.s32 @!p0 $0x80000001  }
0x147: {  	vm2 =	vlt.s32 v0, s25;
	v0 =	vxor.u32 $0x80000000, v0  }
0x148: {  	v0 =	vsel vm2, $0xFFFFFFFF, v0  }
0x149: {  	(xrf0) =	vmin.scan.msk.u32 $0xffff, v0;
	_ =	sdelay $0x5  }
0x14a: {  	v0, _, _ =	vpop (xrf0)  }
0x14b: {  	(v2sf) =	vpush v0, $0xF;
	_ =	sdelay $0xe  }
0x14c: {  	s31 =	spop (v2sf)  }
0x14d: {  	p0 =	sgt.s32 s19, $0x3F;
	s25 =	sxor.u32 $0x80000000, s31  }
0x14e: {  	s25 =	simm.s32 @p0 $0x7FFFFFFF  }
0x14f: {  	p0 =	slt.s32 s25, s23  }
.Ltmp6:
0x150: {  	_ = 	snop;
	(pc) =	sbr.rel @p0 .LBB2_10-.Ltmp6, $1  }
0x151: {  	_ =	sdelay $0x3  }
.Ltmp7:
0x152: {  	_ = 	snop;
	(pc) =	sbr.rel .LBB2_11-.Ltmp7, $1  }
0x153: {  	_ =	sdelay $0x3  }
.LBB2_4:
.Ltmp8:
0x154: {  	(pc) =	sbr.rel @p0 .LBB2_7-.Ltmp8, $2  }
0x155: {  	_ =	sdelay $0x2  }
0x156: {  	s21 =	smov.u32 s19  }
.LBB2_5:
0x157: {  	s19 =	sshll.u32 s21, $0x6  }
0x158: {  	s19 =	sshra.s32 s19, $0x2  }
0x159: {  	s20 =	sshll.u32 s21, $0xB;
	s22 =	sadd.s32 $0x400, s19  }
.LBB2_6:
0x15a: {  	v0 =	vld [tilespmem:s19+$0x0];
	_ =	sdelay $0x4  }
0x15b: {  	v1 =	vadd.s32 $0xFFEF3780, v0  }
0x15c: {  	vm2 =	vgt.s32 v1, $0x0  }
0x15d: {  	v1 =	vnsel vm2, $0x0, v1  }
0x15e: {  	vm2 =	vgt.s32 v0, $0x10C87F;
	v0 =	vmin.u32 v1, $0x5F  }
0x15f: {  	v1 =	vshll.u32 v0, $0x6;
	_ =	sdelay $0x4  }
0x160: {  	v2 =	vld.idx.msk [tilespmem:v1+s11+$0x0], vm2  }
0x161: {  	v3 =	vor.u32 $0x1, v1;
	_ =	sdelay $0x1  }
0x162: {  	v63 =	vld [tilespmem:$0x1FFB0]  }
0x163: {  	s23 =	sand.u32 $0x1800, s20  }
0x164: {  	v0 =	vld [tilespmem:s22+$0x0];
	[tilespmem:v4+s23+$0x18800] =	vst.idx.msk vm2, v2  }
0x165: {  	v2 =	vld.idx.msk [tilespmem:v3+s11+$0x0], vm2  }
0x166: {  	v3 =	vor.u32 $0x2, v1;
	_ =	sdelay $0x3  }
0x167: {  	[tilespmem:v63+s23+$0x18800] =	vst.idx.msk vm2, v2  }
0x168: {  	v2 =	vld.idx.msk [tilespmem:v3+s11+$0x0], vm2  }
0x169: {  	v3 =	vor.u32 $0x3, v1;
	_ =	sdelay $0x3  }
0x16a: {  	[tilespmem:v6+s23+$0x18800] =	vst.idx.msk vm2, v2  }
0x16b: {  	v2 =	vld.idx.msk [tilespmem:v3+s11+$0x0], vm2  }
0x16c: {  	v3 =	vor.u32 $0x4, v1;
	_ =	sdelay $0x3  }
0x16d: {  	[tilespmem:v7+s23+$0x18800] =	vst.idx.msk vm2, v2  }
0x16e: {  	v2 =	vld.idx.msk [tilespmem:v3+s11+$0x0], vm2  }
0x16f: {  	v3 =	vor.u32 $0x5, v1;
	_ =	sdelay $0x3  }
0x170: {  	[tilespmem:v8+s23+$0x18800] =	vst.idx.msk vm2, v2  }
0x171: {  	v2 =	vld.idx.msk [tilespmem:v3+s11+$0x0], vm2  }
0x172: {  	v3 =	vor.u32 $0x6, v1;
	_ =	sdelay $0x3  }
0x173: {  	[tilespmem:v9+s23+$0x18800] =	vst.idx.msk vm2, v2  }
0x174: {  	v2 =	vld.idx.msk [tilespmem:v3+s11+$0x0], vm2  }
0x175: {  	v3 =	vor.u32 $0x7, v1;
	_ =	sdelay $0x3  }
0x176: {  	[tilespmem:v10+s23+$0x18800] =	vst.idx.msk vm2, v2  }
0x177: {  	v2 =	vld.idx.msk [tilespmem:v3+s11+$0x0], vm2  }
0x178: {  	v3 =	vor.u32 $0x8, v1;
	_ =	sdelay $0x3  }
0x179: {  	[tilespmem:v11+s23+$0x18800] =	vst.idx.msk vm2, v2  }
0x17a: {  	v2 =	vld.idx.msk [tilespmem:v3+s11+$0x0], vm2  }
0x17b: {  	v3 =	vor.u32 $0x9, v1;
	_ =	sdelay $0x3  }
0x17c: {  	[tilespmem:v12+s23+$0x18800] =	vst.idx.msk vm2, v2  }
0x17d: {  	v2 =	vld.idx.msk [tilespmem:v3+s11+$0x0], vm2  }
0x17e: {  	v3 =	vor.u32 $0xA, v1;
	_ =	sdelay $0x3  }
0x17f: {  	[tilespmem:v13+s23+$0x18800] =	vst.idx.msk vm2, v2  }
0x180: {  	v2 =	vld.idx.msk [tilespmem:v3+s11+$0x0], vm2  }
0x181: {  	v3 =	vor.u32 $0xB, v1;
	_ =	sdelay $0x3  }
0x182: {  	[tilespmem:v14+s23+$0x18800] =	vst.idx.msk vm2, v2  }
0x183: {  	v2 =	vld.idx.msk [tilespmem:v3+s11+$0x0], vm2  }
0x184: {  	v3 =	vor.u32 $0xC, v1;
	_ =	sdelay $0x3  }
0x185: {  	[tilespmem:v15+s23+$0x18800] =	vst.idx.msk vm2, v2  }
0x186: {  	v2 =	vld.idx.msk [tilespmem:v3+s11+$0x0], vm2  }
0x187: {  	v3 =	vor.u32 $0xD, v1;
	_ =	sdelay $0x3  }
0x188: {  	[tilespmem:v16+s23+$0x18800] =	vst.idx.msk vm2, v2  }
0x189: {  	v2 =	vld.idx.msk [tilespmem:v3+s11+$0x0], vm2  }
0x18a: {  	v3 =	vor.u32 $0xE, v1;
	_ =	sdelay $0x3  }
0x18b: {  	[tilespmem:v17+s23+$0x18800] =	vst.idx.msk vm2, v2  }
0x18c: {  	v2 =	vld.idx.msk [tilespmem:v3+s11+$0x0], vm2  }
0x18d: {  	v3 =	vor.u32 $0xF, v1;
	_ =	sdelay $0x3  }
0x18e: {  	[tilespmem:v18+s23+$0x18800] =	vst.idx.msk vm2, v2  }
0x18f: {  	v2 =	vld.idx.msk [tilespmem:v3+s11+$0x0], vm2  }
0x190: {  	v3 =	vor.u32 $0x10, v1;
	_ =	sdelay $0x3  }
0x191: {  	[tilespmem:v19+s23+$0x18800] =	vst.idx.msk vm2, v2  }
0x192: {  	v2 =	vld.idx.msk [tilespmem:v3+s11+$0x0], vm2  }
0x193: {  	v3 =	vor.u32 $0x11, v1;
	_ =	sdelay $0x3  }
0x194: {  	[tilespmem:v20+s23+$0x18800] =	vst.idx.msk vm2, v2  }
0x195: {  	v2 =	vld.idx.msk [tilespmem:v3+s11+$0x0], vm2  }
0x196: {  	v3 =	vor.u32 $0x12, v1;
	_ =	sdelay $0x3  }
0x197: {  	[tilespmem:v21+s23+$0x18800] =	vst.idx.msk vm2, v2  }
0x198: {  	v2 =	vld.idx.msk [tilespmem:v3+s11+$0x0], vm2  }
0x199: {  	v3 =	vor.u32 $0x13, v1;
	_ =	sdelay $0x3  }
0x19a: {  	[tilespmem:v22+s23+$0x18800] =	vst.idx.msk vm2, v2  }
0x19b: {  	v2 =	vld.idx.msk [tilespmem:v3+s11+$0x0], vm2  }
0x19c: {  	v3 =	vor.u32 $0x14, v1;
	_ =	sdelay $0x3  }
0x19d: {  	[tilespmem:v23+s23+$0x18800] =	vst.idx.msk vm2, v2  }
0x19e: {  	v2 =	vld.idx.msk [tilespmem:v3+s11+$0x0], vm2  }
0x19f: {  	v3 =	vor.u32 $0x15, v1;
	_ =	sdelay $0x3  }
0x1a0: {  	[tilespmem:v24+s23+$0x18800] =	vst.idx.msk vm2, v2  }
0x1a1: {  	v2 =	vld.idx.msk [tilespmem:v3+s11+$0x0], vm2  }
0x1a2: {  	v3 =	vor.u32 $0x16, v1;
	_ =	sdelay $0x3  }
0x1a3: {  	[tilespmem:v25+s23+$0x18800] =	vst.idx.msk vm2, v2  }
0x1a4: {  	v2 =	vld.idx.msk [tilespmem:v3+s11+$0x0], vm2  }
0x1a5: {  	v3 =	vor.u32 $0x17, v1;
	_ =	sdelay $0x3  }
0x1a6: {  	[tilespmem:v26+s23+$0x18800] =	vst.idx.msk vm2, v2  }
0x1a7: {  	v2 =	vld.idx.msk [tilespmem:v3+s11+$0x0], vm2  }
0x1a8: {  	v3 =	vor.u32 $0x18, v1;
	_ =	sdelay $0x3  }
0x1a9: {  	[tilespmem:v27+s23+$0x18800] =	vst.idx.msk vm2, v2  }
0x1aa: {  	v2 =	vld.idx.msk [tilespmem:v3+s11+$0x0], vm2  }
0x1ab: {  	v3 =	vor.u32 $0x19, v1;
	_ =	sdelay $0x3  }
0x1ac: {  	[tilespmem:v28+s23+$0x18800] =	vst.idx.msk vm2, v2  }
0x1ad: {  	v2 =	vld.idx.msk [tilespmem:v3+s11+$0x0], vm2  }
0x1ae: {  	v3 =	vor.u32 $0x1A, v1;
	_ =	sdelay $0x3  }
0x1af: {  	[tilespmem:v29+s23+$0x18800] =	vst.idx.msk vm2, v2  }
0x1b0: {  	v2 =	vld.idx.msk [tilespmem:v3+s11+$0x0], vm2  }
0x1b1: {  	v3 =	vor.u32 $0x1B, v1;
	_ =	sdelay $0x3  }
0x1b2: {  	[tilespmem:v30+s23+$0x18800] =	vst.idx.msk vm2, v2  }
0x1b3: {  	v2 =	vld.idx.msk [tilespmem:v3+s11+$0x0], vm2  }
0x1b4: {  	v3 =	vor.u32 $0x1C, v1;
	_ =	sdelay $0x3  }
0x1b5: {  	[tilespmem:v31+s23+$0x18800] =	vst.idx.msk vm2, v2  }
0x1b6: {  	v2 =	vld.idx.msk [tilespmem:v3+s11+$0x0], vm2  }
0x1b7: {  	v3 =	vor.u32 $0x1D, v1;
	_ =	sdelay $0x3  }
0x1b8: {  	[tilespmem:v32+s23+$0x18800] =	vst.idx.msk vm2, v2  }
0x1b9: {  	v2 =	vld.idx.msk [tilespmem:v3+s11+$0x0], vm2  }
0x1ba: {  	v3 =	vor.u32 $0x1E, v1;
	_ =	sdelay $0x3  }
0x1bb: {  	[tilespmem:v33+s23+$0x18800] =	vst.idx.msk vm2, v2  }
0x1bc: {  	v2 =	vld.idx.msk [tilespmem:v3+s11+$0x0], vm2  }
0x1bd: {  	v3 =	vor.u32 $0x1F, v1;
	_ =	sdelay $0x3  }
0x1be: {  	[tilespmem:v34+s23+$0x18800] =	vst.idx.msk vm2, v2  }
0x1bf: {  	v2 =	vld.idx.msk [tilespmem:v3+s11+$0x0], vm2  }
0x1c0: {  	v3 =	vor.u32 $0x20, v1;
	_ =	sdelay $0x3  }
0x1c1: {  	[tilespmem:v35+s23+$0x18800] =	vst.idx.msk vm2, v2  }
0x1c2: {  	v2 =	vld.idx.msk [tilespmem:v3+s11+$0x0], vm2  }
0x1c3: {  	v3 =	vor.u32 $0x21, v1;
	_ =	sdelay $0x3  }
0x1c4: {  	[tilespmem:v36+s23+$0x18800] =	vst.idx.msk vm2, v2  }
0x1c5: {  	v2 =	vld.idx.msk [tilespmem:v3+s11+$0x0], vm2  }
0x1c6: {  	v3 =	vor.u32 $0x22, v1;
	_ =	sdelay $0x3  }
0x1c7: {  	[tilespmem:v37+s23+$0x18800] =	vst.idx.msk vm2, v2  }
0x1c8: {  	v2 =	vld.idx.msk [tilespmem:v3+s11+$0x0], vm2  }
0x1c9: {  	v3 =	vor.u32 $0x23, v1;
	_ =	sdelay $0x3  }
0x1ca: {  	[tilespmem:v38+s23+$0x18800] =	vst.idx.msk vm2, v2  }
0x1cb: {  	v2 =	vld.idx.msk [tilespmem:v3+s11+$0x0], vm2  }
0x1cc: {  	v3 =	vor.u32 $0x24, v1;
	_ =	sdelay $0x3  }
0x1cd: {  	[tilespmem:v39+s23+$0x18800] =	vst.idx.msk vm2, v2  }
0x1ce: {  	v2 =	vld.idx.msk [tilespmem:v3+s11+$0x0], vm2  }
0x1cf: {  	v3 =	vor.u32 $0x25, v1;
	_ =	sdelay $0x3  }
0x1d0: {  	[tilespmem:v40+s23+$0x18800] =	vst.idx.msk vm2, v2  }
0x1d1: {  	v2 =	vld.idx.msk [tilespmem:v3+s11+$0x0], vm2  }
0x1d2: {  	v3 =	vor.u32 $0x26, v1;
	_ =	sdelay $0x3  }
0x1d3: {  	[tilespmem:v41+s23+$0x18800] =	vst.idx.msk vm2, v2  }
0x1d4: {  	v2 =	vld.idx.msk [tilespmem:v3+s11+$0x0], vm2  }
0x1d5: {  	v3 =	vor.u32 $0x27, v1;
	_ =	sdelay $0x3  }
0x1d6: {  	[tilespmem:v42+s23+$0x18800] =	vst.idx.msk vm2, v2  }
0x1d7: {  	v2 =	vld.idx.msk [tilespmem:v3+s11+$0x0], vm2  }
0x1d8: {  	v3 =	vor.u32 $0x28, v1;
	_ =	sdelay $0x3  }
0x1d9: {  	[tilespmem:v43+s23+$0x18800] =	vst.idx.msk vm2, v2  }
0x1da: {  	v2 =	vld.idx.msk [tilespmem:v3+s11+$0x0], vm2  }
0x1db: {  	v3 =	vor.u32 $0x29, v1;
	_ =	sdelay $0x3  }
0x1dc: {  	[tilespmem:v44+s23+$0x18800] =	vst.idx.msk vm2, v2  }
0x1dd: {  	v2 =	vld.idx.msk [tilespmem:v3+s11+$0x0], vm2  }
0x1de: {  	v3 =	vor.u32 $0x2A, v1;
	_ =	sdelay $0x3  }
0x1df: {  	[tilespmem:v45+s23+$0x18800] =	vst.idx.msk vm2, v2  }
0x1e0: {  	v2 =	vld.idx.msk [tilespmem:v3+s11+$0x0], vm2  }
0x1e1: {  	v3 =	vor.u32 $0x2B, v1;
	_ =	sdelay $0x3  }
0x1e2: {  	[tilespmem:v46+s23+$0x18800] =	vst.idx.msk vm2, v2  }
0x1e3: {  	v2 =	vld.idx.msk [tilespmem:v3+s11+$0x0], vm2  }
0x1e4: {  	v3 =	vor.u32 $0x2C, v1;
	_ =	sdelay $0x3  }
0x1e5: {  	[tilespmem:v47+s23+$0x18800] =	vst.idx.msk vm2, v2  }
0x1e6: {  	v2 =	vld.idx.msk [tilespmem:v3+s11+$0x0], vm2  }
0x1e7: {  	v3 =	vor.u32 $0x2D, v1;
	_ =	sdelay $0x3  }
0x1e8: {  	[tilespmem:v48+s23+$0x18800] =	vst.idx.msk vm2, v2  }
0x1e9: {  	v2 =	vld.idx.msk [tilespmem:v3+s11+$0x0], vm2  }
0x1ea: {  	v3 =	vor.u32 $0x2E, v1;
	_ =	sdelay $0x3  }
0x1eb: {  	[tilespmem:v49+s23+$0x18800] =	vst.idx.msk vm2, v2  }
0x1ec: {  	v2 =	vld.idx.msk [tilespmem:v3+s11+$0x0], vm2  }
0x1ed: {  	v3 =	vor.u32 $0x2F, v1;
	_ =	sdelay $0x3  }
0x1ee: {  	[tilespmem:v50+s23+$0x18800] =	vst.idx.msk vm2, v2  }
0x1ef: {  	v2 =	vld.idx.msk [tilespmem:v3+s11+$0x0], vm2  }
0x1f0: {  	v3 =	vor.u32 $0x30, v1;
	_ =	sdelay $0x3  }
0x1f1: {  	[tilespmem:v51+s23+$0x18800] =	vst.idx.msk vm2, v2  }
0x1f2: {  	v2 =	vld.idx.msk [tilespmem:v3+s11+$0x0], vm2  }
0x1f3: {  	v3 =	vor.u32 $0x31, v1;
	_ =	sdelay $0x3  }
0x1f4: {  	[tilespmem:v52+s23+$0x18800] =	vst.idx.msk vm2, v2  }
0x1f5: {  	v2 =	vld.idx.msk [tilespmem:v3+s11+$0x0], vm2  }
0x1f6: {  	v3 =	vor.u32 $0x32, v1;
	_ =	sdelay $0x3  }
0x1f7: {  	[tilespmem:v57+s23+$0x18800] =	vst.idx.msk vm2, v2  }
0x1f8: {  	v2 =	vld.idx.msk [tilespmem:v3+s11+$0x0], vm2  }
0x1f9: {  	v3 =	vor.u32 $0x33, v1;
	_ =	sdelay $0x3  }
0x1fa: {  	[tilespmem:v54+s23+$0x18800] =	vst.idx.msk vm2, v2  }
0x1fb: {  	v2 =	vld.idx.msk [tilespmem:v3+s11+$0x0], vm2  }
0x1fc: {  	v3 =	vor.u32 $0x34, v1;
	_ =	sdelay $0x3  }
0x1fd: {  	[tilespmem:v58+s23+$0x18800] =	vst.idx.msk vm2, v2  }
0x1fe: {  	v2 =	vld.idx.msk [tilespmem:v3+s11+$0x0], vm2  }
0x1ff: {  	v3 =	vor.u32 $0x35, v1;
	_ =	sdelay $0x3  }
0x200: {  	[tilespmem:v55+s23+$0x18800] =	vst.idx.msk vm2, v2  }
0x201: {  	v2 =	vld.idx.msk [tilespmem:v3+s11+$0x0], vm2  }
0x202: {  	v3 =	vor.u32 $0x36, v1;
	_ =	sdelay $0x1  }
0x203: {  	v63 =	vld [tilespmem:$0x1FF30];
	_ =	sdelay $0x1  }
0x204: {  	[tilespmem:v61+s23+$0x18800] =	vst.idx.msk vm2, v2  }
0x205: {  	v2 =	vld.idx.msk [tilespmem:v3+s11+$0x0], vm2;
	_ =	sdelay $0x2  }
0x206: {  	v3 =	vor.u32 $0x37, v1;
	_ =	sdelay $0x1  }
0x207: {  	[tilespmem:v63+s23+$0x18800] =	vst.idx.msk vm2, v2;
	v63 =	vld [tilespmem:$0x1FF40];
	_ =	sdelay $0x2  }
0x208: {  	v2 =	vld.idx.msk [tilespmem:v3+s11+$0x0], vm2;
	_ =	sdelay $0x2  }
0x209: {  	v3 =	vor.u32 $0x38, v1;
	_ =	sdelay $0x1  }
0x20a: {  	[tilespmem:v63+s23+$0x18800] =	vst.idx.msk vm2, v2;
	v63 =	vld [tilespmem:$0x1FF50];
	_ =	sdelay $0x2  }
0x20b: {  	v2 =	vld.idx.msk [tilespmem:v3+s11+$0x0], vm2  }
0x20c: {  	v3 =	vor.u32 $0x39, v1;
	_ =	sdelay $0x3  }
0x20d: {  	[tilespmem:v63+s23+$0x18800] =	vst.idx.msk vm2, v2  }
0x20e: {  	v2 =	vld.idx.msk [tilespmem:v3+s11+$0x0], vm2  }
0x20f: {  	v3 =	vor.u32 $0x3A, v1;
	_ =	sdelay $0x3  }
0x210: {  	[tilespmem:v53+s23+$0x18800] =	vst.idx.msk vm2, v2  }
0x211: {  	v2 =	vld.idx.msk [tilespmem:v3+s11+$0x0], vm2  }
0x212: {  	v3 =	vor.u32 $0x3B, v1;
	_ =	sdelay $0x3  }
0x213: {  	[tilespmem:v59+s23+$0x18800] =	vst.idx.msk vm2, v2  }
0x214: {  	v2 =	vld.idx.msk [tilespmem:v3+s11+$0x0], vm2  }
0x215: {  	v3 =	vor.u32 $0x3C, v1;
	_ =	sdelay $0x3  }
0x216: {  	[tilespmem:v60+s23+$0x18800] =	vst.idx.msk vm2, v2  }
0x217: {  	v2 =	vld.idx.msk [tilespmem:v3+s11+$0x0], vm2  }
0x218: {  	v3 =	vor.u32 $0x3D, v1;
	_ =	sdelay $0x3  }
0x219: {  	[tilespmem:v56+s23+$0x18800] =	vst.idx.msk vm2, v2  }
0x21a: {  	v2 =	vld.idx.msk [tilespmem:v3+s11+$0x0], vm2  }
0x21b: {  	v3 =	vor.u32 $0x3E, v1;
	_ =	sdelay $0x3  }
0x21c: {  	[tilespmem:v62+s23+$0x18800] =	vst.idx.msk vm2, v2  }
0x21d: {  	v2 =	vld.idx.msk [tilespmem:v3+s11+$0x0], vm2;
	_ =	sdelay $0x2  }
0x21e: {  	v1 =	vor.u32 $0x3F, v1;
	_ =	sdelay $0x1  }
0x21f: {  	[tilespmem:v5+s23+$0x18800] =	vst.idx.msk vm2, v2;
	v2 =	vld [tilespmem:$0x1FF60];
	_ =	sdelay $0x2  }
0x220: {  	v1 =	vld.idx.msk [tilespmem:v1+s11+$0x0], vm2;
	_ =	sdelay $0x3  }
0x221: {  	p0 =	slt.s32 s21, $0x3  }
0x222: {  	s24 =	simm.s32 @!p0 $0x2;
	[tilespmem:v2+s23+$0x18800] =	vst.idx.msk vm2, v1  }
0x223: {  	v1 =	vld [tilespmem:$0x1FFB0];
	_ =	swait.ge @!p0 [sflag:s24], $0x800  }
0x224: {  	s21 =	sadd.s32 $0x1, s21;
	[sflag:s24] =	ssyncset.done @!p0 $0x0  }
0x225: {  	[sflag:s24] =	ssyncadd.s32 @!p0 $0xFFFFF800;
	p0 =	sne.s32 s21, $0x40  }
.Ltmp9:
0x226: {  	_ = 	snop;
	(pc) =	sbr.rel @p0 .LBB2_6-.Ltmp9, $4  }
0x227: {  	_ = 	snop  }
0x228: {  	s20 =	sadd.s32 $0x800, s20  }
0x229: {  	s19 =	sadd.s32 $0x10, s19;
	s22 =	sadd.s32 $0x10, s22;
	s23 =	sadd.s32 $0x18800, s23  }
0x22a: {  	[hbm4b:s5+s3] =	stream.indirect_vreg.scatter [tilespmem:s23], [sflag:$0x2], $0x80, v0, vm1, $0xb8;
	[tilespmem:$0x1C000] =	vst v63  }
.Ltmp10:
0x22b: {  	_ = 	snop;
	(pc) =	sbr.rel .LBB2_7-.Ltmp10, $1  }
0x22c: {  	_ =	sdelay $0x3  }
.LBB2_8:
0x22d: {  	_ =	sfence.sel $0x180000  }
0x22e: {  	[bflag:$0x0] =	sbarrier.arrive $0xFFFF  }
0x22f: {  	p0 =	sne.s32 s4, $0x0;
	_ =	strace $0x90000047  }
0x230: {  	s0 =	sadd.s32 @!p0 $0x100000, s1;
	[bflag:$0x2] =	sbarrier.arrive $0xFFFF  }
0x231: {  	[sflag:s0] =	ssyncadd.tile.s32 @!p0 $0x1;
	_ =	shalt  }
.Lfunc_end2:
_tile_overlayer_lowered:
.L_overlay_start_2:
0x232: {  	(tag) =	ssettag $0x2  }
0x233: {  	s0 =	rddreg [dreg:$0x0];
	s2 =	stileid.u32  }
0x234: {  	s1 =	rddreg [dreg:$0x1];
	p0 =	sne.s32 s2, $0x0  }
0x235: {  	s3 =	rddreg [dreg:$0x2];
	[bflag:$0x3] =	sbarrier.arrive $0xFFFF;
	s2 =	simm.s32 @!p0 $0x1C03  }
0x236: {  	[timem:s3], [sflag:s2] =	dma.local @!p0 [hbm:s0], s1  }
0x237: {  	s0 =	simm.s32 @!p0 $0x3  }
0x238: {  	_ =	swait.ge @!p0 [sflag:s0], s1  }
0x239: {  	s1 =	ssub.s32 @!p0 $0x0, s1;
	[sflag:s0] =	ssyncset.done @!p0 $0x0  }
0x23a: {  	[sflag:s0] =	ssyncadd.s32 @!p0 s1  }
0x23b: {  	[bflag:$0x3] =	sbarrier.arrive $0xFFFF  }
0x23c: {  	_ =	shalt  }

</sc_bundles>
